<compile_context>
chip_gen: v7x
topology: tpu7x:2x2x1
jax: 0.10.2.dev20260603
libtpu: 0.0.44.dev20260713+nightly
codegen_flags: <defaults>
</compile_context>

<pallas_src>
import functools

import jax
import jax.numpy as jnp
from jax import lax
from jax.experimental import pallas as pl
from jax.experimental.pallas import tpu as pltpu
from jax.experimental.pallas import tpu_sc as plsc

N = 10000
D = 128
E = 320000

NC = 2
NS = 16
NW = NC * NS
CHUNK = 128
NCHT = E // CHUNK
CH = 80
GP = 4
NG = CH // GP
NACC = 10240
PT = NACC // NS
DW = 16


@functools.lru_cache(maxsize=None)
def _make_sc_agg(with_deg):
    mesh = plsc.VectorSubcoreMesh(core_axis_name="c", subcore_axis_name="s")

    out_type = [jax.ShapeDtypeStruct((NC, NACC, D), jnp.float32)]
    scratch = [
        pltpu.VMEM_SHARED((NACC, D), jnp.float32),
        pltpu.VMEM((2 * GP, 2, CHUNK), jnp.int32),
        pltpu.VMEM((CHUNK, D), jnp.float32),
        pltpu.VMEM((CHUNK, D), jnp.float32),
        pltpu.SemaphoreType.DMA,
        pltpu.SemaphoreType.DMA,
        pltpu.SemaphoreType.DMA,
    ]
    if with_deg:
        out_type.append(jax.ShapeDtypeStruct((NC, NACC, DW), jnp.float32))
        scratch.append(pltpu.VMEM_SHARED((NACC, DW), jnp.float32))
        scratch.append(pltpu.VMEM((CHUNK, DW), jnp.float32))

    @functools.partial(
        pl.kernel,
        out_type=out_type,
        mesh=mesh,
        scratch_types=scratch,
        compiler_params=pltpu.CompilerParams(use_tc_tiling_on_sc=False),
    )
    def sc_agg(table, esd, *rest):
        if with_deg:
            (parts, degp, acc, ring, buf0, buf1,
             gsem0, gsem1, isem, dacc, onesb) = rest
        else:
            (parts, acc, ring, buf0, buf1, gsem0, gsem1, isem) = rest
        c = lax.axis_index("c")
        s = lax.axis_index("s")
        wid = s * NC + c
        cb = wid * CH
        ngw = jnp.where(wid == NW - 1, (NCHT - (NW - 1) * CH) // GP, NG)

        @pl.loop(0, CHUNK)
        def _(r):
            for cp in range(D // 16):
                buf0[r, pl.ds(cp * 16, 16)] = jnp.zeros((16,), jnp.float32)
            if with_deg:
                onesb[r, pl.ds(0, 16)] = jnp.zeros((16,), jnp.float32)

        off = 0
        while off < PT:
            sz = min(CHUNK, PT - off)
            pltpu.sync_copy(buf0.at[pl.ds(0, sz)],
                            acc.at[pl.ds(s * PT + off, sz)])
            if with_deg:
                pltpu.sync_copy(onesb.at[pl.ds(0, sz)],
                                dacc.at[pl.ds(s * PT + off, sz)])
            off += sz

        if with_deg:
            @pl.loop(0, CHUNK)
            def _(r):
                onesb[r, pl.ds(0, 16)] = jnp.ones((16,), jnp.float32)

        pltpu.sync_copy(esd.at[pl.ds(cb, GP)], ring.at[pl.ds(0, GP)])
        pltpu.async_copy(esd.at[pl.ds(cb + GP, GP)], ring.at[pl.ds(GP, GP)],
                         isem)
        plsc.subcore_barrier()

        pltpu.async_copy(table.at[ring.at[0, 0]], buf0, gsem0)
        pltpu.async_copy(table.at[ring.at[1, 0]], buf1, gsem1)

        @pl.loop(0, NG)
        def _(g):
            @pl.when(g < ngw)
            def _():
                base = lax.rem(g, 2) * GP
                nbase = lax.rem(g + 1, 2) * GP

                @pl.when(g < ngw - 1)
                def _():
                    pltpu.make_async_copy(esd.at[pl.ds(cb, GP)],
                                          ring.at[pl.ds(0, GP)], isem).wait()

                for k in range(GP):
                    buf, gsem = (buf0, gsem0) if k % 2 == 0 else (buf1, gsem1)
                    pltpu.make_async_copy(table.at[ring.at[0, 0]], buf,
                                          gsem).wait()
                    pltpu.sync_copy(buf, acc.at[ring.at[base + k, 1]],
                                    add=True)
                    if with_deg:
                        pltpu.sync_copy(onesb, dacc.at[ring.at[base + k, 1]],
                                        add=True)
                    if k < 2:
                        pltpu.async_copy(table.at[ring.at[base + k + 2, 0]],
                                         buf, gsem)
                    else:
                        @pl.when(g < ngw - 1)
                        def _():
                            pltpu.async_copy(
                                table.at[ring.at[nbase + k - 2, 0]], buf,
                                gsem)

                @pl.when(g < ngw - 2)
                def _():
                    pltpu.async_copy(esd.at[pl.ds(cb + (g + 2) * GP, GP)],
                                     ring.at[pl.ds(base, GP)], isem)

        plsc.subcore_barrier()
        pltpu.sync_copy(acc.at[pl.ds(s * PT, PT)],
                        parts.at[c].at[pl.ds(s * PT, PT)])
        if with_deg:
            pltpu.sync_copy(dacc.at[pl.ds(s * PT, PT)],
                            degp.at[c].at[pl.ds(s * PT, PT)])

    return sc_agg


def _xside_body(x, w, b, out_ref):
    out_ref[...] = lax.dot_general(
        x[...], w[...], (((1,), (1,)), ((), ())),
        preferred_element_type=jnp.float32,
        precision=lax.Precision.HIGHEST) + b[...]


_DNT = (((1,), (1,)), ((), ()))
_DN = (((1,), (0,)), ((), ()))


def _combine0_body(p, d, dsel, wl, zr, h_ref, rdeg_ref):
    ps = p[0] + p[1]
    zl = lax.dot_general(ps, wl[...], _DNT,
                         preferred_element_type=jnp.float32,
                         precision=lax.Precision.HIGHEST)
    dsum = d[0] + d[1]
    degb = lax.dot_general(dsum, dsel[...], _DN,
                           preferred_element_type=jnp.float32,
                           precision=lax.Precision.HIGHEST)
    rdeg = 1.0 / jnp.maximum(degb, 1.0)
    z = zl * rdeg + zr[...]
    sig = 1.0 / (1.0 + jnp.exp(-z))
    h_ref[...] = z * (0.5 + 0.5 * sig)
    rdeg_ref[...] = rdeg


def _combine1_body(p, rdeg, wl, zr, out_ref):
    ps = p[0] + p[1]
    zl = lax.dot_general(ps, wl[...], _DNT,
                         preferred_element_type=jnp.float32,
                         precision=lax.Precision.HIGHEST)
    out_ref[...] = zl * rdeg[...] + zr[...]


_RB = 2048
_GRID = NACC // _RB


def _row_spec(width):
    return pl.BlockSpec((_RB, width), lambda i: (i, 0))


def _full_spec(shape):
    return pl.BlockSpec(shape, lambda i: tuple(0 for _ in shape))


def _xside(x, w, b):
    return pl.pallas_call(
        _xside_body,
        grid=(_GRID,),
        in_specs=[_row_spec(D), _full_spec((D, D)), _full_spec((1, D))],
        out_specs=_row_spec(D),
        out_shape=jax.ShapeDtypeStruct((N, D), jnp.float32),
    )(x, w, b)


def _pair_spec(rows, width):
    return pl.BlockSpec((NC, rows, width), lambda i: (0, i, 0))


def _combine0(p, dflat, dsel, wl, zr):
    return pl.pallas_call(
        _combine0_body,
        grid=(_GRID,),
        in_specs=[
            _pair_spec(_RB, D), _pair_spec(_RB, DW),
            _full_spec((DW, D)), _full_spec((D, D)), _row_spec(D),
        ],
        out_specs=[_row_spec(D), _row_spec(D)],
        out_shape=[jax.ShapeDtypeStruct((N, D), jnp.float32),
                   jax.ShapeDtypeStruct((N, D), jnp.float32)],
    )(p, dflat, dsel, wl, zr)


def _combine1(p, rdeg, wl, zr):
    return pl.pallas_call(
        _combine1_body,
        grid=(_GRID,),
        in_specs=[
            _pair_spec(_RB, D), _row_spec(D),
            _full_spec((D, D)), _row_spec(D),
        ],
        out_specs=_row_spec(D),
        out_shape=jax.ShapeDtypeStruct((N, D), jnp.float32),
    )(p, rdeg, wl, zr)


def kernel(x, edge_index, W_l0, b_l0, W_r0, W_l1, b_l1, W_r1):
    esd = jnp.transpose(edge_index.reshape(2, NCHT, CHUNK), (1, 0, 2))

    parts0, degp = _make_sc_agg(True)(x, esd)
    zr0 = _xside(x, W_r0, b_l0.reshape(1, D))

    dsel = jnp.full((DW, D), 1.0 / DW, jnp.float32)
    h0, rdeg = _combine0(parts0, degp, dsel, W_l0, zr0)

    parts1, = _make_sc_agg(False)(h0, esd)
    zr1 = _xside(h0, W_r1, b_l1.reshape(1, D))

    return _combine1(parts1, rdeg, W_l1, zr1)

# --- scband reference (transcript-rebuilt; emitter-appended) ---
"""Pipeline reference for scband-mix-sage-14697378087217 (READ-ONLY COPY).

The authoritative reference and input builder live on the scoring server;
editing this copy changes nothing except your own understanding.
"""

import jax, jax.numpy as jnp
import numpy as np

N = 10000
E = 320000
D = 128

def setup_inputs(seed: int = 0) -> dict:
    key = jax.random.key(seed)
    ks = jax.random.split(key, 10)
    x = jax.random.normal(ks[0], (N, D), dtype=jnp.float32)
    edge_index = jax.random.randint(ks[1], (2, E), 0, N, dtype=jnp.int32)
    s = 1.0 / np.sqrt(D)
    W_l0 = jax.random.uniform(ks[2], (D, D), dtype=jnp.float32, minval=-s, maxval=s)
    b_l0 = jax.random.uniform(ks[3], (D,), dtype=jnp.float32, minval=-s, maxval=s)
    W_r0 = jax.random.uniform(ks[4], (D, D), dtype=jnp.float32, minval=-s, maxval=s)
    W_l1 = jax.random.uniform(ks[5], (D, D), dtype=jnp.float32, minval=-s, maxval=s)
    b_l1 = jax.random.uniform(ks[6], (D,), dtype=jnp.float32, minval=-s, maxval=s)
    W_r1 = jax.random.uniform(ks[7], (D, D), dtype=jnp.float32, minval=-s, maxval=s)
    return {"x": x, "edge_index": edge_index, "W_l0": W_l0, "b_l0": b_l0, "W_r0": W_r0, "W_l1": W_l1, "b_l1": b_l1, "W_r1": W_r1}

def _sage_conv(x, src, dst, W_l, b_l, W_r):
    n = x.shape[0]
    msgs = jnp.take(x, src, axis=0)
    agg = jax.ops.segment_sum(msgs, dst, num_segments=n)
    deg = jax.ops.segment_sum(jnp.ones((src.shape[0],), dtype=x.dtype), dst, num_segments=n)
    agg = agg / jnp.clip(deg, 1.0, None)[:, None]
    return agg @ W_l.T + b_l + x @ W_r.T

def _swish(z):
    return z * jax.nn.sigmoid(z)

def reference(x, edge_index, W_l0, b_l0, W_r0, W_l1, b_l1, W_r1):
    src = edge_index[0]
    dst = edge_index[1]
    beta = 0.5
    C = 1.0
    # Layer 0: dropout(p=0) is identity; Swish activation mix
    z0 = _sage_conv(x, src, dst, W_l0, b_l0, W_r0)
    h0 = beta * z0 + (C - beta) * _swish(z0)
    # Layer 1: no activation -> C * z
    z1 = _sage_conv(h0, src, dst, W_l1, b_l1, W_r1)
    out = C * z1
    return out

if __name__ == "__main__":
    import jax
    _d = setup_inputs()
    print(jax.jit(kernel)(*tuple(_d.values())))

</pallas_src>

<mosaic_0001>
#map = affine_map<(d0, d1) -> (0, 0)>
#map1 = affine_map<(d0, d1) -> (0, 0, 0)>
module attributes {stable_mosaic.version = 14 : i64} {
  func.func @sc_agg(%arg0: i32, %arg1: i32, %arg2: memref<10000x128xf32, #tpu.memory_space<hbm>>, %arg3: memref<2500x2x128xi32, #tpu.memory_space<hbm>>, %arg4: memref<2x10240x128xf32, #tpu.memory_space<hbm>>, %arg5: memref<2x10240x16xf32, #tpu.memory_space<hbm>>, %arg6: memref<10240x128xf32, #tpu.memory_space<vmem_shared>>, %arg7: memref<8x2x128xi32, #tpu.memory_space<vmem>>, %arg8: memref<128x128xf32, #tpu.memory_space<vmem>>, %arg9: memref<128x128xf32, #tpu.memory_space<vmem>>, %arg10: memref<!tpu.dma_semaphore, #tpu.memory_space<semaphore_mem>>, %arg11: memref<!tpu.dma_semaphore, #tpu.memory_space<semaphore_mem>>, %arg12: memref<!tpu.dma_semaphore, #tpu.memory_space<semaphore_mem>>, %arg13: memref<10240x16xf32, #tpu.memory_space<vmem_shared>>, %arg14: memref<128x16xf32, #tpu.memory_space<vmem>>) attributes {dimension_semantics = [#tpu.dimension_semantics<core_parallel>, #tpu.dimension_semantics<subcore_parallel>], iteration_bounds = array<i64: 2, 16>, scalar_prefetch = 0 : i64, scratch_operands = 9 : i64, tpu.core_type = #tpu.core_type<sc_vector_subcore>, window_params = [{transform_indices = #map}, {transform_indices = #map1}, {transform_indices = #map1}, {transform_indices = #map1}]} {
    %mul3A = arith.constant 2 : i32
    %mul3A_0 = arith.muli %arg1, %mul3A : i32
    %add3A = arith.addi %mul3A_0, %arg0 : i32
    %mul3A_1 = arith.constant 80 : i32
    %mul3A_2 = arith.muli %add3A, %mul3A_1 : i32
    %eq3A = arith.constant 31 : i32
    %eq3A_3 = arith.cmpi eq, %add3A, %eq3A : i32
    %jit3A = arith.constant 5 : i32
    %jit3A_4 = arith.constant 20 : i32
    %select_n3A = arith.select %eq3A_3, %jit3A, %jit3A_4 : i32
    %scan3A = arith.constant 0 : i32
    %scan3A_5 = arith.constant 128 : i32
    %scan3A_6 = arith.addi %scan3A, %scan3A_5 : i32
    %scan3A_7 = arith.constant 1 : i32
    scf.for %scan3A_99 = %scan3A to %scan3A_6 step %scan3A_7  : i32 {
      %mul3A_100 = arith.constant 1 : i32
      %mul3A_101 = arith.muli %scan3A_99, %mul3A_100 : i32
      %add3A_102 = arith.constant 0 : i32
      %add3A_103 = arith.addi %add3A_102, %mul3A_101 : i32
      %broadcast_in_dim3A = arith.constant 0.000000e+00 : f32
      %broadcast_in_dim3A_104 = vector.broadcast %broadcast_in_dim3A : f32 to vector<16xf32>
      %swap3A = arith.index_cast %add3A_103 : i32 to index
      %swap3A_105 = arith.constant 0 : index
      %swap3A_106 = tpu.vector_load %arg8[%swap3A, %swap3A_105] {strides = array<i32>} : memref<128x128xf32, #tpu.memory_space<vmem>>, vector<1x16xf32>,
      %swap3A_107 = vector.shape_cast %swap3A_106 : vector<1x16xf32> to vector<16xf32>
      %swap3A_108 = vector.shape_cast %broadcast_in_dim3A_104 : vector<16xf32> to vector<1x16xf32>
      tpu.vector_store %arg8[%swap3A, %swap3A_105], %swap3A_108 {strides = array<i32>} : memref<128x128xf32, #tpu.memory_space<vmem>>, vector<1x16xf32>,
      %broadcast_in_dim3A_109 = arith.constant 0.000000e+00 : f32
      %broadcast_in_dim3A_110 = vector.broadcast %broadcast_in_dim3A_109 : f32 to vector<16xf32>
      %swap3A_111 = arith.index_cast %add3A_103 : i32 to index
      %swap3A_112 = arith.constant 16 : index
      %swap3A_113 = tpu.vector_load %arg8[%swap3A_111, %swap3A_112] {strides = array<i32>} : memref<128x128xf32, #tpu.memory_space<vmem>>, vector<1x16xf32>,
      %swap3A_114 = vector.shape_cast %swap3A_113 : vector<1x16xf32> to vector<16xf32>
      %swap3A_115 = vector.shape_cast %broadcast_in_dim3A_110 : vector<16xf32> to vector<1x16xf32>
      tpu.vector_store %arg8[%swap3A_111, %swap3A_112], %swap3A_115 {strides = array<i32>} : memref<128x128xf32, #tpu.memory_space<vmem>>, vector<1x16xf32>,
      %broadcast_in_dim3A_116 = arith.constant 0.000000e+00 : f32
      %broadcast_in_dim3A_117 = vector.broadcast %broadcast_in_dim3A_116 : f32 to vector<16xf32>
      %swap3A_118 = arith.index_cast %add3A_103 : i32 to index
      %swap3A_119 = arith.constant 32 : index
      %swap3A_120 = tpu.vector_load %arg8[%swap3A_118, %swap3A_119] {strides = array<i32>} : memref<128x128xf32, #tpu.memory_space<vmem>>, vector<1x16xf32>,
      %swap3A_121 = vector.shape_cast %swap3A_120 : vector<1x16xf32> to vector<16xf32>
      %swap3A_122 = vector.shape_cast %broadcast_in_dim3A_117 : vector<16xf32> to vector<1x16xf32>
      tpu.vector_store %arg8[%swap3A_118, %swap3A_119], %swap3A_122 {strides = array<i32>} : memref<128x128xf32, #tpu.memory_space<vmem>>, vector<1x16xf32>,
      %broadcast_in_dim3A_123 = arith.constant 0.000000e+00 : f32
      %broadcast_in_dim3A_124 = vector.broadcast %broadcast_in_dim3A_123 : f32 to vector<16xf32>
      %swap3A_125 = arith.index_cast %add3A_103 : i32 to index
      %swap3A_126 = arith.constant 48 : index
      %swap3A_127 = tpu.vector_load %arg8[%swap3A_125, %swap3A_126] {strides = array<i32>} : memref<128x128xf32, #tpu.memory_space<vmem>>, vector<1x16xf32>,
      %swap3A_128 = vector.shape_cast %swap3A_127 : vector<1x16xf32> to vector<16xf32>
      %swap3A_129 = vector.shape_cast %broadcast_in_dim3A_124 : vector<16xf32> to vector<1x16xf32>
      tpu.vector_store %arg8[%swap3A_125, %swap3A_126], %swap3A_129 {strides = array<i32>} : memref<128x128xf32, #tpu.memory_space<vmem>>, vector<1x16xf32>,
      %broadcast_in_dim3A_130 = arith.constant 0.000000e+00 : f32
      %broadcast_in_dim3A_131 = vector.broadcast %broadcast_in_dim3A_130 : f32 to vector<16xf32>
      %swap3A_132 = arith.index_cast %add3A_103 : i32 to index
      %swap3A_133 = arith.constant 64 : index
      %swap3A_134 = tpu.vector_load %arg8[%swap3A_132, %swap3A_133] {strides = array<i32>} : memref<128x128xf32, #tpu.memory_space<vmem>>, vector<1x16xf32>,
      %swap3A_135 = vector.shape_cast %swap3A_134 : vector<1x16xf32> to vector<16xf32>
      %swap3A_136 = vector.shape_cast %broadcast_in_dim3A_131 : vector<16xf32> to vector<1x16xf32>
      tpu.vector_store %arg8[%swap3A_132, %swap3A_133], %swap3A_136 {strides = array<i32>} : memref<128x128xf32, #tpu.memory_space<vmem>>, vector<1x16xf32>,
      %broadcast_in_dim3A_137 = arith.constant 0.000000e+00 : f32
      %broadcast_in_dim3A_138 = vector.broadcast %broadcast_in_dim3A_137 : f32 to vector<16xf32>
      %swap3A_139 = arith.index_cast %add3A_103 : i32 to index
      %swap3A_140 = arith.constant 80 : index
      %swap3A_141 = tpu.vector_load %arg8[%swap3A_139, %swap3A_140] {strides = array<i32>} : memref<128x128xf32, #tpu.memory_space<vmem>>, vector<1x16xf32>,
      %swap3A_142 = vector.shape_cast %swap3A_141 : vector<1x16xf32> to vector<16xf32>
      %swap3A_143 = vector.shape_cast %broadcast_in_dim3A_138 : vector<16xf32> to vector<1x16xf32>
      tpu.vector_store %arg8[%swap3A_139, %swap3A_140], %swap3A_143 {strides = array<i32>} : memref<128x128xf32, #tpu.memory_space<vmem>>, vector<1x16xf32>,
      %broadcast_in_dim3A_144 = arith.constant 0.000000e+00 : f32
      %broadcast_in_dim3A_145 = vector.broadcast %broadcast_in_dim3A_144 : f32 to vector<16xf32>
      %swap3A_146 = arith.index_cast %add3A_103 : i32 to index
      %swap3A_147 = arith.constant 96 : index
      %swap3A_148 = tpu.vector_load %arg8[%swap3A_146, %swap3A_147] {strides = array<i32>} : memref<128x128xf32, #tpu.memory_space<vmem>>, vector<1x16xf32>,
      %swap3A_149 = vector.shape_cast %swap3A_148 : vector<1x16xf32> to vector<16xf32>
      %swap3A_150 = vector.shape_cast %broadcast_in_dim3A_145 : vector<16xf32> to vector<1x16xf32>
      tpu.vector_store %arg8[%swap3A_146, %swap3A_147], %swap3A_150 {strides = array<i32>} : memref<128x128xf32, #tpu.memory_space<vmem>>, vector<1x16xf32>,
      %broadcast_in_dim3A_151 = arith.constant 0.000000e+00 : f32
      %broadcast_in_dim3A_152 = vector.broadcast %broadcast_in_dim3A_151 : f32 to vector<16xf32>
      %swap3A_153 = arith.index_cast %add3A_103 : i32 to index
      %swap3A_154 = arith.constant 112 : index
      %swap3A_155 = tpu.vector_load %arg8[%swap3A_153, %swap3A_154] {strides = array<i32>} : memref<128x128xf32, #tpu.memory_space<vmem>>, vector<1x16xf32>,
      %swap3A_156 = vector.shape_cast %swap3A_155 : vector<1x16xf32> to vector<16xf32>
      %swap3A_157 = vector.shape_cast %broadcast_in_dim3A_152 : vector<16xf32> to vector<1x16xf32>
      tpu.vector_store %arg8[%swap3A_153, %swap3A_154], %swap3A_157 {strides = array<i32>} : memref<128x128xf32, #tpu.memory_space<vmem>>, vector<1x16xf32>,
      %broadcast_in_dim3A_158 = arith.constant 0.000000e+00 : f32
      %broadcast_in_dim3A_159 = vector.broadcast %broadcast_in_dim3A_158 : f32 to vector<16xf32>
      %swap3A_160 = arith.index_cast %add3A_103 : i32 to index
      %swap3A_161 = arith.constant 0 : index
      %swap3A_162 = tpu.vector_load %arg14[%swap3A_160, %swap3A_161] {strides = array<i32>} : memref<128x16xf32, #tpu.memory_space<vmem>>, vector<1x16xf32>,
      %swap3A_163 = vector.shape_cast %swap3A_162 : vector<1x16xf32> to vector<16xf32>
      %swap3A_164 = vector.shape_cast %broadcast_in_dim3A_159 : vector<16xf32> to vector<1x16xf32>
      tpu.vector_store %arg14[%swap3A_160, %swap3A_161], %swap3A_164 {strides = array<i32>} : memref<128x16xf32, #tpu.memory_space<vmem>>, vector<1x16xf32>,
    }
    %scan3A_8 = arith.constant 128 : i32
    %mul3A_9 = arith.constant 640 : i32
    %mul3A_10 = arith.muli %arg1, %mul3A_9 : i32
    %add3A_11 = arith.constant 0 : i32
    %add3A_12 = arith.addi %mul3A_10, %add3A_11 : i32
    "tpu.region"() ({
      %run_scoped3A = tpu.sem_alloc : memref<!tpu.dma_semaphore, #tpu.memory_space<semaphore_mem>>
      %dma_start3A_99 = arith.constant 0 : i32
      %dma_start3A_100 = arith.constant 0 : i32
      %dma_start3A_101 = tpu.memref_slice %arg8[%dma_start3A_99, %dma_start3A_100] : memref<128x128xf32, #tpu.memory_space<vmem>> -> memref<128x128xf32, #tpu.memory_space<vmem>>
      %dma_start3A_102 = arith.constant 0 : i32
      %dma_start3A_103 = tpu.memref_slice %arg6[%add3A_12, %dma_start3A_102] : memref<10240x128xf32, #tpu.memory_space<vmem_shared>> -> memref<128x128xf32, #tpu.memory_space<vmem_shared>>
      %dma_start3A_104 = arith.constant 0 : i32
      %dma_start3A_105 = tpu.memref_slice %arg6[%add3A_12, %dma_start3A_104] : memref<10240x128xf32, #tpu.memory_space<vmem_shared>> -> memref<128x128xf32, #tpu.memory_space<vmem_shared>>
      %dma_start3A_106 = arith.constant 0 : i32
      %dma_start3A_107 = arith.constant 0 : i32
      %dma_start3A_108 = tpu.memref_slice %arg8[%dma_start3A_106, %dma_start3A_107] : memref<128x128xf32, #tpu.memory_space<vmem>> -> memref<128x128xf32, #tpu.memory_space<vmem>>
      tpu.enqueue_dma source(%dma_start3A_108 : memref<128x128xf32, #tpu.memory_space<vmem>>) target(%dma_start3A_105 : memref<128x128xf32, #tpu.memory_space<vmem_shared>>) target_semaphore(%run_scoped3A : memref<!tpu.dma_semaphore, #tpu.memory_space<semaphore_mem>>)
      %dma_wait3A = arith.constant 0 : i32
      %dma_wait3A_109 = arith.constant 0 : i32
      %dma_wait3A_110 = tpu.memref_slice %arg8[%dma_wait3A, %dma_wait3A_109] : memref<128x128xf32, #tpu.memory_space<vmem>> -> memref<128x128xf32, #tpu.memory_space<vmem>>
      %dma_wait3A_111 = arith.constant 0 : i32
      %dma_wait3A_112 = tpu.memref_slice %arg6[%add3A_12, %dma_wait3A_111] : memref<10240x128xf32, #tpu.memory_space<vmem_shared>> -> memref<128x128xf32, #tpu.memory_space<vmem_shared>>
      %dma_wait3A_113 = arith.constant 0 : i32
      %dma_wait3A_114 = tpu.memref_slice %arg6[%add3A_12, %dma_wait3A_113] : memref<10240x128xf32, #tpu.memory_space<vmem_shared>> -> memref<128x128xf32, #tpu.memory_space<vmem_shared>>
      %dma_wait3A_115 = arith.constant 0 : i32
      %dma_wait3A_116 = arith.constant 0 : i32
      %dma_wait3A_117 = tpu.memref_slice %arg8[%dma_wait3A_115, %dma_wait3A_116] : memref<128x128xf32, #tpu.memory_space<vmem>> -> memref<128x128xf32, #tpu.memory_space<vmem>>
      tpu.wait_dma2 semaphore(%run_scoped3A : memref<!tpu.dma_semaphore, #tpu.memory_space<semaphore_mem>>) src(%dma_wait3A_117 : memref<128x128xf32, #tpu.memory_space<vmem>>) dst(%dma_wait3A_114 : memref<128x128xf32, #tpu.memory_space<vmem_shared>>)
      tpu.yield
    }) : () -> ()
    %mul3A_13 = arith.constant 640 : i32
    %mul3A_14 = arith.muli %arg1, %mul3A_13 : i32
    %add3A_15 = arith.constant 0 : i32
    %add3A_16 = arith.addi %mul3A_14, %add3A_15 : i32
    "tpu.region"() ({
      %run_scoped3A = tpu.sem_alloc : memref<!tpu.dma_semaphore, #tpu.memory_space<semaphore_mem>>
      %dma_start3A_99 = arith.constant 0 : i32
      %dma_start3A_100 = arith.constant 0 : i32
      %dma_start3A_101 = tpu.memref_slice %arg14[%dma_start3A_99, %dma_start3A_100] : memref<128x16xf32, #tpu.memory_space<vmem>> -> memref<128x16xf32, #tpu.memory_space<vmem>>
      %dma_start3A_102 = arith.constant 0 : i32
      %dma_start3A_103 = tpu.memref_slice %arg13[%add3A_16, %dma_start3A_102] : memref<10240x16xf32, #tpu.memory_space<vmem_shared>> -> memref<128x16xf32, #tpu.memory_space<vmem_shared>>
      %dma_start3A_104 = arith.constant 0 : i32
      %dma_start3A_105 = tpu.memref_slice %arg13[%add3A_16, %dma_start3A_104] : memref<10240x16xf32, #tpu.memory_space<vmem_shared>> -> memref<128x16xf32, #tpu.memory_space<vmem_shared>>
      %dma_start3A_106 = arith.constant 0 : i32
      %dma_start3A_107 = arith.constant 0 : i32
      %dma_start3A_108 = tpu.memref_slice %arg14[%dma_start3A_106, %dma_start3A_107] : memref<128x16xf32, #tpu.memory_space<vmem>> -> memref<128x16xf32, #tpu.memory_space<vmem>>
      tpu.enqueue_dma source(%dma_start3A_108 : memref<128x16xf32, #tpu.memory_space<vmem>>) target(%dma_start3A_105 : memref<128x16xf32, #tpu.memory_space<vmem_shared>>) target_semaphore(%run_scoped3A : memref<!tpu.dma_semaphore, #tpu.memory_space<semaphore_mem>>)
      %dma_wait3A = arith.constant 0 : i32
      %dma_wait3A_109 = arith.constant 0 : i32
      %dma_wait3A_110 = tpu.memref_slice %arg14[%dma_wait3A, %dma_wait3A_109] : memref<128x16xf32, #tpu.memory_space<vmem>> -> memref<128x16xf32, #tpu.memory_space<vmem>>
      %dma_wait3A_111 = arith.constant 0 : i32
      %dma_wait3A_112 = tpu.memref_slice %arg13[%add3A_16, %dma_wait3A_111] : memref<10240x16xf32, #tpu.memory_space<vmem_shared>> -> memref<128x16xf32, #tpu.memory_space<vmem_shared>>
      %dma_wait3A_113 = arith.constant 0 : i32
      %dma_wait3A_114 = tpu.memref_slice %arg13[%add3A_16, %dma_wait3A_113] : memref<10240x16xf32, #tpu.memory_space<vmem_shared>> -> memref<128x16xf32, #tpu.memory_space<vmem_shared>>
      %dma_wait3A_115 = arith.constant 0 : i32
      %dma_wait3A_116 = arith.constant 0 : i32
      %dma_wait3A_117 = tpu.memref_slice %arg14[%dma_wait3A_115, %dma_wait3A_116] : memref<128x16xf32, #tpu.memory_space<vmem>> -> memref<128x16xf32, #tpu.memory_space<vmem>>
      tpu.wait_dma2 semaphore(%run_scoped3A : memref<!tpu.dma_semaphore, #tpu.memory_space<semaphore_mem>>) src(%dma_wait3A_117 : memref<128x16xf32, #tpu.memory_space<vmem>>) dst(%dma_wait3A_114 : memref<128x16xf32, #tpu.memory_space<vmem_shared>>)
      tpu.yield
    }) : () -> ()
    %mul3A_17 = arith.constant 640 : i32
    %mul3A_18 = arith.muli %arg1, %mul3A_17 : i32
    %add3A_19 = arith.constant 128 : i32
    %add3A_20 = arith.addi %mul3A_18, %add3A_19 : i32
    "tpu.region"() ({
      %run_scoped3A = tpu.sem_alloc : memref<!tpu.dma_semaphore, #tpu.memory_space<semaphore_mem>>
      %dma_start3A_99 = arith.constant 0 : i32
      %dma_start3A_100 = arith.constant 0 : i32
      %dma_start3A_101 = tpu.memref_slice %arg8[%dma_start3A_99, %dma_start3A_100] : memref<128x128xf32, #tpu.memory_space<vmem>> -> memref<128x128xf32, #tpu.memory_space<vmem>>
      %dma_start3A_102 = arith.constant 0 : i32
      %dma_start3A_103 = tpu.memref_slice %arg6[%add3A_20, %dma_start3A_102] : memref<10240x128xf32, #tpu.memory_space<vmem_shared>> -> memref<128x128xf32, #tpu.memory_space<vmem_shared>>
      %dma_start3A_104 = arith.constant 0 : i32
      %dma_start3A_105 = tpu.memref_slice %arg6[%add3A_20, %dma_start3A_104] : memref<10240x128xf32, #tpu.memory_space<vmem_shared>> -> memref<128x128xf32, #tpu.memory_space<vmem_shared>>
      %dma_start3A_106 = arith.constant 0 : i32
      %dma_start3A_107 = arith.constant 0 : i32
      %dma_start3A_108 = tpu.memref_slice %arg8[%dma_start3A_106, %dma_start3A_107] : memref<128x128xf32, #tpu.memory_space<vmem>> -> memref<128x128xf32, #tpu.memory_space<vmem>>
      tpu.enqueue_dma source(%dma_start3A_108 : memref<128x128xf32, #tpu.memory_space<vmem>>) target(%dma_start3A_105 : memref<128x128xf32, #tpu.memory_space<vmem_shared>>) target_semaphore(%run_scoped3A : memref<!tpu.dma_semaphore, #tpu.memory_space<semaphore_mem>>)
      %dma_wait3A = arith.constant 0 : i32
      %dma_wait3A_109 = arith.constant 0 : i32
      %dma_wait3A_110 = tpu.memref_slice %arg8[%dma_wait3A, %dma_wait3A_109] : memref<128x128xf32, #tpu.memory_space<vmem>> -> memref<128x128xf32, #tpu.memory_space<vmem>>
      %dma_wait3A_111 = arith.constant 0 : i32
      %dma_wait3A_112 = tpu.memref_slice %arg6[%add3A_20, %dma_wait3A_111] : memref<10240x128xf32, #tpu.memory_space<vmem_shared>> -> memref<128x128xf32, #tpu.memory_space<vmem_shared>>
      %dma_wait3A_113 = arith.constant 0 : i32
      %dma_wait3A_114 = tpu.memref_slice %arg6[%add3A_20, %dma_wait3A_113] : memref<10240x128xf32, #tpu.memory_space<vmem_shared>> -> memref<128x128xf32, #tpu.memory_space<vmem_shared>>
      %dma_wait3A_115 = arith.constant 0 : i32
      %dma_wait3A_116 = arith.constant 0 : i32
      %dma_wait3A_117 = tpu.memref_slice %arg8[%dma_wait3A_115, %dma_wait3A_116] : memref<128x128xf32, #tpu.memory_space<vmem>> -> memref<128x128xf32, #tpu.memory_space<vmem>>
      tpu.wait_dma2 semaphore(%run_scoped3A : memref<!tpu.dma_semaphore, #tpu.memory_space<semaphore_mem>>) src(%dma_wait3A_117 : memref<128x128xf32, #tpu.memory_space<vmem>>) dst(%dma_wait3A_114 : memref<128x128xf32, #tpu.memory_space<vmem_shared>>)
      tpu.yield
    }) : () -> ()
    %mul3A_21 = arith.constant 640 : i32
    %mul3A_22 = arith.muli %arg1, %mul3A_21 : i32
    %add3A_23 = arith.constant 128 : i32
    %add3A_24 = arith.addi %mul3A_22, %add3A_23 : i32
    "tpu.region"() ({
      %run_scoped3A = tpu.sem_alloc : memref<!tpu.dma_semaphore, #tpu.memory_space<semaphore_mem>>
      %dma_start3A_99 = arith.constant 0 : i32
      %dma_start3A_100 = arith.constant 0 : i32
      %dma_start3A_101 = tpu.memref_slice %arg14[%dma_start3A_99, %dma_start3A_100] : memref<128x16xf32, #tpu.memory_space<vmem>> -> memref<128x16xf32, #tpu.memory_space<vmem>>
      %dma_start3A_102 = arith.constant 0 : i32
      %dma_start3A_103 = tpu.memref_slice %arg13[%add3A_24, %dma_start3A_102] : memref<10240x16xf32, #tpu.memory_space<vmem_shared>> -> memref<128x16xf32, #tpu.memory_space<vmem_shared>>
      %dma_start3A_104 = arith.constant 0 : i32
      %dma_start3A_105 = tpu.memref_slice %arg13[%add3A_24, %dma_start3A_104] : memref<10240x16xf32, #tpu.memory_space<vmem_shared>> -> memref<128x16xf32, #tpu.memory_space<vmem_shared>>
      %dma_start3A_106 = arith.constant 0 : i32
      %dma_start3A_107 = arith.constant 0 : i32
      %dma_start3A_108 = tpu.memref_slice %arg14[%dma_start3A_106, %dma_start3A_107] : memref<128x16xf32, #tpu.memory_space<vmem>> -> memref<128x16xf32, #tpu.memory_space<vmem>>
      tpu.enqueue_dma source(%dma_start3A_108 : memref<128x16xf32, #tpu.memory_space<vmem>>) target(%dma_start3A_105 : memref<128x16xf32, #tpu.memory_space<vmem_shared>>) target_semaphore(%run_scoped3A : memref<!tpu.dma_semaphore, #tpu.memory_space<semaphore_mem>>)
      %dma_wait3A = arith.constant 0 : i32
      %dma_wait3A_109 = arith.constant 0 : i32
      %dma_wait3A_110 = tpu.memref_slice %arg14[%dma_wait3A, %dma_wait3A_109] : memref<128x16xf32, #tpu.memory_space<vmem>> -> memref<128x16xf32, #tpu.memory_space<vmem>>
      %dma_wait3A_111 = arith.constant 0 : i32
      %dma_wait3A_112 = tpu.memref_slice %arg13[%add3A_24, %dma_wait3A_111] : memref<10240x16xf32, #tpu.memory_space<vmem_shared>> -> memref<128x16xf32, #tpu.memory_space<vmem_shared>>
      %dma_wait3A_113 = arith.constant 0 : i32
      %dma_wait3A_114 = tpu.memref_slice %arg13[%add3A_24, %dma_wait3A_113] : memref<10240x16xf32, #tpu.memory_space<vmem_shared>> -> memref<128x16xf32, #tpu.memory_space<vmem_shared>>
      %dma_wait3A_115 = arith.constant 0 : i32
      %dma_wait3A_116 = arith.constant 0 : i32
      %dma_wait3A_117 = tpu.memref_slice %arg14[%dma_wait3A_115, %dma_wait3A_116] : memref<128x16xf32, #tpu.memory_space<vmem>> -> memref<128x16xf32, #tpu.memory_space<vmem>>
      tpu.wait_dma2 semaphore(%run_scoped3A : memref<!tpu.dma_semaphore, #tpu.memory_space<semaphore_mem>>) src(%dma_wait3A_117 : memref<128x16xf32, #tpu.memory_space<vmem>>) dst(%dma_wait3A_114 : memref<128x16xf32, #tpu.memory_space<vmem_shared>>)
      tpu.yield
    }) : () -> ()
    %mul3A_25 = arith.constant 640 : i32
    %mul3A_26 = arith.muli %arg1, %mul3A_25 : i32
    %add3A_27 = arith.constant 256 : i32
    %add3A_28 = arith.addi %mul3A_26, %add3A_27 : i32
    "tpu.region"() ({
      %run_scoped3A = tpu.sem_alloc : memref<!tpu.dma_semaphore, #tpu.memory_space<semaphore_mem>>
      %dma_start3A_99 = arith.constant 0 : i32
      %dma_start3A_100 = arith.constant 0 : i32
      %dma_start3A_101 = tpu.memref_slice %arg8[%dma_start3A_99, %dma_start3A_100] : memref<128x128xf32, #tpu.memory_space<vmem>> -> memref<128x128xf32, #tpu.memory_space<vmem>>
      %dma_start3A_102 = arith.constant 0 : i32
      %dma_start3A_103 = tpu.memref_slice %arg6[%add3A_28, %dma_start3A_102] : memref<10240x128xf32, #tpu.memory_space<vmem_shared>> -> memref<128x128xf32, #tpu.memory_space<vmem_shared>>
      %dma_start3A_104 = arith.constant 0 : i32
      %dma_start3A_105 = tpu.memref_slice %arg6[%add3A_28, %dma_start3A_104] : memref<10240x128xf32, #tpu.memory_space<vmem_shared>> -> memref<128x128xf32, #tpu.memory_space<vmem_shared>>
      %dma_start3A_106 = arith.constant 0 : i32
      %dma_start3A_107 = arith.constant 0 : i32
      %dma_start3A_108 = tpu.memref_slice %arg8[%dma_start3A_106, %dma_start3A_107] : memref<128x128xf32, #tpu.memory_space<vmem>> -> memref<128x128xf32, #tpu.memory_space<vmem>>
      tpu.enqueue_dma source(%dma_start3A_108 : memref<128x128xf32, #tpu.memory_space<vmem>>) target(%dma_start3A_105 : memref<128x128xf32, #tpu.memory_space<vmem_shared>>) target_semaphore(%run_scoped3A : memref<!tpu.dma_semaphore, #tpu.memory_space<semaphore_mem>>)
      %dma_wait3A = arith.constant 0 : i32
      %dma_wait3A_109 = arith.constant 0 : i32
      %dma_wait3A_110 = tpu.memref_slice %arg8[%dma_wait3A, %dma_wait3A_109] : memref<128x128xf32, #tpu.memory_space<vmem>> -> memref<128x128xf32, #tpu.memory_space<vmem>>
      %dma_wait3A_111 = arith.constant 0 : i32
      %dma_wait3A_112 = tpu.memref_slice %arg6[%add3A_28, %dma_wait3A_111] : memref<10240x128xf32, #tpu.memory_space<vmem_shared>> -> memref<128x128xf32, #tpu.memory_space<vmem_shared>>
      %dma_wait3A_113 = arith.constant 0 : i32
      %dma_wait3A_114 = tpu.memref_slice %arg6[%add3A_28, %dma_wait3A_113] : memref<10240x128xf32, #tpu.memory_space<vmem_shared>> -> memref<128x128xf32, #tpu.memory_space<vmem_shared>>
      %dma_wait3A_115 = arith.constant 0 : i32
      %dma_wait3A_116 = arith.constant 0 : i32
      %dma_wait3A_117 = tpu.memref_slice %arg8[%dma_wait3A_115, %dma_wait3A_116] : memref<128x128xf32, #tpu.memory_space<vmem>> -> memref<128x128xf32, #tpu.memory_space<vmem>>
      tpu.wait_dma2 semaphore(%run_scoped3A : memref<!tpu.dma_semaphore, #tpu.memory_space<semaphore_mem>>) src(%dma_wait3A_117 : memref<128x128xf32, #tpu.memory_space<vmem>>) dst(%dma_wait3A_114 : memref<128x128xf32, #tpu.memory_space<vmem_shared>>)
      tpu.yield
    }) : () -> ()
    %mul3A_29 = arith.constant 640 : i32
    %mul3A_30 = arith.muli %arg1, %mul3A_29 : i32
    %add3A_31 = arith.constant 256 : i32
    %add3A_32 = arith.addi %mul3A_30, %add3A_31 : i32
    "tpu.region"() ({
      %run_scoped3A = tpu.sem_alloc : memref<!tpu.dma_semaphore, #tpu.memory_space<semaphore_mem>>
      %dma_start3A_99 = arith.constant 0 : i32
      %dma_start3A_100 = arith.constant 0 : i32
      %dma_start3A_101 = tpu.memref_slice %arg14[%dma_start3A_99, %dma_start3A_100] : memref<128x16xf32, #tpu.memory_space<vmem>> -> memref<128x16xf32, #tpu.memory_space<vmem>>
      %dma_start3A_102 = arith.constant 0 : i32
      %dma_start3A_103 = tpu.memref_slice %arg13[%add3A_32, %dma_start3A_102] : memref<10240x16xf32, #tpu.memory_space<vmem_shared>> -> memref<128x16xf32, #tpu.memory_space<vmem_shared>>
      %dma_start3A_104 = arith.constant 0 : i32
      %dma_start3A_105 = tpu.memref_slice %arg13[%add3A_32, %dma_start3A_104] : memref<10240x16xf32, #tpu.memory_space<vmem_shared>> -> memref<128x16xf32, #tpu.memory_space<vmem_shared>>
      %dma_start3A_106 = arith.constant 0 : i32
      %dma_start3A_107 = arith.constant 0 : i32
      %dma_start3A_108 = tpu.memref_slice %arg14[%dma_start3A_106, %dma_start3A_107] : memref<128x16xf32, #tpu.memory_space<vmem>> -> memref<128x16xf32, #tpu.memory_space<vmem>>
      tpu.enqueue_dma source(%dma_start3A_108 : memref<128x16xf32, #tpu.memory_space<vmem>>) target(%dma_start3A_105 : memref<128x16xf32, #tpu.memory_space<vmem_shared>>) target_semaphore(%run_scoped3A : memref<!tpu.dma_semaphore, #tpu.memory_space<semaphore_mem>>)
      %dma_wait3A = arith.constant 0 : i32
      %dma_wait3A_109 = arith.constant 0 : i32
      %dma_wait3A_110 = tpu.memref_slice %arg14[%dma_wait3A, %dma_wait3A_109] : memref<128x16xf32, #tpu.memory_space<vmem>> -> memref<128x16xf32, #tpu.memory_space<vmem>>
      %dma_wait3A_111 = arith.constant 0 : i32
      %dma_wait3A_112 = tpu.memref_slice %arg13[%add3A_32, %dma_wait3A_111] : memref<10240x16xf32, #tpu.memory_space<vmem_shared>> -> memref<128x16xf32, #tpu.memory_space<vmem_shared>>
      %dma_wait3A_113 = arith.constant 0 : i32
      %dma_wait3A_114 = tpu.memref_slice %arg13[%add3A_32, %dma_wait3A_113] : memref<10240x16xf32, #tpu.memory_space<vmem_shared>> -> memref<128x16xf32, #tpu.memory_space<vmem_shared>>
      %dma_wait3A_115 = arith.constant 0 : i32
      %dma_wait3A_116 = arith.constant 0 : i32
      %dma_wait3A_117 = tpu.memref_slice %arg14[%dma_wait3A_115, %dma_wait3A_116] : memref<128x16xf32, #tpu.memory_space<vmem>> -> memref<128x16xf32, #tpu.memory_space<vmem>>
      tpu.wait_dma2 semaphore(%run_scoped3A : memref<!tpu.dma_semaphore, #tpu.memory_space<semaphore_mem>>) src(%dma_wait3A_117 : memref<128x16xf32, #tpu.memory_space<vmem>>) dst(%dma_wait3A_114 : memref<128x16xf32, #tpu.memory_space<vmem_shared>>)
      tpu.yield
    }) : () -> ()
    %mul3A_33 = arith.constant 640 : i32
    %mul3A_34 = arith.muli %arg1, %mul3A_33 : i32
    %add3A_35 = arith.constant 384 : i32
    %add3A_36 = arith.addi %mul3A_34, %add3A_35 : i32
    "tpu.region"() ({
      %run_scoped3A = tpu.sem_alloc : memref<!tpu.dma_semaphore, #tpu.memory_space<semaphore_mem>>
      %dma_start3A_99 = arith.constant 0 : i32
      %dma_start3A_100 = arith.constant 0 : i32
      %dma_start3A_101 = tpu.memref_slice %arg8[%dma_start3A_99, %dma_start3A_100] : memref<128x128xf32, #tpu.memory_space<vmem>> -> memref<128x128xf32, #tpu.memory_space<vmem>>
      %dma_start3A_102 = arith.constant 0 : i32
      %dma_start3A_103 = tpu.memref_slice %arg6[%add3A_36, %dma_start3A_102] : memref<10240x128xf32, #tpu.memory_space<vmem_shared>> -> memref<128x128xf32, #tpu.memory_space<vmem_shared>>
      %dma_start3A_104 = arith.constant 0 : i32
      %dma_start3A_105 = tpu.memref_slice %arg6[%add3A_36, %dma_start3A_104] : memref<10240x128xf32, #tpu.memory_space<vmem_shared>> -> memref<128x128xf32, #tpu.memory_space<vmem_shared>>
      %dma_start3A_106 = arith.constant 0 : i32
      %dma_start3A_107 = arith.constant 0 : i32
      %dma_start3A_108 = tpu.memref_slice %arg8[%dma_start3A_106, %dma_start3A_107] : memref<128x128xf32, #tpu.memory_space<vmem>> -> memref<128x128xf32, #tpu.memory_space<vmem>>
      tpu.enqueue_dma source(%dma_start3A_108 : memref<128x128xf32, #tpu.memory_space<vmem>>) target(%dma_start3A_105 : memref<128x128xf32, #tpu.memory_space<vmem_shared>>) target_semaphore(%run_scoped3A : memref<!tpu.dma_semaphore, #tpu.memory_space<semaphore_mem>>)
      %dma_wait3A = arith.constant 0 : i32
      %dma_wait3A_109 = arith.constant 0 : i32
      %dma_wait3A_110 = tpu.memref_slice %arg8[%dma_wait3A, %dma_wait3A_109] : memref<128x128xf32, #tpu.memory_space<vmem>> -> memref<128x128xf32, #tpu.memory_space<vmem>>
      %dma_wait3A_111 = arith.constant 0 : i32
      %dma_wait3A_112 = tpu.memref_slice %arg6[%add3A_36, %dma_wait3A_111] : memref<10240x128xf32, #tpu.memory_space<vmem_shared>> -> memref<128x128xf32, #tpu.memory_space<vmem_shared>>
      %dma_wait3A_113 = arith.constant 0 : i32
      %dma_wait3A_114 = tpu.memref_slice %arg6[%add3A_36, %dma_wait3A_113] : memref<10240x128xf32, #tpu.memory_space<vmem_shared>> -> memref<128x128xf32, #tpu.memory_space<vmem_shared>>
      %dma_wait3A_115 = arith.constant 0 : i32
      %dma_wait3A_116 = arith.constant 0 : i32
      %dma_wait3A_117 = tpu.memref_slice %arg8[%dma_wait3A_115, %dma_wait3A_116] : memref<128x128xf32, #tpu.memory_space<vmem>> -> memref<128x128xf32, #tpu.memory_space<vmem>>
      tpu.wait_dma2 semaphore(%run_scoped3A : memref<!tpu.dma_semaphore, #tpu.memory_space<semaphore_mem>>) src(%dma_wait3A_117 : memref<128x128xf32, #tpu.memory_space<vmem>>) dst(%dma_wait3A_114 : memref<128x128xf32, #tpu.memory_space<vmem_shared>>)
      tpu.yield
    }) : () -> ()
    %mul3A_37 = arith.constant 640 : i32
    %mul3A_38 = arith.muli %arg1, %mul3A_37 : i32
    %add3A_39 = arith.constant 384 : i32
    %add3A_40 = arith.addi %mul3A_38, %add3A_39 : i32
    "tpu.region"() ({
      %run_scoped3A = tpu.sem_alloc : memref<!tpu.dma_semaphore, #tpu.memory_space<semaphore_mem>>
      %dma_start3A_99 = arith.constant 0 : i32
      %dma_start3A_100 = arith.constant 0 : i32
      %dma_start3A_101 = tpu.memref_slice %arg14[%dma_start3A_99, %dma_start3A_100] : memref<128x16xf32, #tpu.memory_space<vmem>> -> memref<128x16xf32, #tpu.memory_space<vmem>>
      %dma_start3A_102 = arith.constant 0 : i32
      %dma_start3A_103 = tpu.memref_slice %arg13[%add3A_40, %dma_start3A_102] : memref<10240x16xf32, #tpu.memory_space<vmem_shared>> -> memref<128x16xf32, #tpu.memory_space<vmem_shared>>
      %dma_start3A_104 = arith.constant 0 : i32
      %dma_start3A_105 = tpu.memref_slice %arg13[%add3A_40, %dma_start3A_104] : memref<10240x16xf32, #tpu.memory_space<vmem_shared>> -> memref<128x16xf32, #tpu.memory_space<vmem_shared>>
      %dma_start3A_106 = arith.constant 0 : i32
      %dma_start3A_107 = arith.constant 0 : i32
      %dma_start3A_108 = tpu.memref_slice %arg14[%dma_start3A_106, %dma_start3A_107] : memref<128x16xf32, #tpu.memory_space<vmem>> -> memref<128x16xf32, #tpu.memory_space<vmem>>
      tpu.enqueue_dma source(%dma_start3A_108 : memref<128x16xf32, #tpu.memory_space<vmem>>) target(%dma_start3A_105 : memref<128x16xf32, #tpu.memory_space<vmem_shared>>) target_semaphore(%run_scoped3A : memref<!tpu.dma_semaphore, #tpu.memory_space<semaphore_mem>>)
      %dma_wait3A = arith.constant 0 : i32
      %dma_wait3A_109 = arith.constant 0 : i32
      %dma_wait3A_110 = tpu.memref_slice %arg14[%dma_wait3A, %dma_wait3A_109] : memref<128x16xf32, #tpu.memory_space<vmem>> -> memref<128x16xf32, #tpu.memory_space<vmem>>
      %dma_wait3A_111 = arith.constant 0 : i32
      %dma_wait3A_112 = tpu.memref_slice %arg13[%add3A_40, %dma_wait3A_111] : memref<10240x16xf32, #tpu.memory_space<vmem_shared>> -> memref<128x16xf32, #tpu.memory_space<vmem_shared>>
      %dma_wait3A_113 = arith.constant 0 : i32
      %dma_wait3A_114 = tpu.memref_slice %arg13[%add3A_40, %dma_wait3A_113] : memref<10240x16xf32, #tpu.memory_space<vmem_shared>> -> memref<128x16xf32, #tpu.memory_space<vmem_shared>>
      %dma_wait3A_115 = arith.constant 0 : i32
      %dma_wait3A_116 = arith.constant 0 : i32
      %dma_wait3A_117 = tpu.memref_slice %arg14[%dma_wait3A_115, %dma_wait3A_116] : memref<128x16xf32, #tpu.memory_space<vmem>> -> memref<128x16xf32, #tpu.memory_space<vmem>>
      tpu.wait_dma2 semaphore(%run_scoped3A : memref<!tpu.dma_semaphore, #tpu.memory_space<semaphore_mem>>) src(%dma_wait3A_117 : memref<128x16xf32, #tpu.memory_space<vmem>>) dst(%dma_wait3A_114 : memref<128x16xf32, #tpu.memory_space<vmem_shared>>)
      tpu.yield
    }) : () -> ()
    %mul3A_41 = arith.constant 640 : i32
    %mul3A_42 = arith.muli %arg1, %mul3A_41 : i32
    %add3A_43 = arith.constant 512 : i32
    %add3A_44 = arith.addi %mul3A_42, %add3A_43 : i32
    "tpu.region"() ({
      %run_scoped3A = tpu.sem_alloc : memref<!tpu.dma_semaphore, #tpu.memory_space<semaphore_mem>>
      %dma_start3A_99 = arith.constant 0 : i32
      %dma_start3A_100 = arith.constant 0 : i32
      %dma_start3A_101 = tpu.memref_slice %arg8[%dma_start3A_99, %dma_start3A_100] : memref<128x128xf32, #tpu.memory_space<vmem>> -> memref<128x128xf32, #tpu.memory_space<vmem>>
      %dma_start3A_102 = arith.constant 0 : i32
      %dma_start3A_103 = tpu.memref_slice %arg6[%add3A_44, %dma_start3A_102] : memref<10240x128xf32, #tpu.memory_space<vmem_shared>> -> memref<128x128xf32, #tpu.memory_space<vmem_shared>>
      %dma_start3A_104 = arith.constant 0 : i32
      %dma_start3A_105 = tpu.memref_slice %arg6[%add3A_44, %dma_start3A_104] : memref<10240x128xf32, #tpu.memory_space<vmem_shared>> -> memref<128x128xf32, #tpu.memory_space<vmem_shared>>
      %dma_start3A_106 = arith.constant 0 : i32
      %dma_start3A_107 = arith.constant 0 : i32
      %dma_start3A_108 = tpu.memref_slice %arg8[%dma_start3A_106, %dma_start3A_107] : memref<128x128xf32, #tpu.memory_space<vmem>> -> memref<128x128xf32, #tpu.memory_space<vmem>>
      tpu.enqueue_dma source(%dma_start3A_108 : memref<128x128xf32, #tpu.memory_space<vmem>>) target(%dma_start3A_105 : memref<128x128xf32, #tpu.memory_space<vmem_shared>>) target_semaphore(%run_scoped3A : memref<!tpu.dma_semaphore, #tpu.memory_space<semaphore_mem>>)
      %dma_wait3A = arith.constant 0 : i32
      %dma_wait3A_109 = arith.constant 0 : i32
      %dma_wait3A_110 = tpu.memref_slice %arg8[%dma_wait3A, %dma_wait3A_109] : memref<128x128xf32, #tpu.memory_space<vmem>> -> memref<128x128xf32, #tpu.memory_space<vmem>>
      %dma_wait3A_111 = arith.constant 0 : i32
      %dma_wait3A_112 = tpu.memref_slice %arg6[%add3A_44, %dma_wait3A_111] : memref<10240x128xf32, #tpu.memory_space<vmem_shared>> -> memref<128x128xf32, #tpu.memory_space<vmem_shared>>
      %dma_wait3A_113 = arith.constant 0 : i32
      %dma_wait3A_114 = tpu.memref_slice %arg6[%add3A_44, %dma_wait3A_113] : memref<10240x128xf32, #tpu.memory_space<vmem_shared>> -> memref<128x128xf32, #tpu.memory_space<vmem_shared>>
      %dma_wait3A_115 = arith.constant 0 : i32
      %dma_wait3A_116 = arith.constant 0 : i32
      %dma_wait3A_117 = tpu.memref_slice %arg8[%dma_wait3A_115, %dma_wait3A_116] : memref<128x128xf32, #tpu.memory_space<vmem>> -> memref<128x128xf32, #tpu.memory_space<vmem>>
      tpu.wait_dma2 semaphore(%run_scoped3A : memref<!tpu.dma_semaphore, #tpu.memory_space<semaphore_mem>>) src(%dma_wait3A_117 : memref<128x128xf32, #tpu.memory_space<vmem>>) dst(%dma_wait3A_114 : memref<128x128xf32, #tpu.memory_space<vmem_shared>>)
      tpu.yield
    }) : () -> ()
    %mul3A_45 = arith.constant 640 : i32
    %mul3A_46 = arith.muli %arg1, %mul3A_45 : i32
    %add3A_47 = arith.constant 512 : i32
    %add3A_48 = arith.addi %mul3A_46, %add3A_47 : i32
    "tpu.region"() ({
      %run_scoped3A = tpu.sem_alloc : memref<!tpu.dma_semaphore, #tpu.memory_space<semaphore_mem>>
      %dma_start3A_99 = arith.constant 0 : i32
      %dma_start3A_100 = arith.constant 0 : i32
      %dma_start3A_101 = tpu.memref_slice %arg14[%dma_start3A_99, %dma_start3A_100] : memref<128x16xf32, #tpu.memory_space<vmem>> -> memref<128x16xf32, #tpu.memory_space<vmem>>
      %dma_start3A_102 = arith.constant 0 : i32
      %dma_start3A_103 = tpu.memref_slice %arg13[%add3A_48, %dma_start3A_102] : memref<10240x16xf32, #tpu.memory_space<vmem_shared>> -> memref<128x16xf32, #tpu.memory_space<vmem_shared>>
      %dma_start3A_104 = arith.constant 0 : i32
      %dma_start3A_105 = tpu.memref_slice %arg13[%add3A_48, %dma_start3A_104] : memref<10240x16xf32, #tpu.memory_space<vmem_shared>> -> memref<128x16xf32, #tpu.memory_space<vmem_shared>>
      %dma_start3A_106 = arith.constant 0 : i32
      %dma_start3A_107 = arith.constant 0 : i32
      %dma_start3A_108 = tpu.memref_slice %arg14[%dma_start3A_106, %dma_start3A_107] : memref<128x16xf32, #tpu.memory_space<vmem>> -> memref<128x16xf32, #tpu.memory_space<vmem>>
      tpu.enqueue_dma source(%dma_start3A_108 : memref<128x16xf32, #tpu.memory_space<vmem>>) target(%dma_start3A_105 : memref<128x16xf32, #tpu.memory_space<vmem_shared>>) target_semaphore(%run_scoped3A : memref<!tpu.dma_semaphore, #tpu.memory_space<semaphore_mem>>)
      %dma_wait3A = arith.constant 0 : i32
      %dma_wait3A_109 = arith.constant 0 : i32
      %dma_wait3A_110 = tpu.memref_slice %arg14[%dma_wait3A, %dma_wait3A_109] : memref<128x16xf32, #tpu.memory_space<vmem>> -> memref<128x16xf32, #tpu.memory_space<vmem>>
      %dma_wait3A_111 = arith.constant 0 : i32
      %dma_wait3A_112 = tpu.memref_slice %arg13[%add3A_48, %dma_wait3A_111] : memref<10240x16xf32, #tpu.memory_space<vmem_shared>> -> memref<128x16xf32, #tpu.memory_space<vmem_shared>>
      %dma_wait3A_113 = arith.constant 0 : i32
      %dma_wait3A_114 = tpu.memref_slice %arg13[%add3A_48, %dma_wait3A_113] : memref<10240x16xf32, #tpu.memory_space<vmem_shared>> -> memref<128x16xf32, #tpu.memory_space<vmem_shared>>
      %dma_wait3A_115 = arith.constant 0 : i32
      %dma_wait3A_116 = arith.constant 0 : i32
      %dma_wait3A_117 = tpu.memref_slice %arg14[%dma_wait3A_115, %dma_wait3A_116] : memref<128x16xf32, #tpu.memory_space<vmem>> -> memref<128x16xf32, #tpu.memory_space<vmem>>
      tpu.wait_dma2 semaphore(%run_scoped3A : memref<!tpu.dma_semaphore, #tpu.memory_space<semaphore_mem>>) src(%dma_wait3A_117 : memref<128x16xf32, #tpu.memory_space<vmem>>) dst(%dma_wait3A_114 : memref<128x16xf32, #tpu.memory_space<vmem_shared>>)
      tpu.yield
    }) : () -> ()
    %scan3A_49 = arith.constant 0 : i32
    %scan3A_50 = arith.constant 128 : i32
    %scan3A_51 = arith.addi %scan3A_49, %scan3A_50 : i32
    %scan3A_52 = arith.constant 1 : i32
    scf.for %scan3A_99 = %scan3A_49 to %scan3A_51 step %scan3A_52  : i32 {
      %mul3A_100 = arith.constant 1 : i32
      %mul3A_101 = arith.muli %scan3A_99, %mul3A_100 : i32
      %add3A_102 = arith.constant 0 : i32
      %add3A_103 = arith.addi %add3A_102, %mul3A_101 : i32
      %broadcast_in_dim3A = arith.constant 1.000000e+00 : f32
      %broadcast_in_dim3A_104 = vector.broadcast %broadcast_in_dim3A : f32 to vector<16xf32>
      %swap3A = arith.index_cast %add3A_103 : i32 to index
      %swap3A_105 = arith.constant 0 : index
      %swap3A_106 = tpu.vector_load %arg14[%swap3A, %swap3A_105] {strides = array<i32>} : memref<128x16xf32, #tpu.memory_space<vmem>>, vector<1x16xf32>,
      %swap3A_107 = vector.shape_cast %swap3A_106 : vector<1x16xf32> to vector<16xf32>
      %swap3A_108 = vector.shape_cast %broadcast_in_dim3A_104 : vector<16xf32> to vector<1x16xf32>
      tpu.vector_store %arg14[%swap3A, %swap3A_105], %swap3A_108 {strides = array<i32>} : memref<128x16xf32, #tpu.memory_space<vmem>>, vector<1x16xf32>,
    }
    %scan3A_53 = arith.constant 128 : i32
    "tpu.region"() ({
      %run_scoped3A = tpu.sem_alloc : memref<!tpu.dma_semaphore, #tpu.memory_space<semaphore_mem>>
      %dma_start3A_99 = arith.constant 0 : i32
      %dma_start3A_100 = arith.constant 0 : i32
      %dma_start3A_101 = arith.constant 0 : i32
      %dma_start3A_102 = tpu.memref_slice %arg7[%dma_start3A_99, %dma_start3A_100, %dma_start3A_101] : memref<8x2x128xi32, #tpu.memory_space<vmem>> -> memref<4x2x128xi32, #tpu.memory_space<vmem>>
      %dma_start3A_103 = arith.constant 0 : i32
      %dma_start3A_104 = arith.constant 0 : i32
      %dma_start3A_105 = tpu.memref_slice %arg3[%mul3A_2, %dma_start3A_103, %dma_start3A_104] : memref<2500x2x128xi32, #tpu.memory_space<hbm>> -> memref<4x2x128xi32, #tpu.memory_space<hbm>>
      %dma_start3A_106 = arith.constant 0 : i32
      %dma_start3A_107 = arith.constant 0 : i32
      %dma_start3A_108 = arith.constant 0 : i32
      %dma_start3A_109 = tpu.memref_slice %arg7[%dma_start3A_106, %dma_start3A_107, %dma_start3A_108] : memref<8x2x128xi32, #tpu.memory_space<vmem>> -> memref<4x2x128xi32, #tpu.memory_space<vmem>>
      %dma_start3A_110 = arith.constant 0 : i32
      %dma_start3A_111 = arith.constant 0 : i32
      %dma_start3A_112 = tpu.memref_slice %arg3[%mul3A_2, %dma_start3A_110, %dma_start3A_111] : memref<2500x2x128xi32, #tpu.memory_space<hbm>> -> memref<4x2x128xi32, #tpu.memory_space<hbm>>
      tpu.enqueue_dma source(%dma_start3A_112 : memref<4x2x128xi32, #tpu.memory_space<hbm>>) target(%dma_start3A_109 : memref<4x2x128xi32, #tpu.memory_space<vmem>>) target_semaphore(%run_scoped3A : memref<!tpu.dma_semaphore, #tpu.memory_space<semaphore_mem>>)
      %dma_wait3A = arith.constant 0 : i32
      %dma_wait3A_113 = arith.constant 0 : i32
      %dma_wait3A_114 = arith.constant 0 : i32
      %dma_wait3A_115 = tpu.memref_slice %arg7[%dma_wait3A, %dma_wait3A_113, %dma_wait3A_114] : memref<8x2x128xi32, #tpu.memory_space<vmem>> -> memref<4x2x128xi32, #tpu.memory_space<vmem>>
      %dma_wait3A_116 = arith.constant 0 : i32
      %dma_wait3A_117 = arith.constant 0 : i32
      %dma_wait3A_118 = tpu.memref_slice %arg3[%mul3A_2, %dma_wait3A_116, %dma_wait3A_117] : memref<2500x2x128xi32, #tpu.memory_space<hbm>> -> memref<4x2x128xi32, #tpu.memory_space<hbm>>
      %dma_wait3A_119 = arith.constant 0 : i32
      %dma_wait3A_120 = arith.constant 0 : i32
      %dma_wait3A_121 = arith.constant 0 : i32
      %dma_wait3A_122 = tpu.memref_slice %arg7[%dma_wait3A_119, %dma_wait3A_120, %dma_wait3A_121] : memref<8x2x128xi32, #tpu.memory_space<vmem>> -> memref<4x2x128xi32, #tpu.memory_space<vmem>>
      %dma_wait3A_123 = arith.constant 0 : i32
      %dma_wait3A_124 = arith.constant 0 : i32
      %dma_wait3A_125 = tpu.memref_slice %arg3[%mul3A_2, %dma_wait3A_123, %dma_wait3A_124] : memref<2500x2x128xi32, #tpu.memory_space<hbm>> -> memref<4x2x128xi32, #tpu.memory_space<hbm>>
      tpu.wait_dma2 semaphore(%run_scoped3A : memref<!tpu.dma_semaphore, #tpu.memory_space<semaphore_mem>>) src(%dma_wait3A_125 : memref<4x2x128xi32, #tpu.memory_space<hbm>>) dst(%dma_wait3A_122 : memref<4x2x128xi32, #tpu.memory_space<vmem>>)
      tpu.yield
    }) : () -> ()
    %add3A_54 = arith.constant 4 : i32
    %add3A_55 = arith.addi %mul3A_2, %add3A_54 : i32
    %dma_start3A = arith.constant 4 : i32
    %dma_start3A_56 = arith.constant 0 : i32
    %dma_start3A_57 = arith.constant 0 : i32
    %dma_start3A_58 = tpu.memref_slice %arg7[%dma_start3A, %dma_start3A_56, %dma_start3A_57] : memref<8x2x128xi32, #tpu.memory_space<vmem>> -> memref<4x2x128xi32, #tpu.memory_space<vmem>>
    %dma_start3A_59 = arith.constant 0 : i32
    %dma_start3A_60 = arith.constant 0 : i32
    %dma_start3A_61 = tpu.memref_slice %arg3[%add3A_55, %dma_start3A_59, %dma_start3A_60] : memref<2500x2x128xi32, #tpu.memory_space<hbm>> -> memref<4x2x128xi32, #tpu.memory_space<hbm>>
    %dma_start3A_62 = arith.constant 4 : i32
    %dma_start3A_63 = arith.constant 0 : i32
    %dma_start3A_64 = arith.constant 0 : i32
    %dma_start3A_65 = tpu.memref_slice %arg7[%dma_start3A_62, %dma_start3A_63, %dma_start3A_64] : memref<8x2x128xi32, #tpu.memory_space<vmem>> -> memref<4x2x128xi32, #tpu.memory_space<vmem>>
    %dma_start3A_66 = arith.constant 0 : i32
    %dma_start3A_67 = arith.constant 0 : i32
    %dma_start3A_68 = tpu.memref_slice %arg3[%add3A_55, %dma_start3A_66, %dma_start3A_67] : memref<2500x2x128xi32, #tpu.memory_space<hbm>> -> memref<4x2x128xi32, #tpu.memory_space<hbm>>
    tpu.enqueue_dma source(%dma_start3A_68 : memref<4x2x128xi32, #tpu.memory_space<hbm>>) target(%dma_start3A_65 : memref<4x2x128xi32, #tpu.memory_space<vmem>>) target_semaphore(%arg12 : memref<!tpu.dma_semaphore, #tpu.memory_space<semaphore_mem>>)
    %barrier3A = arith.constant 0 : index
    tpu.barrier barrier_id(%barrier3A)
    %dma_start3A_69 = arith.constant 0 : i32
    %dma_start3A_70 = arith.constant 0 : i32
    %dma_start3A_71 = arith.constant 0 : i32
    %dma_start3A_72 = tpu.memref_slice %arg7[%dma_start3A_69, %dma_start3A_70, %dma_start3A_71] : memref<8x2x128xi32, #tpu.memory_space<vmem>> -> memref<1x1x128xi32, #tpu.memory_space<vmem>>
    %dma_start3A_73 = tpu.memref_squeeze %dma_start3A_72 : memref<1x1x128xi32, #tpu.memory_space<vmem>> -> memref<128xi32, #tpu.memory_space<vmem>>
    %dma_start3A_74 = arith.constant 0 : i32
    %dma_start3A_75 = arith.constant 0 : i32
    %dma_start3A_76 = tpu.memref_slice %arg2[%dma_start3A_74, %dma_start3A_75] : memref<10000x128xf32, #tpu.memory_space<hbm>> -> memref<10000x128xf32, #tpu.memory_space<hbm>>
    tpu.enqueue_indirect_dma source(%dma_start3A_76 : memref<10000x128xf32, #tpu.memory_space<hbm>>) target(%arg8 : memref<128x128xf32, #tpu.memory_space<vmem>>) offsets(%dma_start3A_73 : memref<128xi32, #tpu.memory_space<vmem>>) semaphore(%arg10 : memref<!tpu.dma_semaphore, #tpu.memory_space<semaphore_mem>>)
    %dma_start3A_77 = arith.constant 1 : i32
    %dma_start3A_78 = arith.constant 0 : i32
    %dma_start3A_79 = arith.constant 0 : i32
    %dma_start3A_80 = tpu.memref_slice %arg7[%dma_start3A_77, %dma_start3A_78, %dma_start3A_79] : memref<8x2x128xi32, #tpu.memory_space<vmem>> -> memref<1x1x128xi32, #tpu.memory_space<vmem>>
    %dma_start3A_81 = tpu.memref_squeeze %dma_start3A_80 : memref<1x1x128xi32, #tpu.memory_space<vmem>> -> memref<128xi32, #tpu.memory_space<vmem>>
    %dma_start3A_82 = arith.constant 0 : i32
    %dma_start3A_83 = arith.constant 0 : i32
    %dma_start3A_84 = tpu.memref_slice %arg2[%dma_start3A_82, %dma_start3A_83] : memref<10000x128xf32, #tpu.memory_space<hbm>> -> memref<10000x128xf32, #tpu.memory_space<hbm>>
    tpu.enqueue_indirect_dma source(%dma_start3A_84 : memref<10000x128xf32, #tpu.memory_space<hbm>>) target(%arg9 : memref<128x128xf32, #tpu.memory_space<vmem>>) offsets(%dma_start3A_81 : memref<128xi32, #tpu.memory_space<vmem>>) semaphore(%arg11 : memref<!tpu.dma_semaphore, #tpu.memory_space<semaphore_mem>>)
    %scan3A_85 = arith.constant 0 : i32
    %scan3A_86 = arith.constant 20 : i32
    %scan3A_87 = arith.addi %scan3A_85, %scan3A_86 : i32
    %scan3A_88 = arith.constant 1 : i32
    scf.for %scan3A_99 = %scan3A_85 to %scan3A_87 step %scan3A_88  : i32 {
      %mul3A_100 = arith.constant 1 : i32
      %mul3A_101 = arith.muli %scan3A_99, %mul3A_100 : i32
      %add3A_102 = arith.constant 0 : i32
      %add3A_103 = arith.addi %add3A_102, %mul3A_101 : i32
      %lt3A = arith.cmpi slt, %add3A_103, %select_n3A : i32
      %convert_element_type3A = arith.extui %lt3A : i1 to i32
      %cond3A = arith.constant 0 : i32
      %cond3A_104 = arith.cmpi ne, %convert_element_type3A, %cond3A : i32
      scf.if %cond3A_104 {
        %rem3A = arith.constant 2 : i32
        %rem3A_105 = arith.remsi %add3A_103, %rem3A : i32
        %mul3A_106 = arith.constant 4 : i32
        %mul3A_107 = arith.muli %rem3A_105, %mul3A_106 : i32
        %add3A_108 = arith.constant 1 : i32
        %add3A_109 = arith.addi %add3A_103, %add3A_108 : i32
        %rem3A_110 = arith.constant 2 : i32
        %rem3A_111 = arith.remsi %add3A_109, %rem3A_110 : i32
        %mul3A_112 = arith.constant 4 : i32
        %mul3A_113 = arith.muli %rem3A_111, %mul3A_112 : i32
        %sub3A = arith.constant 1 : i32
        %sub3A_114 = arith.subi %select_n3A, %sub3A : i32
        %lt3A_115 = arith.cmpi slt, %add3A_103, %sub3A_114 : i32
        %convert_element_type3A_116 = arith.extui %lt3A_115 : i1 to i32
        %cond3A_117 = arith.constant 0 : i32
        %cond3A_118 = arith.cmpi ne, %convert_element_type3A_116, %cond3A_117 : i32
        scf.if %cond3A_118 {
          %dma_wait3A_213 = arith.constant 0 : i32
          %dma_wait3A_214 = arith.constant 0 : i32
          %dma_wait3A_215 = arith.constant 0 : i32
          %dma_wait3A_216 = tpu.memref_slice %arg7[%dma_wait3A_213, %dma_wait3A_214, %dma_wait3A_215] : memref<8x2x128xi32, #tpu.memory_space<vmem>> -> memref<4x2x128xi32, #tpu.memory_space<vmem>>
          %dma_wait3A_217 = arith.constant 0 : i32
          %dma_wait3A_218 = arith.constant 0 : i32
          %dma_wait3A_219 = tpu.memref_slice %arg3[%mul3A_2, %dma_wait3A_217, %dma_wait3A_218] : memref<2500x2x128xi32, #tpu.memory_space<hbm>> -> memref<4x2x128xi32, #tpu.memory_space<hbm>>
          %dma_wait3A_220 = arith.constant 0 : i32
          %dma_wait3A_221 = arith.constant 0 : i32
          %dma_wait3A_222 = arith.constant 0 : i32
          %dma_wait3A_223 = tpu.memref_slice %arg7[%dma_wait3A_220, %dma_wait3A_221, %dma_wait3A_222] : memref<8x2x128xi32, #tpu.memory_space<vmem>> -> memref<4x2x128xi32, #tpu.memory_space<vmem>>
          %dma_wait3A_224 = arith.constant 0 : i32
          %dma_wait3A_225 = arith.constant 0 : i32
          %dma_wait3A_226 = tpu.memref_slice %arg3[%mul3A_2, %dma_wait3A_224, %dma_wait3A_225] : memref<2500x2x128xi32, #tpu.memory_space<hbm>> -> memref<4x2x128xi32, #tpu.memory_space<hbm>>
          tpu.wait_dma2 semaphore(%arg12 : memref<!tpu.dma_semaphore, #tpu.memory_space<semaphore_mem>>) src(%dma_wait3A_226 : memref<4x2x128xi32, #tpu.memory_space<hbm>>) dst(%dma_wait3A_223 : memref<4x2x128xi32, #tpu.memory_space<vmem>>)
        } else {
        }
        %dma_wait3A = arith.constant 0 : i32
        %dma_wait3A_119 = arith.constant 0 : i32
        %dma_wait3A_120 = arith.constant 0 : i32
        %dma_wait3A_121 = tpu.memref_slice %arg7[%dma_wait3A, %dma_wait3A_119, %dma_wait3A_120] : memref<8x2x128xi32, #tpu.memory_space<vmem>> -> memref<1x1x128xi32, #tpu.memory_space<vmem>>
        %dma_wait3A_122 = tpu.memref_squeeze %dma_wait3A_121 : memref<1x1x128xi32, #tpu.memory_space<vmem>> -> memref<128xi32, #tpu.memory_space<vmem>>
        %dma_wait3A_123 = arith.constant 0 : i32
        %dma_wait3A_124 = arith.constant 0 : i32
        %dma_wait3A_125 = tpu.memref_slice %arg2[%dma_wait3A_123, %dma_wait3A_124] : memref<10000x128xf32, #tpu.memory_space<hbm>> -> memref<10000x128xf32, #tpu.memory_space<hbm>>
        tpu.wait_indirect_dma semaphore(%arg10 : memref<!tpu.dma_semaphore, #tpu.memory_space<semaphore_mem>>) src(%dma_wait3A_125 : memref<10000x128xf32, #tpu.memory_space<hbm>>) dst(%arg8 : memref<128x128xf32, #tpu.memory_space<vmem>>)
        %add3A_126 = arith.constant 0 : i32
        %add3A_127 = arith.addi %mul3A_107, %add3A_126 : i32
        %run_scoped3A = arith.constant 1 : i32
        "tpu.region"() ({
          %run_scoped3A_213 = tpu.sem_alloc : memref<!tpu.dma_semaphore, #tpu.memory_space<semaphore_mem>>
          %dma_start3A_214 = arith.constant 0 : i32
          %dma_start3A_215 = tpu.memref_slice %arg7[%add3A_127, %run_scoped3A, %dma_start3A_214] : memref<8x2x128xi32, #tpu.memory_space<vmem>> -> memref<1x1x128xi32, #tpu.memory_space<vmem>>
          %dma_start3A_216 = tpu.memref_squeeze %dma_start3A_215 : memref<1x1x128xi32, #tpu.memory_space<vmem>> -> memref<128xi32, #tpu.memory_space<vmem>>
          %dma_start3A_217 = arith.constant 0 : i32
          %dma_start3A_218 = arith.constant 0 : i32
          %dma_start3A_219 = tpu.memref_slice %arg6[%dma_start3A_217, %dma_start3A_218] : memref<10240x128xf32, #tpu.memory_space<vmem_shared>> -> memref<10240x128xf32, #tpu.memory_space<vmem_shared>>
          tpu.enqueue_indirect_dma source(%arg8 : memref<128x128xf32, #tpu.memory_space<vmem>>) target(%dma_start3A_219 : memref<10240x128xf32, #tpu.memory_space<vmem_shared>>) offsets(%dma_start3A_216 : memref<128xi32, #tpu.memory_space<vmem>>) semaphore(%run_scoped3A_213 : memref<!tpu.dma_semaphore, #tpu.memory_space<semaphore_mem>>) {add = true}
          %dma_wait3A_220 = arith.constant 0 : i32
          %dma_wait3A_221 = tpu.memref_slice %arg7[%add3A_127, %run_scoped3A, %dma_wait3A_220] : memref<8x2x128xi32, #tpu.memory_space<vmem>> -> memref<1x1x128xi32, #tpu.memory_space<vmem>>
          %dma_wait3A_222 = tpu.memref_squeeze %dma_wait3A_221 : memref<1x1x128xi32, #tpu.memory_space<vmem>> -> memref<128xi32, #tpu.memory_space<vmem>>
          %dma_wait3A_223 = arith.constant 0 : i32
          %dma_wait3A_224 = arith.constant 0 : i32
          %dma_wait3A_225 = tpu.memref_slice %arg6[%dma_wait3A_223, %dma_wait3A_224] : memref<10240x128xf32, #tpu.memory_space<vmem_shared>> -> memref<10240x128xf32, #tpu.memory_space<vmem_shared>>
          tpu.wait_indirect_dma semaphore(%run_scoped3A_213 : memref<!tpu.dma_semaphore, #tpu.memory_space<semaphore_mem>>) src(%arg8 : memref<128x128xf32, #tpu.memory_space<vmem>>) dst(%dma_wait3A_225 : memref<10240x128xf32, #tpu.memory_space<vmem_shared>>)
          tpu.yield
        }) : () -> ()
        %add3A_128 = arith.constant 0 : i32
        %add3A_129 = arith.addi %mul3A_107, %add3A_128 : i32
        %run_scoped3A_130 = arith.constant 1 : i32
        "tpu.region"() ({
          %run_scoped3A_213 = tpu.sem_alloc : memref<!tpu.dma_semaphore, #tpu.memory_space<semaphore_mem>>
          %dma_start3A_214 = arith.constant 0 : i32
          %dma_start3A_215 = tpu.memref_slice %arg7[%add3A_129, %run_scoped3A_130, %dma_start3A_214] : memref<8x2x128xi32, #tpu.memory_space<vmem>> -> memref<1x1x128xi32, #tpu.memory_space<vmem>>
          %dma_start3A_216 = tpu.memref_squeeze %dma_start3A_215 : memref<1x1x128xi32, #tpu.memory_space<vmem>> -> memref<128xi32, #tpu.memory_space<vmem>>
          %dma_start3A_217 = arith.constant 0 : i32
          %dma_start3A_218 = arith.constant 0 : i32
          %dma_start3A_219 = tpu.memref_slice %arg13[%dma_start3A_217, %dma_start3A_218] : memref<10240x16xf32, #tpu.memory_space<vmem_shared>> -> memref<10240x16xf32, #tpu.memory_space<vmem_shared>>
          tpu.enqueue_indirect_dma source(%arg14 : memref<128x16xf32, #tpu.memory_space<vmem>>) target(%dma_start3A_219 : memref<10240x16xf32, #tpu.memory_space<vmem_shared>>) offsets(%dma_start3A_216 : memref<128xi32, #tpu.memory_space<vmem>>) semaphore(%run_scoped3A_213 : memref<!tpu.dma_semaphore, #tpu.memory_space<semaphore_mem>>) {add = true}
          %dma_wait3A_220 = arith.constant 0 : i32
          %dma_wait3A_221 = tpu.memref_slice %arg7[%add3A_129, %run_scoped3A_130, %dma_wait3A_220] : memref<8x2x128xi32, #tpu.memory_space<vmem>> -> memref<1x1x128xi32, #tpu.memory_space<vmem>>
          %dma_wait3A_222 = tpu.memref_squeeze %dma_wait3A_221 : memref<1x1x128xi32, #tpu.memory_space<vmem>> -> memref<128xi32, #tpu.memory_space<vmem>>
          %dma_wait3A_223 = arith.constant 0 : i32
          %dma_wait3A_224 = arith.constant 0 : i32
          %dma_wait3A_225 = tpu.memref_slice %arg13[%dma_wait3A_223, %dma_wait3A_224] : memref<10240x16xf32, #tpu.memory_space<vmem_shared>> -> memref<10240x16xf32, #tpu.memory_space<vmem_shared>>
          tpu.wait_indirect_dma semaphore(%run_scoped3A_213 : memref<!tpu.dma_semaphore, #tpu.memory_space<semaphore_mem>>) src(%arg14 : memref<128x16xf32, #tpu.memory_space<vmem>>) dst(%dma_wait3A_225 : memref<10240x16xf32, #tpu.memory_space<vmem_shared>>)
          tpu.yield
        }) : () -> ()
        %add3A_131 = arith.constant 0 : i32
        %add3A_132 = arith.addi %mul3A_107, %add3A_131 : i32
        %add3A_133 = arith.constant 2 : i32
        %add3A_134 = arith.addi %add3A_132, %add3A_133 : i32
        %dma_start3A_135 = arith.constant 0 : i32
        %dma_start3A_136 = arith.constant 0 : i32
        %dma_start3A_137 = tpu.memref_slice %arg7[%add3A_134, %dma_start3A_135, %dma_start3A_136] : memref<8x2x128xi32, #tpu.memory_space<vmem>> -> memref<1x1x128xi32, #tpu.memory_space<vmem>>
        %dma_start3A_138 = tpu.memref_squeeze %dma_start3A_137 : memref<1x1x128xi32, #tpu.memory_space<vmem>> -> memref<128xi32, #tpu.memory_space<vmem>>
        %dma_start3A_139 = arith.constant 0 : i32
        %dma_start3A_140 = arith.constant 0 : i32
        %dma_start3A_141 = tpu.memref_slice %arg2[%dma_start3A_139, %dma_start3A_140] : memref<10000x128xf32, #tpu.memory_space<hbm>> -> memref<10000x128xf32, #tpu.memory_space<hbm>>
        tpu.enqueue_indirect_dma source(%dma_start3A_141 : memref<10000x128xf32, #tpu.memory_space<hbm>>) target(%arg8 : memref<128x128xf32, #tpu.memory_space<vmem>>) offsets(%dma_start3A_138 : memref<128xi32, #tpu.memory_space<vmem>>) semaphore(%arg10 : memref<!tpu.dma_semaphore, #tpu.memory_space<semaphore_mem>>)
        %dma_wait3A_142 = arith.constant 0 : i32
        %dma_wait3A_143 = arith.constant 0 : i32
        %dma_wait3A_144 = arith.constant 0 : i32
        %dma_wait3A_145 = tpu.memref_slice %arg7[%dma_wait3A_142, %dma_wait3A_143, %dma_wait3A_144] : memref<8x2x128xi32, #tpu.memory_space<vmem>> -> memref<1x1x128xi32, #tpu.memory_space<vmem>>
        %dma_wait3A_146 = tpu.memref_squeeze %dma_wait3A_145 : memref<1x1x128xi32, #tpu.memory_space<vmem>> -> memref<128xi32, #tpu.memory_space<vmem>>
        %dma_wait3A_147 = arith.constant 0 : i32
        %dma_wait3A_148 = arith.constant 0 : i32
        %dma_wait3A_149 = tpu.memref_slice %arg2[%dma_wait3A_147, %dma_wait3A_148] : memref<10000x128xf32, #tpu.memory_space<hbm>> -> memref<10000x128xf32, #tpu.memory_space<hbm>>
        tpu.wait_indirect_dma semaphore(%arg11 : memref<!tpu.dma_semaphore, #tpu.memory_space<semaphore_mem>>) src(%dma_wait3A_149 : memref<10000x128xf32, #tpu.memory_space<hbm>>) dst(%arg9 : memref<128x128xf32, #tpu.memory_space<vmem>>)
        %add3A_150 = arith.constant 1 : i32
        %add3A_151 = arith.addi %mul3A_107, %add3A_150 : i32
        %run_scoped3A_152 = arith.constant 1 : i32
        "tpu.region"() ({
          %run_scoped3A_213 = tpu.sem_alloc : memref<!tpu.dma_semaphore, #tpu.memory_space<semaphore_mem>>
          %dma_start3A_214 = arith.constant 0 : i32
          %dma_start3A_215 = tpu.memref_slice %arg7[%add3A_151, %run_scoped3A_152, %dma_start3A_214] : memref<8x2x128xi32, #tpu.memory_space<vmem>> -> memref<1x1x128xi32, #tpu.memory_space<vmem>>
          %dma_start3A_216 = tpu.memref_squeeze %dma_start3A_215 : memref<1x1x128xi32, #tpu.memory_space<vmem>> -> memref<128xi32, #tpu.memory_space<vmem>>
          %dma_start3A_217 = arith.constant 0 : i32
          %dma_start3A_218 = arith.constant 0 : i32
          %dma_start3A_219 = tpu.memref_slice %arg6[%dma_start3A_217, %dma_start3A_218] : memref<10240x128xf32, #tpu.memory_space<vmem_shared>> -> memref<10240x128xf32, #tpu.memory_space<vmem_shared>>
          tpu.enqueue_indirect_dma source(%arg9 : memref<128x128xf32, #tpu.memory_space<vmem>>) target(%dma_start3A_219 : memref<10240x128xf32, #tpu.memory_space<vmem_shared>>) offsets(%dma_start3A_216 : memref<128xi32, #tpu.memory_space<vmem>>) semaphore(%run_scoped3A_213 : memref<!tpu.dma_semaphore, #tpu.memory_space<semaphore_mem>>) {add = true}
          %dma_wait3A_220 = arith.constant 0 : i32
          %dma_wait3A_221 = tpu.memref_slice %arg7[%add3A_151, %run_scoped3A_152, %dma_wait3A_220] : memref<8x2x128xi32, #tpu.memory_space<vmem>> -> memref<1x1x128xi32, #tpu.memory_space<vmem>>
          %dma_wait3A_222 = tpu.memref_squeeze %dma_wait3A_221 : memref<1x1x128xi32, #tpu.memory_space<vmem>> -> memref<128xi32, #tpu.memory_space<vmem>>
          %dma_wait3A_223 = arith.constant 0 : i32
          %dma_wait3A_224 = arith.constant 0 : i32
          %dma_wait3A_225 = tpu.memref_slice %arg6[%dma_wait3A_223, %dma_wait3A_224] : memref<10240x128xf32, #tpu.memory_space<vmem_shared>> -> memref<10240x128xf32, #tpu.memory_space<vmem_shared>>
          tpu.wait_indirect_dma semaphore(%run_scoped3A_213 : memref<!tpu.dma_semaphore, #tpu.memory_space<semaphore_mem>>) src(%arg9 : memref<128x128xf32, #tpu.memory_space<vmem>>) dst(%dma_wait3A_225 : memref<10240x128xf32, #tpu.memory_space<vmem_shared>>)
          tpu.yield
        }) : () -> ()
        %add3A_153 = arith.constant 1 : i32
        %add3A_154 = arith.addi %mul3A_107, %add3A_153 : i32
        %run_scoped3A_155 = arith.constant 1 : i32
        "tpu.region"() ({
          %run_scoped3A_213 = tpu.sem_alloc : memref<!tpu.dma_semaphore, #tpu.memory_space<semaphore_mem>>
          %dma_start3A_214 = arith.constant 0 : i32
          %dma_start3A_215 = tpu.memref_slice %arg7[%add3A_154, %run_scoped3A_155, %dma_start3A_214] : memref<8x2x128xi32, #tpu.memory_space<vmem>> -> memref<1x1x128xi32, #tpu.memory_space<vmem>>
          %dma_start3A_216 = tpu.memref_squeeze %dma_start3A_215 : memref<1x1x128xi32, #tpu.memory_space<vmem>> -> memref<128xi32, #tpu.memory_space<vmem>>
          %dma_start3A_217 = arith.constant 0 : i32
          %dma_start3A_218 = arith.constant 0 : i32
          %dma_start3A_219 = tpu.memref_slice %arg13[%dma_start3A_217, %dma_start3A_218] : memref<10240x16xf32, #tpu.memory_space<vmem_shared>> -> memref<10240x16xf32, #tpu.memory_space<vmem_shared>>
          tpu.enqueue_indirect_dma source(%arg14 : memref<128x16xf32, #tpu.memory_space<vmem>>) target(%dma_start3A_219 : memref<10240x16xf32, #tpu.memory_space<vmem_shared>>) offsets(%dma_start3A_216 : memref<128xi32, #tpu.memory_space<vmem>>) semaphore(%run_scoped3A_213 : memref<!tpu.dma_semaphore, #tpu.memory_space<semaphore_mem>>) {add = true}
          %dma_wait3A_220 = arith.constant 0 : i32
          %dma_wait3A_221 = tpu.memref_slice %arg7[%add3A_154, %run_scoped3A_155, %dma_wait3A_220] : memref<8x2x128xi32, #tpu.memory_space<vmem>> -> memref<1x1x128xi32, #tpu.memory_space<vmem>>
          %dma_wait3A_222 = tpu.memref_squeeze %dma_wait3A_221 : memref<1x1x128xi32, #tpu.memory_space<vmem>> -> memref<128xi32, #tpu.memory_space<vmem>>
          %dma_wait3A_223 = arith.constant 0 : i32
          %dma_wait3A_224 = arith.constant 0 : i32
          %dma_wait3A_225 = tpu.memref_slice %arg13[%dma_wait3A_223, %dma_wait3A_224] : memref<10240x16xf32, #tpu.memory_space<vmem_shared>> -> memref<10240x16xf32, #tpu.memory_space<vmem_shared>>
          tpu.wait_indirect_dma semaphore(%run_scoped3A_213 : memref<!tpu.dma_semaphore, #tpu.memory_space<semaphore_mem>>) src(%arg14 : memref<128x16xf32, #tpu.memory_space<vmem>>) dst(%dma_wait3A_225 : memref<10240x16xf32, #tpu.memory_space<vmem_shared>>)
          tpu.yield
        }) : () -> ()
        %add3A_156 = arith.constant 1 : i32
        %add3A_157 = arith.addi %mul3A_107, %add3A_156 : i32
        %add3A_158 = arith.constant 2 : i32
        %add3A_159 = arith.addi %add3A_157, %add3A_158 : i32
        %dma_start3A_160 = arith.constant 0 : i32
        %dma_start3A_161 = arith.constant 0 : i32
        %dma_start3A_162 = tpu.memref_slice %arg7[%add3A_159, %dma_start3A_160, %dma_start3A_161] : memref<8x2x128xi32, #tpu.memory_space<vmem>> -> memref<1x1x128xi32, #tpu.memory_space<vmem>>
        %dma_start3A_163 = tpu.memref_squeeze %dma_start3A_162 : memref<1x1x128xi32, #tpu.memory_space<vmem>> -> memref<128xi32, #tpu.memory_space<vmem>>
        %dma_start3A_164 = arith.constant 0 : i32
        %dma_start3A_165 = arith.constant 0 : i32
        %dma_start3A_166 = tpu.memref_slice %arg2[%dma_start3A_164, %dma_start3A_165] : memref<10000x128xf32, #tpu.memory_space<hbm>> -> memref<10000x128xf32, #tpu.memory_space<hbm>>
        tpu.enqueue_indirect_dma source(%dma_start3A_166 : memref<10000x128xf32, #tpu.memory_space<hbm>>) target(%arg9 : memref<128x128xf32, #tpu.memory_space<vmem>>) offsets(%dma_start3A_163 : memref<128xi32, #tpu.memory_space<vmem>>) semaphore(%arg11 : memref<!tpu.dma_semaphore, #tpu.memory_space<semaphore_mem>>)
        %dma_wait3A_167 = arith.constant 0 : i32
        %dma_wait3A_168 = arith.constant 0 : i32
        %dma_wait3A_169 = arith.constant 0 : i32
        %dma_wait3A_170 = tpu.memref_slice %arg7[%dma_wait3A_167, %dma_wait3A_168, %dma_wait3A_169] : memref<8x2x128xi32, #tpu.memory_space<vmem>> -> memref<1x1x128xi32, #tpu.memory_space<vmem>>
        %dma_wait3A_171 = tpu.memref_squeeze %dma_wait3A_170 : memref<1x1x128xi32, #tpu.memory_space<vmem>> -> memref<128xi32, #tpu.memory_space<vmem>>
        %dma_wait3A_172 = arith.constant 0 : i32
        %dma_wait3A_173 = arith.constant 0 : i32
        %dma_wait3A_174 = tpu.memref_slice %arg2[%dma_wait3A_172, %dma_wait3A_173] : memref<10000x128xf32, #tpu.memory_space<hbm>> -> memref<10000x128xf32, #tpu.memory_space<hbm>>
        tpu.wait_indirect_dma semaphore(%arg10 : memref<!tpu.dma_semaphore, #tpu.memory_space<semaphore_mem>>) src(%dma_wait3A_174 : memref<10000x128xf32, #tpu.memory_space<hbm>>) dst(%arg8 : memref<128x128xf32, #tpu.memory_space<vmem>>)
        %add3A_175 = arith.constant 2 : i32
        %add3A_176 = arith.addi %mul3A_107, %add3A_175 : i32
        %run_scoped3A_177 = arith.constant 1 : i32
        "tpu.region"() ({
          %run_scoped3A_213 = tpu.sem_alloc : memref<!tpu.dma_semaphore, #tpu.memory_space<semaphore_mem>>
          %dma_start3A_214 = arith.constant 0 : i32
          %dma_start3A_215 = tpu.memref_slice %arg7[%add3A_176, %run_scoped3A_177, %dma_start3A_214] : memref<8x2x128xi32, #tpu.memory_space<vmem>> -> memref<1x1x128xi32, #tpu.memory_space<vmem>>
          %dma_start3A_216 = tpu.memref_squeeze %dma_start3A_215 : memref<1x1x128xi32, #tpu.memory_space<vmem>> -> memref<128xi32, #tpu.memory_space<vmem>>
          %dma_start3A_217 = arith.constant 0 : i32
          %dma_start3A_218 = arith.constant 0 : i32
          %dma_start3A_219 = tpu.memref_slice %arg6[%dma_start3A_217, %dma_start3A_218] : memref<10240x128xf32, #tpu.memory_space<vmem_shared>> -> memref<10240x128xf32, #tpu.memory_space<vmem_shared>>
          tpu.enqueue_indirect_dma source(%arg8 : memref<128x128xf32, #tpu.memory_space<vmem>>) target(%dma_start3A_219 : memref<10240x128xf32, #tpu.memory_space<vmem_shared>>) offsets(%dma_start3A_216 : memref<128xi32, #tpu.memory_space<vmem>>) semaphore(%run_scoped3A_213 : memref<!tpu.dma_semaphore, #tpu.memory_space<semaphore_mem>>) {add = true}
          %dma_wait3A_220 = arith.constant 0 : i32
          %dma_wait3A_221 = tpu.memref_slice %arg7[%add3A_176, %run_scoped3A_177, %dma_wait3A_220] : memref<8x2x128xi32, #tpu.memory_space<vmem>> -> memref<1x1x128xi32, #tpu.memory_space<vmem>>
          %dma_wait3A_222 = tpu.memref_squeeze %dma_wait3A_221 : memref<1x1x128xi32, #tpu.memory_space<vmem>> -> memref<128xi32, #tpu.memory_space<vmem>>
          %dma_wait3A_223 = arith.constant 0 : i32
          %dma_wait3A_224 = arith.constant 0 : i32
          %dma_wait3A_225 = tpu.memref_slice %arg6[%dma_wait3A_223, %dma_wait3A_224] : memref<10240x128xf32, #tpu.memory_space<vmem_shared>> -> memref<10240x128xf32, #tpu.memory_space<vmem_shared>>
          tpu.wait_indirect_dma semaphore(%run_scoped3A_213 : memref<!tpu.dma_semaphore, #tpu.memory_space<semaphore_mem>>) src(%arg8 : memref<128x128xf32, #tpu.memory_space<vmem>>) dst(%dma_wait3A_225 : memref<10240x128xf32, #tpu.memory_space<vmem_shared>>)
          tpu.yield
        }) : () -> ()
        %add3A_178 = arith.constant 2 : i32
        %add3A_179 = arith.addi %mul3A_107, %add3A_178 : i32
        %run_scoped3A_180 = arith.constant 1 : i32
        "tpu.region"() ({
          %run_scoped3A_213 = tpu.sem_alloc : memref<!tpu.dma_semaphore, #tpu.memory_space<semaphore_mem>>
          %dma_start3A_214 = arith.constant 0 : i32
          %dma_start3A_215 = tpu.memref_slice %arg7[%add3A_179, %run_scoped3A_180, %dma_start3A_214] : memref<8x2x128xi32, #tpu.memory_space<vmem>> -> memref<1x1x128xi32, #tpu.memory_space<vmem>>
          %dma_start3A_216 = tpu.memref_squeeze %dma_start3A_215 : memref<1x1x128xi32, #tpu.memory_space<vmem>> -> memref<128xi32, #tpu.memory_space<vmem>>
          %dma_start3A_217 = arith.constant 0 : i32
          %dma_start3A_218 = arith.constant 0 : i32
          %dma_start3A_219 = tpu.memref_slice %arg13[%dma_start3A_217, %dma_start3A_218] : memref<10240x16xf32, #tpu.memory_space<vmem_shared>> -> memref<10240x16xf32, #tpu.memory_space<vmem_shared>>
          tpu.enqueue_indirect_dma source(%arg14 : memref<128x16xf32, #tpu.memory_space<vmem>>) target(%dma_start3A_219 : memref<10240x16xf32, #tpu.memory_space<vmem_shared>>) offsets(%dma_start3A_216 : memref<128xi32, #tpu.memory_space<vmem>>) semaphore(%run_scoped3A_213 : memref<!tpu.dma_semaphore, #tpu.memory_space<semaphore_mem>>) {add = true}
          %dma_wait3A_220 = arith.constant 0 : i32
          %dma_wait3A_221 = tpu.memref_slice %arg7[%add3A_179, %run_scoped3A_180, %dma_wait3A_220] : memref<8x2x128xi32, #tpu.memory_space<vmem>> -> memref<1x1x128xi32, #tpu.memory_space<vmem>>
          %dma_wait3A_222 = tpu.memref_squeeze %dma_wait3A_221 : memref<1x1x128xi32, #tpu.memory_space<vmem>> -> memref<128xi32, #tpu.memory_space<vmem>>
          %dma_wait3A_223 = arith.constant 0 : i32
          %dma_wait3A_224 = arith.constant 0 : i32
          %dma_wait3A_225 = tpu.memref_slice %arg13[%dma_wait3A_223, %dma_wait3A_224] : memref<10240x16xf32, #tpu.memory_space<vmem_shared>> -> memref<10240x16xf32, #tpu.memory_space<vmem_shared>>
          tpu.wait_indirect_dma semaphore(%run_scoped3A_213 : memref<!tpu.dma_semaphore, #tpu.memory_space<semaphore_mem>>) src(%arg14 : memref<128x16xf32, #tpu.memory_space<vmem>>) dst(%dma_wait3A_225 : memref<10240x16xf32, #tpu.memory_space<vmem_shared>>)
          tpu.yield
        }) : () -> ()
        %sub3A_181 = arith.constant 1 : i32
        %sub3A_182 = arith.subi %select_n3A, %sub3A_181 : i32
        %lt3A_183 = arith.cmpi slt, %add3A_103, %sub3A_182 : i32
        %convert_element_type3A_184 = arith.extui %lt3A_183 : i1 to i32
        %cond3A_185 = arith.constant 0 : i32
        %cond3A_186 = arith.cmpi ne, %convert_element_type3A_184, %cond3A_185 : i32
        scf.if %cond3A_186 {
          %add3A_213 = arith.constant 2 : i32
          %add3A_214 = arith.addi %mul3A_113, %add3A_213 : i32
          %sub3A_215 = arith.constant 2 : i32
          %sub3A_216 = arith.subi %add3A_214, %sub3A_215 : i32
          %dma_start3A_217 = arith.constant 0 : i32
          %dma_start3A_218 = arith.constant 0 : i32
          %dma_start3A_219 = tpu.memref_slice %arg7[%sub3A_216, %dma_start3A_217, %dma_start3A_218] : memref<8x2x128xi32, #tpu.memory_space<vmem>> -> memref<1x1x128xi32, #tpu.memory_space<vmem>>
          %dma_start3A_220 = tpu.memref_squeeze %dma_start3A_219 : memref<1x1x128xi32, #tpu.memory_space<vmem>> -> memref<128xi32, #tpu.memory_space<vmem>>
          %dma_start3A_221 = arith.constant 0 : i32
          %dma_start3A_222 = arith.constant 0 : i32
          %dma_start3A_223 = tpu.memref_slice %arg2[%dma_start3A_221, %dma_start3A_222] : memref<10000x128xf32, #tpu.memory_space<hbm>> -> memref<10000x128xf32, #tpu.memory_space<hbm>>
          tpu.enqueue_indirect_dma source(%dma_start3A_223 : memref<10000x128xf32, #tpu.memory_space<hbm>>) target(%arg8 : memref<128x128xf32, #tpu.memory_space<vmem>>) offsets(%dma_start3A_220 : memref<128xi32, #tpu.memory_space<vmem>>) semaphore(%arg10 : memref<!tpu.dma_semaphore, #tpu.memory_space<semaphore_mem>>)
        } else {
        }
        %dma_wait3A_187 = arith.constant 0 : i32
        %dma_wait3A_188 = arith.constant 0 : i32
        %dma_wait3A_189 = arith.constant 0 : i32
        %dma_wait3A_190 = tpu.memref_slice %arg7[%dma_wait3A_187, %dma_wait3A_188, %dma_wait3A_189] : memref<8x2x128xi32, #tpu.memory_space<vmem>> -> memref<1x1x128xi32, #tpu.memory_space<vmem>>
        %dma_wait3A_191 = tpu.memref_squeeze %dma_wait3A_190 : memref<1x1x128xi32, #tpu.memory_space<vmem>> -> memref<128xi32, #tpu.memory_space<vmem>>
        %dma_wait3A_192 = arith.constant 0 : i32
        %dma_wait3A_193 = arith.constant 0 : i32
        %dma_wait3A_194 = tpu.memref_slice %arg2[%dma_wait3A_192, %dma_wait3A_193] : memref<10000x128xf32, #tpu.memory_space<hbm>> -> memref<10000x128xf32, #tpu.memory_space<hbm>>
        tpu.wait_indirect_dma semaphore(%arg11 : memref<!tpu.dma_semaphore, #tpu.memory_space<semaphore_mem>>) src(%dma_wait3A_194 : memref<10000x128xf32, #tpu.memory_space<hbm>>) dst(%arg9 : memref<128x128xf32, #tpu.memory_space<vmem>>)
        %add3A_195 = arith.constant 3 : i32
        %add3A_196 = arith.addi %mul3A_107, %add3A_195 : i32
        %run_scoped3A_197 = arith.constant 1 : i32
        "tpu.region"() ({
          %run_scoped3A_213 = tpu.sem_alloc : memref<!tpu.dma_semaphore, #tpu.memory_space<semaphore_mem>>
          %dma_start3A_214 = arith.constant 0 : i32
          %dma_start3A_215 = tpu.memref_slice %arg7[%add3A_196, %run_scoped3A_197, %dma_start3A_214] : memref<8x2x128xi32, #tpu.memory_space<vmem>> -> memref<1x1x128xi32, #tpu.memory_space<vmem>>
          %dma_start3A_216 = tpu.memref_squeeze %dma_start3A_215 : memref<1x1x128xi32, #tpu.memory_space<vmem>> -> memref<128xi32, #tpu.memory_space<vmem>>
          %dma_start3A_217 = arith.constant 0 : i32
          %dma_start3A_218 = arith.constant 0 : i32
          %dma_start3A_219 = tpu.memref_slice %arg6[%dma_start3A_217, %dma_start3A_218] : memref<10240x128xf32, #tpu.memory_space<vmem_shared>> -> memref<10240x128xf32, #tpu.memory_space<vmem_shared>>
          tpu.enqueue_indirect_dma source(%arg9 : memref<128x128xf32, #tpu.memory_space<vmem>>) target(%dma_start3A_219 : memref<10240x128xf32, #tpu.memory_space<vmem_shared>>) offsets(%dma_start3A_216 : memref<128xi32, #tpu.memory_space<vmem>>) semaphore(%run_scoped3A_213 : memref<!tpu.dma_semaphore, #tpu.memory_space<semaphore_mem>>) {add = true}
          %dma_wait3A_220 = arith.constant 0 : i32
          %dma_wait3A_221 = tpu.memref_slice %arg7[%add3A_196, %run_scoped3A_197, %dma_wait3A_220] : memref<8x2x128xi32, #tpu.memory_space<vmem>> -> memref<1x1x128xi32, #tpu.memory_space<vmem>>
          %dma_wait3A_222 = tpu.memref_squeeze %dma_wait3A_221 : memref<1x1x128xi32, #tpu.memory_space<vmem>> -> memref<128xi32, #tpu.memory_space<vmem>>
          %dma_wait3A_223 = arith.constant 0 : i32
          %dma_wait3A_224 = arith.constant 0 : i32
          %dma_wait3A_225 = tpu.memref_slice %arg6[%dma_wait3A_223, %dma_wait3A_224] : memref<10240x128xf32, #tpu.memory_space<vmem_shared>> -> memref<10240x128xf32, #tpu.memory_space<vmem_shared>>
          tpu.wait_indirect_dma semaphore(%run_scoped3A_213 : memref<!tpu.dma_semaphore, #tpu.memory_space<semaphore_mem>>) src(%arg9 : memref<128x128xf32, #tpu.memory_space<vmem>>) dst(%dma_wait3A_225 : memref<10240x128xf32, #tpu.memory_space<vmem_shared>>)
          tpu.yield
        }) : () -> ()
        %add3A_198 = arith.constant 3 : i32
        %add3A_199 = arith.addi %mul3A_107, %add3A_198 : i32
        %run_scoped3A_200 = arith.constant 1 : i32
        "tpu.region"() ({
          %run_scoped3A_213 = tpu.sem_alloc : memref<!tpu.dma_semaphore, #tpu.memory_space<semaphore_mem>>
          %dma_start3A_214 = arith.constant 0 : i32
          %dma_start3A_215 = tpu.memref_slice %arg7[%add3A_199, %run_scoped3A_200, %dma_start3A_214] : memref<8x2x128xi32, #tpu.memory_space<vmem>> -> memref<1x1x128xi32, #tpu.memory_space<vmem>>
          %dma_start3A_216 = tpu.memref_squeeze %dma_start3A_215 : memref<1x1x128xi32, #tpu.memory_space<vmem>> -> memref<128xi32, #tpu.memory_space<vmem>>
          %dma_start3A_217 = arith.constant 0 : i32
          %dma_start3A_218 = arith.constant 0 : i32
          %dma_start3A_219 = tpu.memref_slice %arg13[%dma_start3A_217, %dma_start3A_218] : memref<10240x16xf32, #tpu.memory_space<vmem_shared>> -> memref<10240x16xf32, #tpu.memory_space<vmem_shared>>
          tpu.enqueue_indirect_dma source(%arg14 : memref<128x16xf32, #tpu.memory_space<vmem>>) target(%dma_start3A_219 : memref<10240x16xf32, #tpu.memory_space<vmem_shared>>) offsets(%dma_start3A_216 : memref<128xi32, #tpu.memory_space<vmem>>) semaphore(%run_scoped3A_213 : memref<!tpu.dma_semaphore, #tpu.memory_space<semaphore_mem>>) {add = true}
          %dma_wait3A_220 = arith.constant 0 : i32
          %dma_wait3A_221 = tpu.memref_slice %arg7[%add3A_199, %run_scoped3A_200, %dma_wait3A_220] : memref<8x2x128xi32, #tpu.memory_space<vmem>> -> memref<1x1x128xi32, #tpu.memory_space<vmem>>
          %dma_wait3A_222 = tpu.memref_squeeze %dma_wait3A_221 : memref<1x1x128xi32, #tpu.memory_space<vmem>> -> memref<128xi32, #tpu.memory_space<vmem>>
          %dma_wait3A_223 = arith.constant 0 : i32
          %dma_wait3A_224 = arith.constant 0 : i32
          %dma_wait3A_225 = tpu.memref_slice %arg13[%dma_wait3A_223, %dma_wait3A_224] : memref<10240x16xf32, #tpu.memory_space<vmem_shared>> -> memref<10240x16xf32, #tpu.memory_space<vmem_shared>>
          tpu.wait_indirect_dma semaphore(%run_scoped3A_213 : memref<!tpu.dma_semaphore, #tpu.memory_space<semaphore_mem>>) src(%arg14 : memref<128x16xf32, #tpu.memory_space<vmem>>) dst(%dma_wait3A_225 : memref<10240x16xf32, #tpu.memory_space<vmem_shared>>)
          tpu.yield
        }) : () -> ()
        %sub3A_201 = arith.constant 1 : i32
        %sub3A_202 = arith.subi %select_n3A, %sub3A_201 : i32
        %lt3A_203 = arith.cmpi slt, %add3A_103, %sub3A_202 : i32
        %convert_element_type3A_204 = arith.extui %lt3A_203 : i1 to i32
        %cond3A_205 = arith.constant 0 : i32
        %cond3A_206 = arith.cmpi ne, %convert_element_type3A_204, %cond3A_205 : i32
        scf.if %cond3A_206 {
          %add3A_213 = arith.constant 3 : i32
          %add3A_214 = arith.addi %mul3A_113, %add3A_213 : i32
          %sub3A_215 = arith.constant 2 : i32
          %sub3A_216 = arith.subi %add3A_214, %sub3A_215 : i32
          %dma_start3A_217 = arith.constant 0 : i32
          %dma_start3A_218 = arith.constant 0 : i32
          %dma_start3A_219 = tpu.memref_slice %arg7[%sub3A_216, %dma_start3A_217, %dma_start3A_218] : memref<8x2x128xi32, #tpu.memory_space<vmem>> -> memref<1x1x128xi32, #tpu.memory_space<vmem>>
          %dma_start3A_220 = tpu.memref_squeeze %dma_start3A_219 : memref<1x1x128xi32, #tpu.memory_space<vmem>> -> memref<128xi32, #tpu.memory_space<vmem>>
          %dma_start3A_221 = arith.constant 0 : i32
          %dma_start3A_222 = arith.constant 0 : i32
          %dma_start3A_223 = tpu.memref_slice %arg2[%dma_start3A_221, %dma_start3A_222] : memref<10000x128xf32, #tpu.memory_space<hbm>> -> memref<10000x128xf32, #tpu.memory_space<hbm>>
          tpu.enqueue_indirect_dma source(%dma_start3A_223 : memref<10000x128xf32, #tpu.memory_space<hbm>>) target(%arg9 : memref<128x128xf32, #tpu.memory_space<vmem>>) offsets(%dma_start3A_220 : memref<128xi32, #tpu.memory_space<vmem>>) semaphore(%arg11 : memref<!tpu.dma_semaphore, #tpu.memory_space<semaphore_mem>>)
        } else {
        }
        %sub3A_207 = arith.constant 2 : i32
        %sub3A_208 = arith.subi %select_n3A, %sub3A_207 : i32
        %lt3A_209 = arith.cmpi slt, %add3A_103, %sub3A_208 : i32
        %convert_element_type3A_210 = arith.extui %lt3A_209 : i1 to i32
        %cond3A_211 = arith.constant 0 : i32
        %cond3A_212 = arith.cmpi ne, %convert_element_type3A_210, %cond3A_211 : i32
        scf.if %cond3A_212 {
          %add3A_213 = arith.constant 2 : i32
          %add3A_214 = arith.addi %add3A_103, %add3A_213 : i32
          %mul3A_215 = arith.constant 4 : i32
          %mul3A_216 = arith.muli %add3A_214, %mul3A_215 : i32
          %add3A_217 = arith.addi %mul3A_2, %mul3A_216 : i32
          %dma_start3A_218 = arith.constant 0 : i32
          %dma_start3A_219 = arith.constant 0 : i32
          %dma_start3A_220 = tpu.memref_slice %arg7[%mul3A_107, %dma_start3A_218, %dma_start3A_219] : memref<8x2x128xi32, #tpu.memory_space<vmem>> -> memref<4x2x128xi32, #tpu.memory_space<vmem>>
          %dma_start3A_221 = arith.constant 0 : i32
          %dma_start3A_222 = arith.constant 0 : i32
          %dma_start3A_223 = tpu.memref_slice %arg3[%add3A_217, %dma_start3A_221, %dma_start3A_222] : memref<2500x2x128xi32, #tpu.memory_space<hbm>> -> memref<4x2x128xi32, #tpu.memory_space<hbm>>
          %dma_start3A_224 = arith.constant 0 : i32
          %dma_start3A_225 = arith.constant 0 : i32
          %dma_start3A_226 = tpu.memref_slice %arg7[%mul3A_107, %dma_start3A_224, %dma_start3A_225] : memref<8x2x128xi32, #tpu.memory_space<vmem>> -> memref<4x2x128xi32, #tpu.memory_space<vmem>>
          %dma_start3A_227 = arith.constant 0 : i32
          %dma_start3A_228 = arith.constant 0 : i32
          %dma_start3A_229 = tpu.memref_slice %arg3[%add3A_217, %dma_start3A_227, %dma_start3A_228] : memref<2500x2x128xi32, #tpu.memory_space<hbm>> -> memref<4x2x128xi32, #tpu.memory_space<hbm>>
          tpu.enqueue_dma source(%dma_start3A_229 : memref<4x2x128xi32, #tpu.memory_space<hbm>>) target(%dma_start3A_226 : memref<4x2x128xi32, #tpu.memory_space<vmem>>) target_semaphore(%arg12 : memref<!tpu.dma_semaphore, #tpu.memory_space<semaphore_mem>>)
        } else {
        }
      } else {
      }
    }
    %scan3A_89 = arith.constant 20 : i32
    %barrier3A_90 = arith.constant 0 : index
    tpu.barrier barrier_id(%barrier3A_90)
    %mul3A_91 = arith.constant 640 : i32
    %mul3A_92 = arith.muli %arg1, %mul3A_91 : i32
    %mul3A_93 = arith.constant 640 : i32
    %mul3A_94 = arith.muli %arg1, %mul3A_93 : i32
    "tpu.region"() ({
      %run_scoped3A = tpu.sem_alloc : memref<!tpu.dma_semaphore, #tpu.memory_space<semaphore_mem>>
      %dma_start3A_99 = arith.constant 0 : i32
      %dma_start3A_100 = arith.constant 0 : i32
      %dma_start3A_101 = tpu.memref_slice %arg4[%arg0, %dma_start3A_99, %dma_start3A_100] : memref<2x10240x128xf32, #tpu.memory_space<hbm>> -> memref<1x10240x128xf32, #tpu.memory_space<hbm>>
      %dma_start3A_102 = tpu.memref_squeeze %dma_start3A_101 : memref<1x10240x128xf32, #tpu.memory_space<hbm>> -> memref<10240x128xf32, #tpu.memory_space<hbm>>
      %dma_start3A_103 = arith.constant 0 : i32
      %dma_start3A_104 = tpu.memref_slice %dma_start3A_102[%mul3A_94, %dma_start3A_103] : memref<10240x128xf32, #tpu.memory_space<hbm>> -> memref<640x128xf32, #tpu.memory_space<hbm>>
      %dma_start3A_105 = arith.constant 0 : i32
      %dma_start3A_106 = tpu.memref_slice %arg6[%mul3A_92, %dma_start3A_105] : memref<10240x128xf32, #tpu.memory_space<vmem_shared>> -> memref<640x128xf32, #tpu.memory_space<vmem_shared>>
      tpu.enqueue_dma source(%dma_start3A_106 : memref<640x128xf32, #tpu.memory_space<vmem_shared>>) target(%dma_start3A_104 : memref<640x128xf32, #tpu.memory_space<hbm>>) target_semaphore(%run_scoped3A : memref<!tpu.dma_semaphore, #tpu.memory_space<semaphore_mem>>)
      %dma_wait3A = arith.constant 0 : i32
      %dma_wait3A_107 = arith.constant 0 : i32
      %dma_wait3A_108 = tpu.memref_slice %arg4[%arg0, %dma_wait3A, %dma_wait3A_107] : memref<2x10240x128xf32, #tpu.memory_space<hbm>> -> memref<1x10240x128xf32, #tpu.memory_space<hbm>>
      %dma_wait3A_109 = tpu.memref_squeeze %dma_wait3A_108 : memref<1x10240x128xf32, #tpu.memory_space<hbm>> -> memref<10240x128xf32, #tpu.memory_space<hbm>>
      %dma_wait3A_110 = arith.constant 0 : i32
      %dma_wait3A_111 = tpu.memref_slice %dma_wait3A_109[%mul3A_94, %dma_wait3A_110] : memref<10240x128xf32, #tpu.memory_space<hbm>> -> memref<640x128xf32, #tpu.memory_space<hbm>>
      %dma_wait3A_112 = arith.constant 0 : i32
      %dma_wait3A_113 = tpu.memref_slice %arg6[%mul3A_92, %dma_wait3A_112] : memref<10240x128xf32, #tpu.memory_space<vmem_shared>> -> memref<640x128xf32, #tpu.memory_space<vmem_shared>>
      tpu.wait_dma2 semaphore(%run_scoped3A : memref<!tpu.dma_semaphore, #tpu.memory_space<semaphore_mem>>) src(%dma_wait3A_113 : memref<640x128xf32, #tpu.memory_space<vmem_shared>>) dst(%dma_wait3A_111 : memref<640x128xf32, #tpu.memory_space<hbm>>)
      tpu.yield
    }) : () -> ()
    %mul3A_95 = arith.constant 640 : i32
    %mul3A_96 = arith.muli %arg1, %mul3A_95 : i32
    %mul3A_97 = arith.constant 640 : i32
    %mul3A_98 = arith.muli %arg1, %mul3A_97 : i32
    "tpu.region"() ({
      %run_scoped3A = tpu.sem_alloc : memref<!tpu.dma_semaphore, #tpu.memory_space<semaphore_mem>>
      %dma_start3A_99 = arith.constant 0 : i32
      %dma_start3A_100 = arith.constant 0 : i32
      %dma_start3A_101 = tpu.memref_slice %arg5[%arg0, %dma_start3A_99, %dma_start3A_100] : memref<2x10240x16xf32, #tpu.memory_space<hbm>> -> memref<1x10240x16xf32, #tpu.memory_space<hbm>>
      %dma_start3A_102 = tpu.memref_squeeze %dma_start3A_101 : memref<1x10240x16xf32, #tpu.memory_space<hbm>> -> memref<10240x16xf32, #tpu.memory_space<hbm>>
      %dma_start3A_103 = arith.constant 0 : i32
      %dma_start3A_104 = tpu.memref_slice %dma_start3A_102[%mul3A_98, %dma_start3A_103] : memref<10240x16xf32, #tpu.memory_space<hbm>> -> memref<640x16xf32, #tpu.memory_space<hbm>>
      %dma_start3A_105 = arith.constant 0 : i32
      %dma_start3A_106 = tpu.memref_slice %arg13[%mul3A_96, %dma_start3A_105] : memref<10240x16xf32, #tpu.memory_space<vmem_shared>> -> memref<640x16xf32, #tpu.memory_space<vmem_shared>>
      tpu.enqueue_dma source(%dma_start3A_106 : memref<640x16xf32, #tpu.memory_space<vmem_shared>>) target(%dma_start3A_104 : memref<640x16xf32, #tpu.memory_space<hbm>>) target_semaphore(%run_scoped3A : memref<!tpu.dma_semaphore, #tpu.memory_space<semaphore_mem>>)
      %dma_wait3A = arith.constant 0 : i32
      %dma_wait3A_107 = arith.constant 0 : i32
      %dma_wait3A_108 = tpu.memref_slice %arg5[%arg0, %dma_wait3A, %dma_wait3A_107] : memref<2x10240x16xf32, #tpu.memory_space<hbm>> -> memref<1x10240x16xf32, #tpu.memory_space<hbm>>
      %dma_wait3A_109 = tpu.memref_squeeze %dma_wait3A_108 : memref<1x10240x16xf32, #tpu.memory_space<hbm>> -> memref<10240x16xf32, #tpu.memory_space<hbm>>
      %dma_wait3A_110 = arith.constant 0 : i32
      %dma_wait3A_111 = tpu.memref_slice %dma_wait3A_109[%mul3A_98, %dma_wait3A_110] : memref<10240x16xf32, #tpu.memory_space<hbm>> -> memref<640x16xf32, #tpu.memory_space<hbm>>
      %dma_wait3A_112 = arith.constant 0 : i32
      %dma_wait3A_113 = tpu.memref_slice %arg13[%mul3A_96, %dma_wait3A_112] : memref<10240x16xf32, #tpu.memory_space<vmem_shared>> -> memref<640x16xf32, #tpu.memory_space<vmem_shared>>
      tpu.wait_dma2 semaphore(%run_scoped3A : memref<!tpu.dma_semaphore, #tpu.memory_space<semaphore_mem>>) src(%dma_wait3A_113 : memref<640x16xf32, #tpu.memory_space<vmem_shared>>) dst(%dma_wait3A_111 : memref<640x16xf32, #tpu.memory_space<hbm>>)
      tpu.yield
    }) : () -> ()
    return
  }
}

#map = affine_map<(d0, d1) -> (0, 0)>
#map1 = affine_map<(d0, d1) -> (0, 0, 0)>
module attributes {stable_mosaic.version = 14 : i64} {
  func.func @sc_agg(%arg0: i32, %arg1: i32, %arg2: memref<10000x128xf32, #tpu.memory_space<hbm>>, %arg3: memref<2500x2x128xi32, #tpu.memory_space<hbm>>, %arg4: memref<2x10240x128xf32, #tpu.memory_space<hbm>>, %arg5: memref<10240x128xf32, #tpu.memory_space<vmem_shared>>, %arg6: memref<8x2x128xi32, #tpu.memory_space<vmem>>, %arg7: memref<128x128xf32, #tpu.memory_space<vmem>>, %arg8: memref<128x128xf32, #tpu.memory_space<vmem>>, %arg9: memref<!tpu.dma_semaphore, #tpu.memory_space<semaphore_mem>>, %arg10: memref<!tpu.dma_semaphore, #tpu.memory_space<semaphore_mem>>, %arg11: memref<!tpu.dma_semaphore, #tpu.memory_space<semaphore_mem>>) attributes {dimension_semantics = [#tpu.dimension_semantics<core_parallel>, #tpu.dimension_semantics<subcore_parallel>], iteration_bounds = array<i64: 2, 16>, scalar_prefetch = 0 : i64, scratch_operands = 7 : i64, tpu.core_type = #tpu.core_type<sc_vector_subcore>, window_params = [{transform_indices = #map}, {transform_indices = #map1}, {transform_indices = #map1}]} {
    %mul3A = arith.constant 2 : i32
    %mul3A_0 = arith.muli %arg1, %mul3A : i32
    %add3A = arith.addi %mul3A_0, %arg0 : i32
    %mul3A_1 = arith.constant 80 : i32
    %mul3A_2 = arith.muli %add3A, %mul3A_1 : i32
    %eq3A = arith.constant 31 : i32
    %eq3A_3 = arith.cmpi eq, %add3A, %eq3A : i32
    %jit3A = arith.constant 5 : i32
    %jit3A_4 = arith.constant 20 : i32
    %select_n3A = arith.select %eq3A_3, %jit3A, %jit3A_4 : i32
    %scan3A = arith.constant 0 : i32
    %scan3A_5 = arith.constant 128 : i32
    %scan3A_6 = arith.addi %scan3A, %scan3A_5 : i32
    %scan3A_7 = arith.constant 1 : i32
    scf.for %scan3A_70 = %scan3A to %scan3A_6 step %scan3A_7  : i32 {
      %mul3A_71 = arith.constant 1 : i32
      %mul3A_72 = arith.muli %scan3A_70, %mul3A_71 : i32
      %add3A_73 = arith.constant 0 : i32
      %add3A_74 = arith.addi %add3A_73, %mul3A_72 : i32
      %broadcast_in_dim3A = arith.constant 0.000000e+00 : f32
      %broadcast_in_dim3A_75 = vector.broadcast %broadcast_in_dim3A : f32 to vector<16xf32>
      %swap3A = arith.index_cast %add3A_74 : i32 to index
      %swap3A_76 = arith.constant 0 : index
      %swap3A_77 = tpu.vector_load %arg7[%swap3A, %swap3A_76] {strides = array<i32>} : memref<128x128xf32, #tpu.memory_space<vmem>>, vector<1x16xf32>,
      %swap3A_78 = vector.shape_cast %swap3A_77 : vector<1x16xf32> to vector<16xf32>
      %swap3A_79 = vector.shape_cast %broadcast_in_dim3A_75 : vector<16xf32> to vector<1x16xf32>
      tpu.vector_store %arg7[%swap3A, %swap3A_76], %swap3A_79 {strides = array<i32>} : memref<128x128xf32, #tpu.memory_space<vmem>>, vector<1x16xf32>,
      %broadcast_in_dim3A_80 = arith.constant 0.000000e+00 : f32
      %broadcast_in_dim3A_81 = vector.broadcast %broadcast_in_dim3A_80 : f32 to vector<16xf32>
      %swap3A_82 = arith.index_cast %add3A_74 : i32 to index
      %swap3A_83 = arith.constant 16 : index
      %swap3A_84 = tpu.vector_load %arg7[%swap3A_82, %swap3A_83] {strides = array<i32>} : memref<128x128xf32, #tpu.memory_space<vmem>>, vector<1x16xf32>,
      %swap3A_85 = vector.shape_cast %swap3A_84 : vector<1x16xf32> to vector<16xf32>
      %swap3A_86 = vector.shape_cast %broadcast_in_dim3A_81 : vector<16xf32> to vector<1x16xf32>
      tpu.vector_store %arg7[%swap3A_82, %swap3A_83], %swap3A_86 {strides = array<i32>} : memref<128x128xf32, #tpu.memory_space<vmem>>, vector<1x16xf32>,
      %broadcast_in_dim3A_87 = arith.constant 0.000000e+00 : f32
      %broadcast_in_dim3A_88 = vector.broadcast %broadcast_in_dim3A_87 : f32 to vector<16xf32>
      %swap3A_89 = arith.index_cast %add3A_74 : i32 to index
      %swap3A_90 = arith.constant 32 : index
      %swap3A_91 = tpu.vector_load %arg7[%swap3A_89, %swap3A_90] {strides = array<i32>} : memref<128x128xf32, #tpu.memory_space<vmem>>, vector<1x16xf32>,
      %swap3A_92 = vector.shape_cast %swap3A_91 : vector<1x16xf32> to vector<16xf32>
      %swap3A_93 = vector.shape_cast %broadcast_in_dim3A_88 : vector<16xf32> to vector<1x16xf32>
      tpu.vector_store %arg7[%swap3A_89, %swap3A_90], %swap3A_93 {strides = array<i32>} : memref<128x128xf32, #tpu.memory_space<vmem>>, vector<1x16xf32>,
      %broadcast_in_dim3A_94 = arith.constant 0.000000e+00 : f32
      %broadcast_in_dim3A_95 = vector.broadcast %broadcast_in_dim3A_94 : f32 to vector<16xf32>
      %swap3A_96 = arith.index_cast %add3A_74 : i32 to index
      %swap3A_97 = arith.constant 48 : index
      %swap3A_98 = tpu.vector_load %arg7[%swap3A_96, %swap3A_97] {strides = array<i32>} : memref<128x128xf32, #tpu.memory_space<vmem>>, vector<1x16xf32>,
      %swap3A_99 = vector.shape_cast %swap3A_98 : vector<1x16xf32> to vector<16xf32>
      %swap3A_100 = vector.shape_cast %broadcast_in_dim3A_95 : vector<16xf32> to vector<1x16xf32>
      tpu.vector_store %arg7[%swap3A_96, %swap3A_97], %swap3A_100 {strides = array<i32>} : memref<128x128xf32, #tpu.memory_space<vmem>>, vector<1x16xf32>,
      %broadcast_in_dim3A_101 = arith.constant 0.000000e+00 : f32
      %broadcast_in_dim3A_102 = vector.broadcast %broadcast_in_dim3A_101 : f32 to vector<16xf32>
      %swap3A_103 = arith.index_cast %add3A_74 : i32 to index
      %swap3A_104 = arith.constant 64 : index
      %swap3A_105 = tpu.vector_load %arg7[%swap3A_103, %swap3A_104] {strides = array<i32>} : memref<128x128xf32, #tpu.memory_space<vmem>>, vector<1x16xf32>,
      %swap3A_106 = vector.shape_cast %swap3A_105 : vector<1x16xf32> to vector<16xf32>
      %swap3A_107 = vector.shape_cast %broadcast_in_dim3A_102 : vector<16xf32> to vector<1x16xf32>
      tpu.vector_store %arg7[%swap3A_103, %swap3A_104], %swap3A_107 {strides = array<i32>} : memref<128x128xf32, #tpu.memory_space<vmem>>, vector<1x16xf32>,
      %broadcast_in_dim3A_108 = arith.constant 0.000000e+00 : f32
      %broadcast_in_dim3A_109 = vector.broadcast %broadcast_in_dim3A_108 : f32 to vector<16xf32>
      %swap3A_110 = arith.index_cast %add3A_74 : i32 to index
      %swap3A_111 = arith.constant 80 : index
      %swap3A_112 = tpu.vector_load %arg7[%swap3A_110, %swap3A_111] {strides = array<i32>} : memref<128x128xf32, #tpu.memory_space<vmem>>, vector<1x16xf32>,
      %swap3A_113 = vector.shape_cast %swap3A_112 : vector<1x16xf32> to vector<16xf32>
      %swap3A_114 = vector.shape_cast %broadcast_in_dim3A_109 : vector<16xf32> to vector<1x16xf32>
      tpu.vector_store %arg7[%swap3A_110, %swap3A_111], %swap3A_114 {strides = array<i32>} : memref<128x128xf32, #tpu.memory_space<vmem>>, vector<1x16xf32>,
      %broadcast_in_dim3A_115 = arith.constant 0.000000e+00 : f32
      %broadcast_in_dim3A_116 = vector.broadcast %broadcast_in_dim3A_115 : f32 to vector<16xf32>
      %swap3A_117 = arith.index_cast %add3A_74 : i32 to index
      %swap3A_118 = arith.constant 96 : index
      %swap3A_119 = tpu.vector_load %arg7[%swap3A_117, %swap3A_118] {strides = array<i32>} : memref<128x128xf32, #tpu.memory_space<vmem>>, vector<1x16xf32>,
      %swap3A_120 = vector.shape_cast %swap3A_119 : vector<1x16xf32> to vector<16xf32>
      %swap3A_121 = vector.shape_cast %broadcast_in_dim3A_116 : vector<16xf32> to vector<1x16xf32>
      tpu.vector_store %arg7[%swap3A_117, %swap3A_118], %swap3A_121 {strides = array<i32>} : memref<128x128xf32, #tpu.memory_space<vmem>>, vector<1x16xf32>,
      %broadcast_in_dim3A_122 = arith.constant 0.000000e+00 : f32
      %broadcast_in_dim3A_123 = vector.broadcast %broadcast_in_dim3A_122 : f32 to vector<16xf32>
      %swap3A_124 = arith.index_cast %add3A_74 : i32 to index
      %swap3A_125 = arith.constant 112 : index
      %swap3A_126 = tpu.vector_load %arg7[%swap3A_124, %swap3A_125] {strides = array<i32>} : memref<128x128xf32, #tpu.memory_space<vmem>>, vector<1x16xf32>,
      %swap3A_127 = vector.shape_cast %swap3A_126 : vector<1x16xf32> to vector<16xf32>
      %swap3A_128 = vector.shape_cast %broadcast_in_dim3A_123 : vector<16xf32> to vector<1x16xf32>
      tpu.vector_store %arg7[%swap3A_124, %swap3A_125], %swap3A_128 {strides = array<i32>} : memref<128x128xf32, #tpu.memory_space<vmem>>, vector<1x16xf32>,
    }
    %scan3A_8 = arith.constant 128 : i32
    %mul3A_9 = arith.constant 640 : i32
    %mul3A_10 = arith.muli %arg1, %mul3A_9 : i32
    %add3A_11 = arith.constant 0 : i32
    %add3A_12 = arith.addi %mul3A_10, %add3A_11 : i32
    "tpu.region"() ({
      %run_scoped3A = tpu.sem_alloc : memref<!tpu.dma_semaphore, #tpu.memory_space<semaphore_mem>>
      %dma_start3A_70 = arith.constant 0 : i32
      %dma_start3A_71 = arith.constant 0 : i32
      %dma_start3A_72 = tpu.memref_slice %arg7[%dma_start3A_70, %dma_start3A_71] : memref<128x128xf32, #tpu.memory_space<vmem>> -> memref<128x128xf32, #tpu.memory_space<vmem>>
      %dma_start3A_73 = arith.constant 0 : i32
      %dma_start3A_74 = tpu.memref_slice %arg5[%add3A_12, %dma_start3A_73] : memref<10240x128xf32, #tpu.memory_space<vmem_shared>> -> memref<128x128xf32, #tpu.memory_space<vmem_shared>>
      %dma_start3A_75 = arith.constant 0 : i32
      %dma_start3A_76 = tpu.memref_slice %arg5[%add3A_12, %dma_start3A_75] : memref<10240x128xf32, #tpu.memory_space<vmem_shared>> -> memref<128x128xf32, #tpu.memory_space<vmem_shared>>
      %dma_start3A_77 = arith.constant 0 : i32
      %dma_start3A_78 = arith.constant 0 : i32
      %dma_start3A_79 = tpu.memref_slice %arg7[%dma_start3A_77, %dma_start3A_78] : memref<128x128xf32, #tpu.memory_space<vmem>> -> memref<128x128xf32, #tpu.memory_space<vmem>>
      tpu.enqueue_dma source(%dma_start3A_79 : memref<128x128xf32, #tpu.memory_space<vmem>>) target(%dma_start3A_76 : memref<128x128xf32, #tpu.memory_space<vmem_shared>>) target_semaphore(%run_scoped3A : memref<!tpu.dma_semaphore, #tpu.memory_space<semaphore_mem>>)
      %dma_wait3A = arith.constant 0 : i32
      %dma_wait3A_80 = arith.constant 0 : i32
      %dma_wait3A_81 = tpu.memref_slice %arg7[%dma_wait3A, %dma_wait3A_80] : memref<128x128xf32, #tpu.memory_space<vmem>> -> memref<128x128xf32, #tpu.memory_space<vmem>>
      %dma_wait3A_82 = arith.constant 0 : i32
      %dma_wait3A_83 = tpu.memref_slice %arg5[%add3A_12, %dma_wait3A_82] : memref<10240x128xf32, #tpu.memory_space<vmem_shared>> -> memref<128x128xf32, #tpu.memory_space<vmem_shared>>
      %dma_wait3A_84 = arith.constant 0 : i32
      %dma_wait3A_85 = tpu.memref_slice %arg5[%add3A_12, %dma_wait3A_84] : memref<10240x128xf32, #tpu.memory_space<vmem_shared>> -> memref<128x128xf32, #tpu.memory_space<vmem_shared>>
      %dma_wait3A_86 = arith.constant 0 : i32
      %dma_wait3A_87 = arith.constant 0 : i32
      %dma_wait3A_88 = tpu.memref_slice %arg7[%dma_wait3A_86, %dma_wait3A_87] : memref<128x128xf32, #tpu.memory_space<vmem>> -> memref<128x128xf32, #tpu.memory_space<vmem>>
      tpu.wait_dma2 semaphore(%run_scoped3A : memref<!tpu.dma_semaphore, #tpu.memory_space<semaphore_mem>>) src(%dma_wait3A_88 : memref<128x128xf32, #tpu.memory_space<vmem>>) dst(%dma_wait3A_85 : memref<128x128xf32, #tpu.memory_space<vmem_shared>>)
      tpu.yield
    }) : () -> ()
    %mul3A_13 = arith.constant 640 : i32
    %mul3A_14 = arith.muli %arg1, %mul3A_13 : i32
    %add3A_15 = arith.constant 128 : i32
    %add3A_16 = arith.addi %mul3A_14, %add3A_15 : i32
    "tpu.region"() ({
      %run_scoped3A = tpu.sem_alloc : memref<!tpu.dma_semaphore, #tpu.memory_space<semaphore_mem>>
      %dma_start3A_70 = arith.constant 0 : i32
      %dma_start3A_71 = arith.constant 0 : i32
      %dma_start3A_72 = tpu.memref_slice %arg7[%dma_start3A_70, %dma_start3A_71] : memref<128x128xf32, #tpu.memory_space<vmem>> -> memref<128x128xf32, #tpu.memory_space<vmem>>
      %dma_start3A_73 = arith.constant 0 : i32
      %dma_start3A_74 = tpu.memref_slice %arg5[%add3A_16, %dma_start3A_73] : memref<10240x128xf32, #tpu.memory_space<vmem_shared>> -> memref<128x128xf32, #tpu.memory_space<vmem_shared>>
      %dma_start3A_75 = arith.constant 0 : i32
      %dma_start3A_76 = tpu.memref_slice %arg5[%add3A_16, %dma_start3A_75] : memref<10240x128xf32, #tpu.memory_space<vmem_shared>> -> memref<128x128xf32, #tpu.memory_space<vmem_shared>>
      %dma_start3A_77 = arith.constant 0 : i32
      %dma_start3A_78 = arith.constant 0 : i32
      %dma_start3A_79 = tpu.memref_slice %arg7[%dma_start3A_77, %dma_start3A_78] : memref<128x128xf32, #tpu.memory_space<vmem>> -> memref<128x128xf32, #tpu.memory_space<vmem>>
      tpu.enqueue_dma source(%dma_start3A_79 : memref<128x128xf32, #tpu.memory_space<vmem>>) target(%dma_start3A_76 : memref<128x128xf32, #tpu.memory_space<vmem_shared>>) target_semaphore(%run_scoped3A : memref<!tpu.dma_semaphore, #tpu.memory_space<semaphore_mem>>)
      %dma_wait3A = arith.constant 0 : i32
      %dma_wait3A_80 = arith.constant 0 : i32
      %dma_wait3A_81 = tpu.memref_slice %arg7[%dma_wait3A, %dma_wait3A_80] : memref<128x128xf32, #tpu.memory_space<vmem>> -> memref<128x128xf32, #tpu.memory_space<vmem>>
      %dma_wait3A_82 = arith.constant 0 : i32
      %dma_wait3A_83 = tpu.memref_slice %arg5[%add3A_16, %dma_wait3A_82] : memref<10240x128xf32, #tpu.memory_space<vmem_shared>> -> memref<128x128xf32, #tpu.memory_space<vmem_shared>>
      %dma_wait3A_84 = arith.constant 0 : i32
      %dma_wait3A_85 = tpu.memref_slice %arg5[%add3A_16, %dma_wait3A_84] : memref<10240x128xf32, #tpu.memory_space<vmem_shared>> -> memref<128x128xf32, #tpu.memory_space<vmem_shared>>
      %dma_wait3A_86 = arith.constant 0 : i32
      %dma_wait3A_87 = arith.constant 0 : i32
      %dma_wait3A_88 = tpu.memref_slice %arg7[%dma_wait3A_86, %dma_wait3A_87] : memref<128x128xf32, #tpu.memory_space<vmem>> -> memref<128x128xf32, #tpu.memory_space<vmem>>
      tpu.wait_dma2 semaphore(%run_scoped3A : memref<!tpu.dma_semaphore, #tpu.memory_space<semaphore_mem>>) src(%dma_wait3A_88 : memref<128x128xf32, #tpu.memory_space<vmem>>) dst(%dma_wait3A_85 : memref<128x128xf32, #tpu.memory_space<vmem_shared>>)
      tpu.yield
    }) : () -> ()
    %mul3A_17 = arith.constant 640 : i32
    %mul3A_18 = arith.muli %arg1, %mul3A_17 : i32
    %add3A_19 = arith.constant 256 : i32
    %add3A_20 = arith.addi %mul3A_18, %add3A_19 : i32
    "tpu.region"() ({
      %run_scoped3A = tpu.sem_alloc : memref<!tpu.dma_semaphore, #tpu.memory_space<semaphore_mem>>
      %dma_start3A_70 = arith.constant 0 : i32
      %dma_start3A_71 = arith.constant 0 : i32
      %dma_start3A_72 = tpu.memref_slice %arg7[%dma_start3A_70, %dma_start3A_71] : memref<128x128xf32, #tpu.memory_space<vmem>> -> memref<128x128xf32, #tpu.memory_space<vmem>>
      %dma_start3A_73 = arith.constant 0 : i32
      %dma_start3A_74 = tpu.memref_slice %arg5[%add3A_20, %dma_start3A_73] : memref<10240x128xf32, #tpu.memory_space<vmem_shared>> -> memref<128x128xf32, #tpu.memory_space<vmem_shared>>
      %dma_start3A_75 = arith.constant 0 : i32
      %dma_start3A_76 = tpu.memref_slice %arg5[%add3A_20, %dma_start3A_75] : memref<10240x128xf32, #tpu.memory_space<vmem_shared>> -> memref<128x128xf32, #tpu.memory_space<vmem_shared>>
      %dma_start3A_77 = arith.constant 0 : i32
      %dma_start3A_78 = arith.constant 0 : i32
      %dma_start3A_79 = tpu.memref_slice %arg7[%dma_start3A_77, %dma_start3A_78] : memref<128x128xf32, #tpu.memory_space<vmem>> -> memref<128x128xf32, #tpu.memory_space<vmem>>
      tpu.enqueue_dma source(%dma_start3A_79 : memref<128x128xf32, #tpu.memory_space<vmem>>) target(%dma_start3A_76 : memref<128x128xf32, #tpu.memory_space<vmem_shared>>) target_semaphore(%run_scoped3A : memref<!tpu.dma_semaphore, #tpu.memory_space<semaphore_mem>>)
      %dma_wait3A = arith.constant 0 : i32
      %dma_wait3A_80 = arith.constant 0 : i32
      %dma_wait3A_81 = tpu.memref_slice %arg7[%dma_wait3A, %dma_wait3A_80] : memref<128x128xf32, #tpu.memory_space<vmem>> -> memref<128x128xf32, #tpu.memory_space<vmem>>
      %dma_wait3A_82 = arith.constant 0 : i32
      %dma_wait3A_83 = tpu.memref_slice %arg5[%add3A_20, %dma_wait3A_82] : memref<10240x128xf32, #tpu.memory_space<vmem_shared>> -> memref<128x128xf32, #tpu.memory_space<vmem_shared>>
      %dma_wait3A_84 = arith.constant 0 : i32
      %dma_wait3A_85 = tpu.memref_slice %arg5[%add3A_20, %dma_wait3A_84] : memref<10240x128xf32, #tpu.memory_space<vmem_shared>> -> memref<128x128xf32, #tpu.memory_space<vmem_shared>>
      %dma_wait3A_86 = arith.constant 0 : i32
      %dma_wait3A_87 = arith.constant 0 : i32
      %dma_wait3A_88 = tpu.memref_slice %arg7[%dma_wait3A_86, %dma_wait3A_87] : memref<128x128xf32, #tpu.memory_space<vmem>> -> memref<128x128xf32, #tpu.memory_space<vmem>>
      tpu.wait_dma2 semaphore(%run_scoped3A : memref<!tpu.dma_semaphore, #tpu.memory_space<semaphore_mem>>) src(%dma_wait3A_88 : memref<128x128xf32, #tpu.memory_space<vmem>>) dst(%dma_wait3A_85 : memref<128x128xf32, #tpu.memory_space<vmem_shared>>)
      tpu.yield
    }) : () -> ()
    %mul3A_21 = arith.constant 640 : i32
    %mul3A_22 = arith.muli %arg1, %mul3A_21 : i32
    %add3A_23 = arith.constant 384 : i32
    %add3A_24 = arith.addi %mul3A_22, %add3A_23 : i32
    "tpu.region"() ({
      %run_scoped3A = tpu.sem_alloc : memref<!tpu.dma_semaphore, #tpu.memory_space<semaphore_mem>>
      %dma_start3A_70 = arith.constant 0 : i32
      %dma_start3A_71 = arith.constant 0 : i32
      %dma_start3A_72 = tpu.memref_slice %arg7[%dma_start3A_70, %dma_start3A_71] : memref<128x128xf32, #tpu.memory_space<vmem>> -> memref<128x128xf32, #tpu.memory_space<vmem>>
      %dma_start3A_73 = arith.constant 0 : i32
      %dma_start3A_74 = tpu.memref_slice %arg5[%add3A_24, %dma_start3A_73] : memref<10240x128xf32, #tpu.memory_space<vmem_shared>> -> memref<128x128xf32, #tpu.memory_space<vmem_shared>>
      %dma_start3A_75 = arith.constant 0 : i32
      %dma_start3A_76 = tpu.memref_slice %arg5[%add3A_24, %dma_start3A_75] : memref<10240x128xf32, #tpu.memory_space<vmem_shared>> -> memref<128x128xf32, #tpu.memory_space<vmem_shared>>
      %dma_start3A_77 = arith.constant 0 : i32
      %dma_start3A_78 = arith.constant 0 : i32
      %dma_start3A_79 = tpu.memref_slice %arg7[%dma_start3A_77, %dma_start3A_78] : memref<128x128xf32, #tpu.memory_space<vmem>> -> memref<128x128xf32, #tpu.memory_space<vmem>>
      tpu.enqueue_dma source(%dma_start3A_79 : memref<128x128xf32, #tpu.memory_space<vmem>>) target(%dma_start3A_76 : memref<128x128xf32, #tpu.memory_space<vmem_shared>>) target_semaphore(%run_scoped3A : memref<!tpu.dma_semaphore, #tpu.memory_space<semaphore_mem>>)
      %dma_wait3A = arith.constant 0 : i32
      %dma_wait3A_80 = arith.constant 0 : i32
      %dma_wait3A_81 = tpu.memref_slice %arg7[%dma_wait3A, %dma_wait3A_80] : memref<128x128xf32, #tpu.memory_space<vmem>> -> memref<128x128xf32, #tpu.memory_space<vmem>>
      %dma_wait3A_82 = arith.constant 0 : i32
      %dma_wait3A_83 = tpu.memref_slice %arg5[%add3A_24, %dma_wait3A_82] : memref<10240x128xf32, #tpu.memory_space<vmem_shared>> -> memref<128x128xf32, #tpu.memory_space<vmem_shared>>
      %dma_wait3A_84 = arith.constant 0 : i32
      %dma_wait3A_85 = tpu.memref_slice %arg5[%add3A_24, %dma_wait3A_84] : memref<10240x128xf32, #tpu.memory_space<vmem_shared>> -> memref<128x128xf32, #tpu.memory_space<vmem_shared>>
      %dma_wait3A_86 = arith.constant 0 : i32
      %dma_wait3A_87 = arith.constant 0 : i32
      %dma_wait3A_88 = tpu.memref_slice %arg7[%dma_wait3A_86, %dma_wait3A_87] : memref<128x128xf32, #tpu.memory_space<vmem>> -> memref<128x128xf32, #tpu.memory_space<vmem>>
      tpu.wait_dma2 semaphore(%run_scoped3A : memref<!tpu.dma_semaphore, #tpu.memory_space<semaphore_mem>>) src(%dma_wait3A_88 : memref<128x128xf32, #tpu.memory_space<vmem>>) dst(%dma_wait3A_85 : memref<128x128xf32, #tpu.memory_space<vmem_shared>>)
      tpu.yield
    }) : () -> ()
    %mul3A_25 = arith.constant 640 : i32
    %mul3A_26 = arith.muli %arg1, %mul3A_25 : i32
    %add3A_27 = arith.constant 512 : i32
    %add3A_28 = arith.addi %mul3A_26, %add3A_27 : i32
    "tpu.region"() ({
      %run_scoped3A = tpu.sem_alloc : memref<!tpu.dma_semaphore, #tpu.memory_space<semaphore_mem>>
      %dma_start3A_70 = arith.constant 0 : i32
      %dma_start3A_71 = arith.constant 0 : i32
      %dma_start3A_72 = tpu.memref_slice %arg7[%dma_start3A_70, %dma_start3A_71] : memref<128x128xf32, #tpu.memory_space<vmem>> -> memref<128x128xf32, #tpu.memory_space<vmem>>
      %dma_start3A_73 = arith.constant 0 : i32
      %dma_start3A_74 = tpu.memref_slice %arg5[%add3A_28, %dma_start3A_73] : memref<10240x128xf32, #tpu.memory_space<vmem_shared>> -> memref<128x128xf32, #tpu.memory_space<vmem_shared>>
      %dma_start3A_75 = arith.constant 0 : i32
      %dma_start3A_76 = tpu.memref_slice %arg5[%add3A_28, %dma_start3A_75] : memref<10240x128xf32, #tpu.memory_space<vmem_shared>> -> memref<128x128xf32, #tpu.memory_space<vmem_shared>>
      %dma_start3A_77 = arith.constant 0 : i32
      %dma_start3A_78 = arith.constant 0 : i32
      %dma_start3A_79 = tpu.memref_slice %arg7[%dma_start3A_77, %dma_start3A_78] : memref<128x128xf32, #tpu.memory_space<vmem>> -> memref<128x128xf32, #tpu.memory_space<vmem>>
      tpu.enqueue_dma source(%dma_start3A_79 : memref<128x128xf32, #tpu.memory_space<vmem>>) target(%dma_start3A_76 : memref<128x128xf32, #tpu.memory_space<vmem_shared>>) target_semaphore(%run_scoped3A : memref<!tpu.dma_semaphore, #tpu.memory_space<semaphore_mem>>)
      %dma_wait3A = arith.constant 0 : i32
      %dma_wait3A_80 = arith.constant 0 : i32
      %dma_wait3A_81 = tpu.memref_slice %arg7[%dma_wait3A, %dma_wait3A_80] : memref<128x128xf32, #tpu.memory_space<vmem>> -> memref<128x128xf32, #tpu.memory_space<vmem>>
      %dma_wait3A_82 = arith.constant 0 : i32
      %dma_wait3A_83 = tpu.memref_slice %arg5[%add3A_28, %dma_wait3A_82] : memref<10240x128xf32, #tpu.memory_space<vmem_shared>> -> memref<128x128xf32, #tpu.memory_space<vmem_shared>>
      %dma_wait3A_84 = arith.constant 0 : i32
      %dma_wait3A_85 = tpu.memref_slice %arg5[%add3A_28, %dma_wait3A_84] : memref<10240x128xf32, #tpu.memory_space<vmem_shared>> -> memref<128x128xf32, #tpu.memory_space<vmem_shared>>
      %dma_wait3A_86 = arith.constant 0 : i32
      %dma_wait3A_87 = arith.constant 0 : i32
      %dma_wait3A_88 = tpu.memref_slice %arg7[%dma_wait3A_86, %dma_wait3A_87] : memref<128x128xf32, #tpu.memory_space<vmem>> -> memref<128x128xf32, #tpu.memory_space<vmem>>
      tpu.wait_dma2 semaphore(%run_scoped3A : memref<!tpu.dma_semaphore, #tpu.memory_space<semaphore_mem>>) src(%dma_wait3A_88 : memref<128x128xf32, #tpu.memory_space<vmem>>) dst(%dma_wait3A_85 : memref<128x128xf32, #tpu.memory_space<vmem_shared>>)
      tpu.yield
    }) : () -> ()
    "tpu.region"() ({
      %run_scoped3A = tpu.sem_alloc : memref<!tpu.dma_semaphore, #tpu.memory_space<semaphore_mem>>
      %dma_start3A_70 = arith.constant 0 : i32
      %dma_start3A_71 = arith.constant 0 : i32
      %dma_start3A_72 = arith.constant 0 : i32
      %dma_start3A_73 = tpu.memref_slice %arg6[%dma_start3A_70, %dma_start3A_71, %dma_start3A_72] : memref<8x2x128xi32, #tpu.memory_space<vmem>> -> memref<4x2x128xi32, #tpu.memory_space<vmem>>
      %dma_start3A_74 = arith.constant 0 : i32
      %dma_start3A_75 = arith.constant 0 : i32
      %dma_start3A_76 = tpu.memref_slice %arg3[%mul3A_2, %dma_start3A_74, %dma_start3A_75] : memref<2500x2x128xi32, #tpu.memory_space<hbm>> -> memref<4x2x128xi32, #tpu.memory_space<hbm>>
      %dma_start3A_77 = arith.constant 0 : i32
      %dma_start3A_78 = arith.constant 0 : i32
      %dma_start3A_79 = arith.constant 0 : i32
      %dma_start3A_80 = tpu.memref_slice %arg6[%dma_start3A_77, %dma_start3A_78, %dma_start3A_79] : memref<8x2x128xi32, #tpu.memory_space<vmem>> -> memref<4x2x128xi32, #tpu.memory_space<vmem>>
      %dma_start3A_81 = arith.constant 0 : i32
      %dma_start3A_82 = arith.constant 0 : i32
      %dma_start3A_83 = tpu.memref_slice %arg3[%mul3A_2, %dma_start3A_81, %dma_start3A_82] : memref<2500x2x128xi32, #tpu.memory_space<hbm>> -> memref<4x2x128xi32, #tpu.memory_space<hbm>>
      tpu.enqueue_dma source(%dma_start3A_83 : memref<4x2x128xi32, #tpu.memory_space<hbm>>) target(%dma_start3A_80 : memref<4x2x128xi32, #tpu.memory_space<vmem>>) target_semaphore(%run_scoped3A : memref<!tpu.dma_semaphore, #tpu.memory_space<semaphore_mem>>)
      %dma_wait3A = arith.constant 0 : i32
      %dma_wait3A_84 = arith.constant 0 : i32
      %dma_wait3A_85 = arith.constant 0 : i32
      %dma_wait3A_86 = tpu.memref_slice %arg6[%dma_wait3A, %dma_wait3A_84, %dma_wait3A_85] : memref<8x2x128xi32, #tpu.memory_space<vmem>> -> memref<4x2x128xi32, #tpu.memory_space<vmem>>
      %dma_wait3A_87 = arith.constant 0 : i32
      %dma_wait3A_88 = arith.constant 0 : i32
      %dma_wait3A_89 = tpu.memref_slice %arg3[%mul3A_2, %dma_wait3A_87, %dma_wait3A_88] : memref<2500x2x128xi32, #tpu.memory_space<hbm>> -> memref<4x2x128xi32, #tpu.memory_space<hbm>>
      %dma_wait3A_90 = arith.constant 0 : i32
      %dma_wait3A_91 = arith.constant 0 : i32
      %dma_wait3A_92 = arith.constant 0 : i32
      %dma_wait3A_93 = tpu.memref_slice %arg6[%dma_wait3A_90, %dma_wait3A_91, %dma_wait3A_92] : memref<8x2x128xi32, #tpu.memory_space<vmem>> -> memref<4x2x128xi32, #tpu.memory_space<vmem>>
      %dma_wait3A_94 = arith.constant 0 : i32
      %dma_wait3A_95 = arith.constant 0 : i32
      %dma_wait3A_96 = tpu.memref_slice %arg3[%mul3A_2, %dma_wait3A_94, %dma_wait3A_95] : memref<2500x2x128xi32, #tpu.memory_space<hbm>> -> memref<4x2x128xi32, #tpu.memory_space<hbm>>
      tpu.wait_dma2 semaphore(%run_scoped3A : memref<!tpu.dma_semaphore, #tpu.memory_space<semaphore_mem>>) src(%dma_wait3A_96 : memref<4x2x128xi32, #tpu.memory_space<hbm>>) dst(%dma_wait3A_93 : memref<4x2x128xi32, #tpu.memory_space<vmem>>)
      tpu.yield
    }) : () -> ()
    %add3A_29 = arith.constant 4 : i32
    %add3A_30 = arith.addi %mul3A_2, %add3A_29 : i32
    %dma_start3A = arith.constant 4 : i32
    %dma_start3A_31 = arith.constant 0 : i32
    %dma_start3A_32 = arith.constant 0 : i32
    %dma_start3A_33 = tpu.memref_slice %arg6[%dma_start3A, %dma_start3A_31, %dma_start3A_32] : memref<8x2x128xi32, #tpu.memory_space<vmem>> -> memref<4x2x128xi32, #tpu.memory_space<vmem>>
    %dma_start3A_34 = arith.constant 0 : i32
    %dma_start3A_35 = arith.constant 0 : i32
    %dma_start3A_36 = tpu.memref_slice %arg3[%add3A_30, %dma_start3A_34, %dma_start3A_35] : memref<2500x2x128xi32, #tpu.memory_space<hbm>> -> memref<4x2x128xi32, #tpu.memory_space<hbm>>
    %dma_start3A_37 = arith.constant 4 : i32
    %dma_start3A_38 = arith.constant 0 : i32
    %dma_start3A_39 = arith.constant 0 : i32
    %dma_start3A_40 = tpu.memref_slice %arg6[%dma_start3A_37, %dma_start3A_38, %dma_start3A_39] : memref<8x2x128xi32, #tpu.memory_space<vmem>> -> memref<4x2x128xi32, #tpu.memory_space<vmem>>
    %dma_start3A_41 = arith.constant 0 : i32
    %dma_start3A_42 = arith.constant 0 : i32
    %dma_start3A_43 = tpu.memref_slice %arg3[%add3A_30, %dma_start3A_41, %dma_start3A_42] : memref<2500x2x128xi32, #tpu.memory_space<hbm>> -> memref<4x2x128xi32, #tpu.memory_space<hbm>>
    tpu.enqueue_dma source(%dma_start3A_43 : memref<4x2x128xi32, #tpu.memory_space<hbm>>) target(%dma_start3A_40 : memref<4x2x128xi32, #tpu.memory_space<vmem>>) target_semaphore(%arg11 : memref<!tpu.dma_semaphore, #tpu.memory_space<semaphore_mem>>)
    %barrier3A = arith.constant 0 : index
    tpu.barrier barrier_id(%barrier3A)
    %dma_start3A_44 = arith.constant 0 : i32
    %dma_start3A_45 = arith.constant 0 : i32
    %dma_start3A_46 = arith.constant 0 : i32
    %dma_start3A_47 = tpu.memref_slice %arg6[%dma_start3A_44, %dma_start3A_45, %dma_start3A_46] : memref<8x2x128xi32, #tpu.memory_space<vmem>> -> memref<1x1x128xi32, #tpu.memory_space<vmem>>
    %dma_start3A_48 = tpu.memref_squeeze %dma_start3A_47 : memref<1x1x128xi32, #tpu.memory_space<vmem>> -> memref<128xi32, #tpu.memory_space<vmem>>
    %dma_start3A_49 = arith.constant 0 : i32
    %dma_start3A_50 = arith.constant 0 : i32
    %dma_start3A_51 = tpu.memref_slice %arg2[%dma_start3A_49, %dma_start3A_50] : memref<10000x128xf32, #tpu.memory_space<hbm>> -> memref<10000x128xf32, #tpu.memory_space<hbm>>
    tpu.enqueue_indirect_dma source(%dma_start3A_51 : memref<10000x128xf32, #tpu.memory_space<hbm>>) target(%arg7 : memref<128x128xf32, #tpu.memory_space<vmem>>) offsets(%dma_start3A_48 : memref<128xi32, #tpu.memory_space<vmem>>) semaphore(%arg9 : memref<!tpu.dma_semaphore, #tpu.memory_space<semaphore_mem>>)
    %dma_start3A_52 = arith.constant 1 : i32
    %dma_start3A_53 = arith.constant 0 : i32
    %dma_start3A_54 = arith.constant 0 : i32
    %dma_start3A_55 = tpu.memref_slice %arg6[%dma_start3A_52, %dma_start3A_53, %dma_start3A_54] : memref<8x2x128xi32, #tpu.memory_space<vmem>> -> memref<1x1x128xi32, #tpu.memory_space<vmem>>
    %dma_start3A_56 = tpu.memref_squeeze %dma_start3A_55 : memref<1x1x128xi32, #tpu.memory_space<vmem>> -> memref<128xi32, #tpu.memory_space<vmem>>
    %dma_start3A_57 = arith.constant 0 : i32
    %dma_start3A_58 = arith.constant 0 : i32
    %dma_start3A_59 = tpu.memref_slice %arg2[%dma_start3A_57, %dma_start3A_58] : memref<10000x128xf32, #tpu.memory_space<hbm>> -> memref<10000x128xf32, #tpu.memory_space<hbm>>
    tpu.enqueue_indirect_dma source(%dma_start3A_59 : memref<10000x128xf32, #tpu.memory_space<hbm>>) target(%arg8 : memref<128x128xf32, #tpu.memory_space<vmem>>) offsets(%dma_start3A_56 : memref<128xi32, #tpu.memory_space<vmem>>) semaphore(%arg10 : memref<!tpu.dma_semaphore, #tpu.memory_space<semaphore_mem>>)
    %scan3A_60 = arith.constant 0 : i32
    %scan3A_61 = arith.constant 20 : i32
    %scan3A_62 = arith.addi %scan3A_60, %scan3A_61 : i32
    %scan3A_63 = arith.constant 1 : i32
    scf.for %scan3A_70 = %scan3A_60 to %scan3A_62 step %scan3A_63  : i32 {
      %mul3A_71 = arith.constant 1 : i32
      %mul3A_72 = arith.muli %scan3A_70, %mul3A_71 : i32
      %add3A_73 = arith.constant 0 : i32
      %add3A_74 = arith.addi %add3A_73, %mul3A_72 : i32
      %lt3A = arith.cmpi slt, %add3A_74, %select_n3A : i32
      %convert_element_type3A = arith.extui %lt3A : i1 to i32
      %cond3A = arith.constant 0 : i32
      %cond3A_75 = arith.cmpi ne, %convert_element_type3A, %cond3A : i32
      scf.if %cond3A_75 {
        %rem3A = arith.constant 2 : i32
        %rem3A_76 = arith.remsi %add3A_74, %rem3A : i32
        %mul3A_77 = arith.constant 4 : i32
        %mul3A_78 = arith.muli %rem3A_76, %mul3A_77 : i32
        %add3A_79 = arith.constant 1 : i32
        %add3A_80 = arith.addi %add3A_74, %add3A_79 : i32
        %rem3A_81 = arith.constant 2 : i32
        %rem3A_82 = arith.remsi %add3A_80, %rem3A_81 : i32
        %mul3A_83 = arith.constant 4 : i32
        %mul3A_84 = arith.muli %rem3A_82, %mul3A_83 : i32
        %sub3A = arith.constant 1 : i32
        %sub3A_85 = arith.subi %select_n3A, %sub3A : i32
        %lt3A_86 = arith.cmpi slt, %add3A_74, %sub3A_85 : i32
        %convert_element_type3A_87 = arith.extui %lt3A_86 : i1 to i32
        %cond3A_88 = arith.constant 0 : i32
        %cond3A_89 = arith.cmpi ne, %convert_element_type3A_87, %cond3A_88 : i32
        scf.if %cond3A_89 {
          %dma_wait3A_172 = arith.constant 0 : i32
          %dma_wait3A_173 = arith.constant 0 : i32
          %dma_wait3A_174 = arith.constant 0 : i32
          %dma_wait3A_175 = tpu.memref_slice %arg6[%dma_wait3A_172, %dma_wait3A_173, %dma_wait3A_174] : memref<8x2x128xi32, #tpu.memory_space<vmem>> -> memref<4x2x128xi32, #tpu.memory_space<vmem>>
          %dma_wait3A_176 = arith.constant 0 : i32
          %dma_wait3A_177 = arith.constant 0 : i32
          %dma_wait3A_178 = tpu.memref_slice %arg3[%mul3A_2, %dma_wait3A_176, %dma_wait3A_177] : memref<2500x2x128xi32, #tpu.memory_space<hbm>> -> memref<4x2x128xi32, #tpu.memory_space<hbm>>
          %dma_wait3A_179 = arith.constant 0 : i32
          %dma_wait3A_180 = arith.constant 0 : i32
          %dma_wait3A_181 = arith.constant 0 : i32
          %dma_wait3A_182 = tpu.memref_slice %arg6[%dma_wait3A_179, %dma_wait3A_180, %dma_wait3A_181] : memref<8x2x128xi32, #tpu.memory_space<vmem>> -> memref<4x2x128xi32, #tpu.memory_space<vmem>>
          %dma_wait3A_183 = arith.constant 0 : i32
          %dma_wait3A_184 = arith.constant 0 : i32
          %dma_wait3A_185 = tpu.memref_slice %arg3[%mul3A_2, %dma_wait3A_183, %dma_wait3A_184] : memref<2500x2x128xi32, #tpu.memory_space<hbm>> -> memref<4x2x128xi32, #tpu.memory_space<hbm>>
          tpu.wait_dma2 semaphore(%arg11 : memref<!tpu.dma_semaphore, #tpu.memory_space<semaphore_mem>>) src(%dma_wait3A_185 : memref<4x2x128xi32, #tpu.memory_space<hbm>>) dst(%dma_wait3A_182 : memref<4x2x128xi32, #tpu.memory_space<vmem>>)
        } else {
        }
        %dma_wait3A = arith.constant 0 : i32
        %dma_wait3A_90 = arith.constant 0 : i32
        %dma_wait3A_91 = arith.constant 0 : i32
        %dma_wait3A_92 = tpu.memref_slice %arg6[%dma_wait3A, %dma_wait3A_90, %dma_wait3A_91] : memref<8x2x128xi32, #tpu.memory_space<vmem>> -> memref<1x1x128xi32, #tpu.memory_space<vmem>>
        %dma_wait3A_93 = tpu.memref_squeeze %dma_wait3A_92 : memref<1x1x128xi32, #tpu.memory_space<vmem>> -> memref<128xi32, #tpu.memory_space<vmem>>
        %dma_wait3A_94 = arith.constant 0 : i32
        %dma_wait3A_95 = arith.constant 0 : i32
        %dma_wait3A_96 = tpu.memref_slice %arg2[%dma_wait3A_94, %dma_wait3A_95] : memref<10000x128xf32, #tpu.memory_space<hbm>> -> memref<10000x128xf32, #tpu.memory_space<hbm>>
        tpu.wait_indirect_dma semaphore(%arg9 : memref<!tpu.dma_semaphore, #tpu.memory_space<semaphore_mem>>) src(%dma_wait3A_96 : memref<10000x128xf32, #tpu.memory_space<hbm>>) dst(%arg7 : memref<128x128xf32, #tpu.memory_space<vmem>>)
        %add3A_97 = arith.constant 0 : i32
        %add3A_98 = arith.addi %mul3A_78, %add3A_97 : i32
        %run_scoped3A = arith.constant 1 : i32
        "tpu.region"() ({
          %run_scoped3A_172 = tpu.sem_alloc : memref<!tpu.dma_semaphore, #tpu.memory_space<semaphore_mem>>
          %dma_start3A_173 = arith.constant 0 : i32
          %dma_start3A_174 = tpu.memref_slice %arg6[%add3A_98, %run_scoped3A, %dma_start3A_173] : memref<8x2x128xi32, #tpu.memory_space<vmem>> -> memref<1x1x128xi32, #tpu.memory_space<vmem>>
          %dma_start3A_175 = tpu.memref_squeeze %dma_start3A_174 : memref<1x1x128xi32, #tpu.memory_space<vmem>> -> memref<128xi32, #tpu.memory_space<vmem>>
          %dma_start3A_176 = arith.constant 0 : i32
          %dma_start3A_177 = arith.constant 0 : i32
          %dma_start3A_178 = tpu.memref_slice %arg5[%dma_start3A_176, %dma_start3A_177] : memref<10240x128xf32, #tpu.memory_space<vmem_shared>> -> memref<10240x128xf32, #tpu.memory_space<vmem_shared>>
          tpu.enqueue_indirect_dma source(%arg7 : memref<128x128xf32, #tpu.memory_space<vmem>>) target(%dma_start3A_178 : memref<10240x128xf32, #tpu.memory_space<vmem_shared>>) offsets(%dma_start3A_175 : memref<128xi32, #tpu.memory_space<vmem>>) semaphore(%run_scoped3A_172 : memref<!tpu.dma_semaphore, #tpu.memory_space<semaphore_mem>>) {add = true}
          %dma_wait3A_179 = arith.constant 0 : i32
          %dma_wait3A_180 = tpu.memref_slice %arg6[%add3A_98, %run_scoped3A, %dma_wait3A_179] : memref<8x2x128xi32, #tpu.memory_space<vmem>> -> memref<1x1x128xi32, #tpu.memory_space<vmem>>
          %dma_wait3A_181 = tpu.memref_squeeze %dma_wait3A_180 : memref<1x1x128xi32, #tpu.memory_space<vmem>> -> memref<128xi32, #tpu.memory_space<vmem>>
          %dma_wait3A_182 = arith.constant 0 : i32
          %dma_wait3A_183 = arith.constant 0 : i32
          %dma_wait3A_184 = tpu.memref_slice %arg5[%dma_wait3A_182, %dma_wait3A_183] : memref<10240x128xf32, #tpu.memory_space<vmem_shared>> -> memref<10240x128xf32, #tpu.memory_space<vmem_shared>>
          tpu.wait_indirect_dma semaphore(%run_scoped3A_172 : memref<!tpu.dma_semaphore, #tpu.memory_space<semaphore_mem>>) src(%arg7 : memref<128x128xf32, #tpu.memory_space<vmem>>) dst(%dma_wait3A_184 : memref<10240x128xf32, #tpu.memory_space<vmem_shared>>)
          tpu.yield
        }) : () -> ()
        %add3A_99 = arith.constant 0 : i32
        %add3A_100 = arith.addi %mul3A_78, %add3A_99 : i32
        %add3A_101 = arith.constant 2 : i32
        %add3A_102 = arith.addi %add3A_100, %add3A_101 : i32
        %dma_start3A_103 = arith.constant 0 : i32
        %dma_start3A_104 = arith.constant 0 : i32
        %dma_start3A_105 = tpu.memref_slice %arg6[%add3A_102, %dma_start3A_103, %dma_start3A_104] : memref<8x2x128xi32, #tpu.memory_space<vmem>> -> memref<1x1x128xi32, #tpu.memory_space<vmem>>
        %dma_start3A_106 = tpu.memref_squeeze %dma_start3A_105 : memref<1x1x128xi32, #tpu.memory_space<vmem>> -> memref<128xi32, #tpu.memory_space<vmem>>
        %dma_start3A_107 = arith.constant 0 : i32
        %dma_start3A_108 = arith.constant 0 : i32
        %dma_start3A_109 = tpu.memref_slice %arg2[%dma_start3A_107, %dma_start3A_108] : memref<10000x128xf32, #tpu.memory_space<hbm>> -> memref<10000x128xf32, #tpu.memory_space<hbm>>
        tpu.enqueue_indirect_dma source(%dma_start3A_109 : memref<10000x128xf32, #tpu.memory_space<hbm>>) target(%arg7 : memref<128x128xf32, #tpu.memory_space<vmem>>) offsets(%dma_start3A_106 : memref<128xi32, #tpu.memory_space<vmem>>) semaphore(%arg9 : memref<!tpu.dma_semaphore, #tpu.memory_space<semaphore_mem>>)
        %dma_wait3A_110 = arith.constant 0 : i32
        %dma_wait3A_111 = arith.constant 0 : i32
        %dma_wait3A_112 = arith.constant 0 : i32
        %dma_wait3A_113 = tpu.memref_slice %arg6[%dma_wait3A_110, %dma_wait3A_111, %dma_wait3A_112] : memref<8x2x128xi32, #tpu.memory_space<vmem>> -> memref<1x1x128xi32, #tpu.memory_space<vmem>>
        %dma_wait3A_114 = tpu.memref_squeeze %dma_wait3A_113 : memref<1x1x128xi32, #tpu.memory_space<vmem>> -> memref<128xi32, #tpu.memory_space<vmem>>
        %dma_wait3A_115 = arith.constant 0 : i32
        %dma_wait3A_116 = arith.constant 0 : i32
        %dma_wait3A_117 = tpu.memref_slice %arg2[%dma_wait3A_115, %dma_wait3A_116] : memref<10000x128xf32, #tpu.memory_space<hbm>> -> memref<10000x128xf32, #tpu.memory_space<hbm>>
        tpu.wait_indirect_dma semaphore(%arg10 : memref<!tpu.dma_semaphore, #tpu.memory_space<semaphore_mem>>) src(%dma_wait3A_117 : memref<10000x128xf32, #tpu.memory_space<hbm>>) dst(%arg8 : memref<128x128xf32, #tpu.memory_space<vmem>>)
        %add3A_118 = arith.constant 1 : i32
        %add3A_119 = arith.addi %mul3A_78, %add3A_118 : i32
        %run_scoped3A_120 = arith.constant 1 : i32
        "tpu.region"() ({
          %run_scoped3A_172 = tpu.sem_alloc : memref<!tpu.dma_semaphore, #tpu.memory_space<semaphore_mem>>
          %dma_start3A_173 = arith.constant 0 : i32
          %dma_start3A_174 = tpu.memref_slice %arg6[%add3A_119, %run_scoped3A_120, %dma_start3A_173] : memref<8x2x128xi32, #tpu.memory_space<vmem>> -> memref<1x1x128xi32, #tpu.memory_space<vmem>>
          %dma_start3A_175 = tpu.memref_squeeze %dma_start3A_174 : memref<1x1x128xi32, #tpu.memory_space<vmem>> -> memref<128xi32, #tpu.memory_space<vmem>>
          %dma_start3A_176 = arith.constant 0 : i32
          %dma_start3A_177 = arith.constant 0 : i32
          %dma_start3A_178 = tpu.memref_slice %arg5[%dma_start3A_176, %dma_start3A_177] : memref<10240x128xf32, #tpu.memory_space<vmem_shared>> -> memref<10240x128xf32, #tpu.memory_space<vmem_shared>>
          tpu.enqueue_indirect_dma source(%arg8 : memref<128x128xf32, #tpu.memory_space<vmem>>) target(%dma_start3A_178 : memref<10240x128xf32, #tpu.memory_space<vmem_shared>>) offsets(%dma_start3A_175 : memref<128xi32, #tpu.memory_space<vmem>>) semaphore(%run_scoped3A_172 : memref<!tpu.dma_semaphore, #tpu.memory_space<semaphore_mem>>) {add = true}
          %dma_wait3A_179 = arith.constant 0 : i32
          %dma_wait3A_180 = tpu.memref_slice %arg6[%add3A_119, %run_scoped3A_120, %dma_wait3A_179] : memref<8x2x128xi32, #tpu.memory_space<vmem>> -> memref<1x1x128xi32, #tpu.memory_space<vmem>>
          %dma_wait3A_181 = tpu.memref_squeeze %dma_wait3A_180 : memref<1x1x128xi32, #tpu.memory_space<vmem>> -> memref<128xi32, #tpu.memory_space<vmem>>
          %dma_wait3A_182 = arith.constant 0 : i32
          %dma_wait3A_183 = arith.constant 0 : i32
          %dma_wait3A_184 = tpu.memref_slice %arg5[%dma_wait3A_182, %dma_wait3A_183] : memref<10240x128xf32, #tpu.memory_space<vmem_shared>> -> memref<10240x128xf32, #tpu.memory_space<vmem_shared>>
          tpu.wait_indirect_dma semaphore(%run_scoped3A_172 : memref<!tpu.dma_semaphore, #tpu.memory_space<semaphore_mem>>) src(%arg8 : memref<128x128xf32, #tpu.memory_space<vmem>>) dst(%dma_wait3A_184 : memref<10240x128xf32, #tpu.memory_space<vmem_shared>>)
          tpu.yield
        }) : () -> ()
        %add3A_121 = arith.constant 1 : i32
        %add3A_122 = arith.addi %mul3A_78, %add3A_121 : i32
        %add3A_123 = arith.constant 2 : i32
        %add3A_124 = arith.addi %add3A_122, %add3A_123 : i32
        %dma_start3A_125 = arith.constant 0 : i32
        %dma_start3A_126 = arith.constant 0 : i32
        %dma_start3A_127 = tpu.memref_slice %arg6[%add3A_124, %dma_start3A_125, %dma_start3A_126] : memref<8x2x128xi32, #tpu.memory_space<vmem>> -> memref<1x1x128xi32, #tpu.memory_space<vmem>>
        %dma_start3A_128 = tpu.memref_squeeze %dma_start3A_127 : memref<1x1x128xi32, #tpu.memory_space<vmem>> -> memref<128xi32, #tpu.memory_space<vmem>>
        %dma_start3A_129 = arith.constant 0 : i32
        %dma_start3A_130 = arith.constant 0 : i32
        %dma_start3A_131 = tpu.memref_slice %arg2[%dma_start3A_129, %dma_start3A_130] : memref<10000x128xf32, #tpu.memory_space<hbm>> -> memref<10000x128xf32, #tpu.memory_space<hbm>>
        tpu.enqueue_indirect_dma source(%dma_start3A_131 : memref<10000x128xf32, #tpu.memory_space<hbm>>) target(%arg8 : memref<128x128xf32, #tpu.memory_space<vmem>>) offsets(%dma_start3A_128 : memref<128xi32, #tpu.memory_space<vmem>>) semaphore(%arg10 : memref<!tpu.dma_semaphore, #tpu.memory_space<semaphore_mem>>)
        %dma_wait3A_132 = arith.constant 0 : i32
        %dma_wait3A_133 = arith.constant 0 : i32
        %dma_wait3A_134 = arith.constant 0 : i32
        %dma_wait3A_135 = tpu.memref_slice %arg6[%dma_wait3A_132, %dma_wait3A_133, %dma_wait3A_134] : memref<8x2x128xi32, #tpu.memory_space<vmem>> -> memref<1x1x128xi32, #tpu.memory_space<vmem>>
        %dma_wait3A_136 = tpu.memref_squeeze %dma_wait3A_135 : memref<1x1x128xi32, #tpu.memory_space<vmem>> -> memref<128xi32, #tpu.memory_space<vmem>>
        %dma_wait3A_137 = arith.constant 0 : i32
        %dma_wait3A_138 = arith.constant 0 : i32
        %dma_wait3A_139 = tpu.memref_slice %arg2[%dma_wait3A_137, %dma_wait3A_138] : memref<10000x128xf32, #tpu.memory_space<hbm>> -> memref<10000x128xf32, #tpu.memory_space<hbm>>
        tpu.wait_indirect_dma semaphore(%arg9 : memref<!tpu.dma_semaphore, #tpu.memory_space<semaphore_mem>>) src(%dma_wait3A_139 : memref<10000x128xf32, #tpu.memory_space<hbm>>) dst(%arg7 : memref<128x128xf32, #tpu.memory_space<vmem>>)
        %add3A_140 = arith.constant 2 : i32
        %add3A_141 = arith.addi %mul3A_78, %add3A_140 : i32
        %run_scoped3A_142 = arith.constant 1 : i32
        "tpu.region"() ({
          %run_scoped3A_172 = tpu.sem_alloc : memref<!tpu.dma_semaphore, #tpu.memory_space<semaphore_mem>>
          %dma_start3A_173 = arith.constant 0 : i32
          %dma_start3A_174 = tpu.memref_slice %arg6[%add3A_141, %run_scoped3A_142, %dma_start3A_173] : memref<8x2x128xi32, #tpu.memory_space<vmem>> -> memref<1x1x128xi32, #tpu.memory_space<vmem>>
          %dma_start3A_175 = tpu.memref_squeeze %dma_start3A_174 : memref<1x1x128xi32, #tpu.memory_space<vmem>> -> memref<128xi32, #tpu.memory_space<vmem>>
          %dma_start3A_176 = arith.constant 0 : i32
          %dma_start3A_177 = arith.constant 0 : i32
          %dma_start3A_178 = tpu.memref_slice %arg5[%dma_start3A_176, %dma_start3A_177] : memref<10240x128xf32, #tpu.memory_space<vmem_shared>> -> memref<10240x128xf32, #tpu.memory_space<vmem_shared>>
          tpu.enqueue_indirect_dma source(%arg7 : memref<128x128xf32, #tpu.memory_space<vmem>>) target(%dma_start3A_178 : memref<10240x128xf32, #tpu.memory_space<vmem_shared>>) offsets(%dma_start3A_175 : memref<128xi32, #tpu.memory_space<vmem>>) semaphore(%run_scoped3A_172 : memref<!tpu.dma_semaphore, #tpu.memory_space<semaphore_mem>>) {add = true}
          %dma_wait3A_179 = arith.constant 0 : i32
          %dma_wait3A_180 = tpu.memref_slice %arg6[%add3A_141, %run_scoped3A_142, %dma_wait3A_179] : memref<8x2x128xi32, #tpu.memory_space<vmem>> -> memref<1x1x128xi32, #tpu.memory_space<vmem>>
          %dma_wait3A_181 = tpu.memref_squeeze %dma_wait3A_180 : memref<1x1x128xi32, #tpu.memory_space<vmem>> -> memref<128xi32, #tpu.memory_space<vmem>>
          %dma_wait3A_182 = arith.constant 0 : i32
          %dma_wait3A_183 = arith.constant 0 : i32
          %dma_wait3A_184 = tpu.memref_slice %arg5[%dma_wait3A_182, %dma_wait3A_183] : memref<10240x128xf32, #tpu.memory_space<vmem_shared>> -> memref<10240x128xf32, #tpu.memory_space<vmem_shared>>
          tpu.wait_indirect_dma semaphore(%run_scoped3A_172 : memref<!tpu.dma_semaphore, #tpu.memory_space<semaphore_mem>>) src(%arg7 : memref<128x128xf32, #tpu.memory_space<vmem>>) dst(%dma_wait3A_184 : memref<10240x128xf32, #tpu.memory_space<vmem_shared>>)
          tpu.yield
        }) : () -> ()
        %sub3A_143 = arith.constant 1 : i32
        %sub3A_144 = arith.subi %select_n3A, %sub3A_143 : i32
        %lt3A_145 = arith.cmpi slt, %add3A_74, %sub3A_144 : i32
        %convert_element_type3A_146 = arith.extui %lt3A_145 : i1 to i32
        %cond3A_147 = arith.constant 0 : i32
        %cond3A_148 = arith.cmpi ne, %convert_element_type3A_146, %cond3A_147 : i32
        scf.if %cond3A_148 {
          %add3A_172 = arith.constant 2 : i32
          %add3A_173 = arith.addi %mul3A_84, %add3A_172 : i32
          %sub3A_174 = arith.constant 2 : i32
          %sub3A_175 = arith.subi %add3A_173, %sub3A_174 : i32
          %dma_start3A_176 = arith.constant 0 : i32
          %dma_start3A_177 = arith.constant 0 : i32
          %dma_start3A_178 = tpu.memref_slice %arg6[%sub3A_175, %dma_start3A_176, %dma_start3A_177] : memref<8x2x128xi32, #tpu.memory_space<vmem>> -> memref<1x1x128xi32, #tpu.memory_space<vmem>>
          %dma_start3A_179 = tpu.memref_squeeze %dma_start3A_178 : memref<1x1x128xi32, #tpu.memory_space<vmem>> -> memref<128xi32, #tpu.memory_space<vmem>>
          %dma_start3A_180 = arith.constant 0 : i32
          %dma_start3A_181 = arith.constant 0 : i32
          %dma_start3A_182 = tpu.memref_slice %arg2[%dma_start3A_180, %dma_start3A_181] : memref<10000x128xf32, #tpu.memory_space<hbm>> -> memref<10000x128xf32, #tpu.memory_space<hbm>>
          tpu.enqueue_indirect_dma source(%dma_start3A_182 : memref<10000x128xf32, #tpu.memory_space<hbm>>) target(%arg7 : memref<128x128xf32, #tpu.memory_space<vmem>>) offsets(%dma_start3A_179 : memref<128xi32, #tpu.memory_space<vmem>>) semaphore(%arg9 : memref<!tpu.dma_semaphore, #tpu.memory_space<semaphore_mem>>)
        } else {
        }
        %dma_wait3A_149 = arith.constant 0 : i32
        %dma_wait3A_150 = arith.constant 0 : i32
        %dma_wait3A_151 = arith.constant 0 : i32
        %dma_wait3A_152 = tpu.memref_slice %arg6[%dma_wait3A_149, %dma_wait3A_150, %dma_wait3A_151] : memref<8x2x128xi32, #tpu.memory_space<vmem>> -> memref<1x1x128xi32, #tpu.memory_space<vmem>>
        %dma_wait3A_153 = tpu.memref_squeeze %dma_wait3A_152 : memref<1x1x128xi32, #tpu.memory_space<vmem>> -> memref<128xi32, #tpu.memory_space<vmem>>
        %dma_wait3A_154 = arith.constant 0 : i32
        %dma_wait3A_155 = arith.constant 0 : i32
        %dma_wait3A_156 = tpu.memref_slice %arg2[%dma_wait3A_154, %dma_wait3A_155] : memref<10000x128xf32, #tpu.memory_space<hbm>> -> memref<10000x128xf32, #tpu.memory_space<hbm>>
        tpu.wait_indirect_dma semaphore(%arg10 : memref<!tpu.dma_semaphore, #tpu.memory_space<semaphore_mem>>) src(%dma_wait3A_156 : memref<10000x128xf32, #tpu.memory_space<hbm>>) dst(%arg8 : memref<128x128xf32, #tpu.memory_space<vmem>>)
        %add3A_157 = arith.constant 3 : i32
        %add3A_158 = arith.addi %mul3A_78, %add3A_157 : i32
        %run_scoped3A_159 = arith.constant 1 : i32
        "tpu.region"() ({
          %run_scoped3A_172 = tpu.sem_alloc : memref<!tpu.dma_semaphore, #tpu.memory_space<semaphore_mem>>
          %dma_start3A_173 = arith.constant 0 : i32
          %dma_start3A_174 = tpu.memref_slice %arg6[%add3A_158, %run_scoped3A_159, %dma_start3A_173] : memref<8x2x128xi32, #tpu.memory_space<vmem>> -> memref<1x1x128xi32, #tpu.memory_space<vmem>>
          %dma_start3A_175 = tpu.memref_squeeze %dma_start3A_174 : memref<1x1x128xi32, #tpu.memory_space<vmem>> -> memref<128xi32, #tpu.memory_space<vmem>>
          %dma_start3A_176 = arith.constant 0 : i32
          %dma_start3A_177 = arith.constant 0 : i32
          %dma_start3A_178 = tpu.memref_slice %arg5[%dma_start3A_176, %dma_start3A_177] : memref<10240x128xf32, #tpu.memory_space<vmem_shared>> -> memref<10240x128xf32, #tpu.memory_space<vmem_shared>>
          tpu.enqueue_indirect_dma source(%arg8 : memref<128x128xf32, #tpu.memory_space<vmem>>) target(%dma_start3A_178 : memref<10240x128xf32, #tpu.memory_space<vmem_shared>>) offsets(%dma_start3A_175 : memref<128xi32, #tpu.memory_space<vmem>>) semaphore(%run_scoped3A_172 : memref<!tpu.dma_semaphore, #tpu.memory_space<semaphore_mem>>) {add = true}
          %dma_wait3A_179 = arith.constant 0 : i32
          %dma_wait3A_180 = tpu.memref_slice %arg6[%add3A_158, %run_scoped3A_159, %dma_wait3A_179] : memref<8x2x128xi32, #tpu.memory_space<vmem>> -> memref<1x1x128xi32, #tpu.memory_space<vmem>>
          %dma_wait3A_181 = tpu.memref_squeeze %dma_wait3A_180 : memref<1x1x128xi32, #tpu.memory_space<vmem>> -> memref<128xi32, #tpu.memory_space<vmem>>
          %dma_wait3A_182 = arith.constant 0 : i32
          %dma_wait3A_183 = arith.constant 0 : i32
          %dma_wait3A_184 = tpu.memref_slice %arg5[%dma_wait3A_182, %dma_wait3A_183] : memref<10240x128xf32, #tpu.memory_space<vmem_shared>> -> memref<10240x128xf32, #tpu.memory_space<vmem_shared>>
          tpu.wait_indirect_dma semaphore(%run_scoped3A_172 : memref<!tpu.dma_semaphore, #tpu.memory_space<semaphore_mem>>) src(%arg8 : memref<128x128xf32, #tpu.memory_space<vmem>>) dst(%dma_wait3A_184 : memref<10240x128xf32, #tpu.memory_space<vmem_shared>>)
          tpu.yield
        }) : () -> ()
        %sub3A_160 = arith.constant 1 : i32
        %sub3A_161 = arith.subi %select_n3A, %sub3A_160 : i32
        %lt3A_162 = arith.cmpi slt, %add3A_74, %sub3A_161 : i32
        %convert_element_type3A_163 = arith.extui %lt3A_162 : i1 to i32
        %cond3A_164 = arith.constant 0 : i32
        %cond3A_165 = arith.cmpi ne, %convert_element_type3A_163, %cond3A_164 : i32
        scf.if %cond3A_165 {
          %add3A_172 = arith.constant 3 : i32
          %add3A_173 = arith.addi %mul3A_84, %add3A_172 : i32
          %sub3A_174 = arith.constant 2 : i32
          %sub3A_175 = arith.subi %add3A_173, %sub3A_174 : i32
          %dma_start3A_176 = arith.constant 0 : i32
          %dma_start3A_177 = arith.constant 0 : i32
          %dma_start3A_178 = tpu.memref_slice %arg6[%sub3A_175, %dma_start3A_176, %dma_start3A_177] : memref<8x2x128xi32, #tpu.memory_space<vmem>> -> memref<1x1x128xi32, #tpu.memory_space<vmem>>
          %dma_start3A_179 = tpu.memref_squeeze %dma_start3A_178 : memref<1x1x128xi32, #tpu.memory_space<vmem>> -> memref<128xi32, #tpu.memory_space<vmem>>
          %dma_start3A_180 = arith.constant 0 : i32
          %dma_start3A_181 = arith.constant 0 : i32
          %dma_start3A_182 = tpu.memref_slice %arg2[%dma_start3A_180, %dma_start3A_181] : memref<10000x128xf32, #tpu.memory_space<hbm>> -> memref<10000x128xf32, #tpu.memory_space<hbm>>
          tpu.enqueue_indirect_dma source(%dma_start3A_182 : memref<10000x128xf32, #tpu.memory_space<hbm>>) target(%arg8 : memref<128x128xf32, #tpu.memory_space<vmem>>) offsets(%dma_start3A_179 : memref<128xi32, #tpu.memory_space<vmem>>) semaphore(%arg10 : memref<!tpu.dma_semaphore, #tpu.memory_space<semaphore_mem>>)
        } else {
        }
        %sub3A_166 = arith.constant 2 : i32
        %sub3A_167 = arith.subi %select_n3A, %sub3A_166 : i32
        %lt3A_168 = arith.cmpi slt, %add3A_74, %sub3A_167 : i32
        %convert_element_type3A_169 = arith.extui %lt3A_168 : i1 to i32
        %cond3A_170 = arith.constant 0 : i32
        %cond3A_171 = arith.cmpi ne, %convert_element_type3A_169, %cond3A_170 : i32
        scf.if %cond3A_171 {
          %add3A_172 = arith.constant 2 : i32
          %add3A_173 = arith.addi %add3A_74, %add3A_172 : i32
          %mul3A_174 = arith.constant 4 : i32
          %mul3A_175 = arith.muli %add3A_173, %mul3A_174 : i32
          %add3A_176 = arith.addi %mul3A_2, %mul3A_175 : i32
          %dma_start3A_177 = arith.constant 0 : i32
          %dma_start3A_178 = arith.constant 0 : i32
          %dma_start3A_179 = tpu.memref_slice %arg6[%mul3A_78, %dma_start3A_177, %dma_start3A_178] : memref<8x2x128xi32, #tpu.memory_space<vmem>> -> memref<4x2x128xi32, #tpu.memory_space<vmem>>
          %dma_start3A_180 = arith.constant 0 : i32
          %dma_start3A_181 = arith.constant 0 : i32
          %dma_start3A_182 = tpu.memref_slice %arg3[%add3A_176, %dma_start3A_180, %dma_start3A_181] : memref<2500x2x128xi32, #tpu.memory_space<hbm>> -> memref<4x2x128xi32, #tpu.memory_space<hbm>>
          %dma_start3A_183 = arith.constant 0 : i32
          %dma_start3A_184 = arith.constant 0 : i32
          %dma_start3A_185 = tpu.memref_slice %arg6[%mul3A_78, %dma_start3A_183, %dma_start3A_184] : memref<8x2x128xi32, #tpu.memory_space<vmem>> -> memref<4x2x128xi32, #tpu.memory_space<vmem>>
          %dma_start3A_186 = arith.constant 0 : i32
          %dma_start3A_187 = arith.constant 0 : i32
          %dma_start3A_188 = tpu.memref_slice %arg3[%add3A_176, %dma_start3A_186, %dma_start3A_187] : memref<2500x2x128xi32, #tpu.memory_space<hbm>> -> memref<4x2x128xi32, #tpu.memory_space<hbm>>
          tpu.enqueue_dma source(%dma_start3A_188 : memref<4x2x128xi32, #tpu.memory_space<hbm>>) target(%dma_start3A_185 : memref<4x2x128xi32, #tpu.memory_space<vmem>>) target_semaphore(%arg11 : memref<!tpu.dma_semaphore, #tpu.memory_space<semaphore_mem>>)
        } else {
        }
      } else {
      }
    }
    %scan3A_64 = arith.constant 20 : i32
    %barrier3A_65 = arith.constant 0 : index
    tpu.barrier barrier_id(%barrier3A_65)
    %mul3A_66 = arith.constant 640 : i32
    %mul3A_67 = arith.muli %arg1, %mul3A_66 : i32
    %mul3A_68 = arith.constant 640 : i32
    %mul3A_69 = arith.muli %arg1, %mul3A_68 : i32
    "tpu.region"() ({
      %run_scoped3A = tpu.sem_alloc : memref<!tpu.dma_semaphore, #tpu.memory_space<semaphore_mem>>
      %dma_start3A_70 = arith.constant 0 : i32
      %dma_start3A_71 = arith.constant 0 : i32
      %dma_start3A_72 = tpu.memref_slice %arg4[%arg0, %dma_start3A_70, %dma_start3A_71] : memref<2x10240x128xf32, #tpu.memory_space<hbm>> -> memref<1x10240x128xf32, #tpu.memory_space<hbm>>
      %dma_start3A_73 = tpu.memref_squeeze %dma_start3A_72 : memref<1x10240x128xf32, #tpu.memory_space<hbm>> -> memref<10240x128xf32, #tpu.memory_space<hbm>>
      %dma_start3A_74 = arith.constant 0 : i32
      %dma_start3A_75 = tpu.memref_slice %dma_start3A_73[%mul3A_69, %dma_start3A_74] : memref<10240x128xf32, #tpu.memory_space<hbm>> -> memref<640x128xf32, #tpu.memory_space<hbm>>
      %dma_start3A_76 = arith.constant 0 : i32
      %dma_start3A_77 = tpu.memref_slice %arg5[%mul3A_67, %dma_start3A_76] : memref<10240x128xf32, #tpu.memory_space<vmem_shared>> -> memref<640x128xf32, #tpu.memory_space<vmem_shared>>
      tpu.enqueue_dma source(%dma_start3A_77 : memref<640x128xf32, #tpu.memory_space<vmem_shared>>) target(%dma_start3A_75 : memref<640x128xf32, #tpu.memory_space<hbm>>) target_semaphore(%run_scoped3A : memref<!tpu.dma_semaphore, #tpu.memory_space<semaphore_mem>>)
      %dma_wait3A = arith.constant 0 : i32
      %dma_wait3A_78 = arith.constant 0 : i32
      %dma_wait3A_79 = tpu.memref_slice %arg4[%arg0, %dma_wait3A, %dma_wait3A_78] : memref<2x10240x128xf32, #tpu.memory_space<hbm>> -> memref<1x10240x128xf32, #tpu.memory_space<hbm>>
      %dma_wait3A_80 = tpu.memref_squeeze %dma_wait3A_79 : memref<1x10240x128xf32, #tpu.memory_space<hbm>> -> memref<10240x128xf32, #tpu.memory_space<hbm>>
      %dma_wait3A_81 = arith.constant 0 : i32
      %dma_wait3A_82 = tpu.memref_slice %dma_wait3A_80[%mul3A_69, %dma_wait3A_81] : memref<10240x128xf32, #tpu.memory_space<hbm>> -> memref<640x128xf32, #tpu.memory_space<hbm>>
      %dma_wait3A_83 = arith.constant 0 : i32
      %dma_wait3A_84 = tpu.memref_slice %arg5[%mul3A_67, %dma_wait3A_83] : memref<10240x128xf32, #tpu.memory_space<vmem_shared>> -> memref<640x128xf32, #tpu.memory_space<vmem_shared>>
      tpu.wait_dma2 semaphore(%run_scoped3A : memref<!tpu.dma_semaphore, #tpu.memory_space<semaphore_mem>>) src(%dma_wait3A_84 : memref<640x128xf32, #tpu.memory_space<vmem_shared>>) dst(%dma_wait3A_82 : memref<640x128xf32, #tpu.memory_space<hbm>>)
      tpu.yield
    }) : () -> ()
    return
  }
}

module attributes {stable_mosaic.version = 14 : i64} {
  func.func @_combine0_body(%arg0: i32, %arg1: memref<2x2048x128xf32, #tpu.memory_space<vmem>>, %arg2: memref<2x2048x16xf32, #tpu.memory_space<vmem>>, %arg3: memref<16x128xf32, #tpu.memory_space<vmem>>, %arg4: memref<128x128xf32, #tpu.memory_space<vmem>>, %arg5: memref<2048x128xf32, #tpu.memory_space<vmem>>, %arg6: memref<2048x128xf32, #tpu.memory_space<vmem>>, %arg7: memref<2048x128xf32, #tpu.memory_space<vmem>>) attributes {dimension_semantics = [#tpu.dimension_semantics<arbitrary>], iteration_bounds = array<i64: 5>, scalar_prefetch = 0 : i64, scratch_operands = 0 : i64, tpu.core_type = #tpu.core_type<tc>, window_params = [{transform_indices = @transform_0, window_bounds = array<i64: 2, 2048, 128>}, {transform_indices = @transform_1, window_bounds = array<i64: 2, 2048, 16>}, {pipeline_mode = #tpu.pipeline_mode<synchronous>, transform_indices = @transform_2, window_bounds = array<i64: 16, 128>}, {pipeline_mode = #tpu.pipeline_mode<synchronous>, transform_indices = @transform_3, window_bounds = array<i64: 128, 128>}, {transform_indices = @transform_4, window_bounds = array<i64: 2048, 128>}, {transform_indices = @transform_5, window_bounds = array<i64: 2048, 128>}, {transform_indices = @transform_6, window_bounds = array<i64: 2048, 128>}]} {
    %get3A = arith.constant 0 : index
    %get3A_0 = arith.constant 0 : index
    %get3A_1 = arith.constant 0 : index
    %get3A_2 = vector.load %arg1[%get3A, %get3A_0, %get3A_1] : memref<2x2048x128xf32, #tpu.memory_space<vmem>>, vector<1x2048x128xf32>
    %get3A_3 = vector.shape_cast %get3A_2 : vector<1x2048x128xf32> to vector<2048x128xf32>
    %get3A_4 = arith.constant 1 : index
    %get3A_5 = arith.constant 0 : index
    %get3A_6 = arith.constant 0 : index
    %get3A_7 = vector.load %arg1[%get3A_4, %get3A_5, %get3A_6] : memref<2x2048x128xf32, #tpu.memory_space<vmem>>, vector<1x2048x128xf32>
    %get3A_8 = vector.shape_cast %get3A_7 : vector<1x2048x128xf32> to vector<2048x128xf32>
    %add3A = arith.addf %get3A_3, %get3A_8 : vector<2048x128xf32>
    %get3A_9 = arith.constant 0 : index
    %get3A_10 = arith.constant 0 : index
    %get3A_11 = vector.load %arg4[%get3A_9, %get3A_10] : memref<128x128xf32, #tpu.memory_space<vmem>>, vector<128x128xf32>
    %dot_general3A = arith.constant dense<0.000000e+00> : vector<2048x128xf32>
    %dot_general3A_12 = tpu.matmul %add3A, %get3A_11, %dot_general3A {dimension_numbers = #tpu.dot_dimension_numbers<[1], [1], [0], [0], [0, 0, 1, 0], [], []>, precision = #tpu.contract_precision<fp32>, transpose_lhs_hint = false} : vector<2048x128xf32>, vector<128x128xf32>, vector<2048x128xf32> -> vector<2048x128xf32>
    %get3A_13 = arith.constant 0 : index
    %get3A_14 = arith.constant 0 : index
    %get3A_15 = arith.constant 0 : index
    %get3A_16 = vector.load %arg2[%get3A_13, %get3A_14, %get3A_15] : memref<2x2048x16xf32, #tpu.memory_space<vmem>>, vector<1x2048x16xf32>
    %get3A_17 = vector.shape_cast %get3A_16 : vector<1x2048x16xf32> to vector<2048x16xf32>
    %get3A_18 = arith.constant 1 : index
    %get3A_19 = arith.constant 0 : index
    %get3A_20 = arith.constant 0 : index
    %get3A_21 = vector.load %arg2[%get3A_18, %get3A_19, %get3A_20] : memref<2x2048x16xf32, #tpu.memory_space<vmem>>, vector<1x2048x16xf32>
    %get3A_22 = vector.shape_cast %get3A_21 : vector<1x2048x16xf32> to vector<2048x16xf32>
    %add3A_23 = arith.addf %get3A_17, %get3A_22 : vector<2048x16xf32>
    %get3A_24 = arith.constant 0 : index
    %get3A_25 = arith.constant 0 : index
    %get3A_26 = vector.load %arg3[%get3A_24, %get3A_25] : memref<16x128xf32, #tpu.memory_space<vmem>>, vector<16x128xf32>
    %dot_general3A_27 = arith.constant dense<0.000000e+00> : vector<2048x128xf32>
    %dot_general3A_28 = tpu.matmul %add3A_23, %get3A_26, %dot_general3A_27 {dimension_numbers = #tpu.dot_dimension_numbers<[1], [0], [0], [1], [0, 0, 1, 1], [], []>, precision = #tpu.contract_precision<fp32>, transpose_lhs_hint = false} : vector<2048x16xf32>, vector<16x128xf32>, vector<2048x128xf32> -> vector<2048x128xf32>
    %max3A = arith.constant 1.000000e+00 : f32
    %max3A_29 = vector.broadcast %max3A : f32 to vector<2048x128xf32>
    %max3A_30 = arith.maximumf %dot_general3A_28, %max3A_29 : vector<2048x128xf32>
    %div3A = arith.constant 1.000000e+00 : f32
    %div3A_31 = vector.broadcast %div3A : f32 to vector<2048x128xf32>
    %div3A_32 = arith.divf %div3A_31, %max3A_30 : vector<2048x128xf32>
    %mul3A = arith.mulf %dot_general3A_12, %div3A_32 : vector<2048x128xf32>
    %get3A_33 = arith.constant 0 : index
    %get3A_34 = arith.constant 0 : index
    %get3A_35 = vector.load %arg5[%get3A_33, %get3A_34] : memref<2048x128xf32, #tpu.memory_space<vmem>>, vector<2048x128xf32>
    %add3A_36 = arith.addf %mul3A, %get3A_35 : vector<2048x128xf32>
    %neg3A = arith.constant 0.000000e+00 : f32
    %neg3A_37 = vector.broadcast %neg3A : f32 to vector<2048x128xf32>
    %neg3A_38 = arith.subf %neg3A_37, %add3A_36 : vector<2048x128xf32>
    %exp3A = math.exp %neg3A_38 : vector<2048x128xf32>
    %add3A_39 = arith.constant 1.000000e+00 : f32
    %add3A_40 = vector.broadcast %add3A_39 : f32 to vector<2048x128xf32>
    %add3A_41 = arith.addf %add3A_40, %exp3A : vector<2048x128xf32>
    %div3A_42 = arith.constant 1.000000e+00 : f32
    %div3A_43 = vector.broadcast %div3A_42 : f32 to vector<2048x128xf32>
    %div3A_44 = arith.divf %div3A_43, %add3A_41 : vector<2048x128xf32>
    %mul3A_45 = arith.constant 5.000000e-01 : f32
    %mul3A_46 = vector.broadcast %mul3A_45 : f32 to vector<2048x128xf32>
    %mul3A_47 = arith.mulf %mul3A_46, %div3A_44 : vector<2048x128xf32>
    %add3A_48 = arith.constant 5.000000e-01 : f32
    %add3A_49 = vector.broadcast %add3A_48 : f32 to vector<2048x128xf32>
    %add3A_50 = arith.addf %add3A_49, %mul3A_47 : vector<2048x128xf32>
    %mul3A_51 = arith.mulf %add3A_36, %add3A_50 : vector<2048x128xf32>
    %swap3A = arith.constant 0 : index
    %swap3A_52 = arith.constant 0 : index
    %swap3A_53 = vector.load %arg6[%swap3A, %swap3A_52] : memref<2048x128xf32, #tpu.memory_space<vmem>>, vector<2048x128xf32>
    tpu.vector_store %arg6[%swap3A, %swap3A_52], %mul3A_51 {strides = array<i32>} : memref<2048x128xf32, #tpu.memory_space<vmem>>, vector<2048x128xf32>,
    %swap3A_54 = arith.constant 0 : index
    %swap3A_55 = arith.constant 0 : index
    %swap3A_56 = vector.load %arg7[%swap3A_54, %swap3A_55] : memref<2048x128xf32, #tpu.memory_space<vmem>>, vector<2048x128xf32>
    tpu.vector_store %arg7[%swap3A_54, %swap3A_55], %div3A_32 {strides = array<i32>} : memref<2048x128xf32, #tpu.memory_space<vmem>>, vector<2048x128xf32>,
    return
  }
  func.func @transform_0(%arg0: i32) -> (i32, i32, i32) {
    %c0_i32 = arith.constant 0 : i32
    %c0_i32_0 = arith.constant 0 : i32
    %c0_i32_1 = arith.constant 0 : i32
    return %c0_i32, %arg0, %c0_i32_0 : i32, i32, i32
  }
  func.func @transform_1(%arg0: i32) -> (i32, i32, i32) {
    %c0_i32 = arith.constant 0 : i32
    %c0_i32_0 = arith.constant 0 : i32
    %c0_i32_1 = arith.constant 0 : i32
    return %c0_i32, %arg0, %c0_i32_0 : i32, i32, i32
  }
  func.func @transform_2(%arg0: i32) -> (i32, i32) {
    %c0_i32 = arith.constant 0 : i32
    %c0_i32_0 = arith.constant 0 : i32
    %c0_i32_1 = arith.constant 0 : i32
    return %c0_i32, %c0_i32_0 : i32, i32
  }
  func.func @transform_3(%arg0: i32) -> (i32, i32) {
    %c0_i32 = arith.constant 0 : i32
    %c0_i32_0 = arith.constant 0 : i32
    %c0_i32_1 = arith.constant 0 : i32
    return %c0_i32, %c0_i32_0 : i32, i32
  }
  func.func @transform_4(%arg0: i32) -> (i32, i32) {
    %c0_i32 = arith.constant 0 : i32
    %c0_i32_0 = arith.constant 0 : i32
    return %arg0, %c0_i32 : i32, i32
  }
  func.func @transform_5(%arg0: i32) -> (i32, i32) {
    %c0_i32 = arith.constant 0 : i32
    %c0_i32_0 = arith.constant 0 : i32
    return %arg0, %c0_i32 : i32, i32
  }
  func.func @transform_6(%arg0: i32) -> (i32, i32) {
    %c0_i32 = arith.constant 0 : i32
    %c0_i32_0 = arith.constant 0 : i32
    return %arg0, %c0_i32 : i32, i32
  }
}

module attributes {stable_mosaic.version = 14 : i64} {
  func.func @_xside_body(%arg0: i32, %arg1: memref<2048x128xf32, #tpu.memory_space<vmem>>, %arg2: memref<128x128xf32, #tpu.memory_space<vmem>>, %arg3: memref<1x128xf32, #tpu.memory_space<vmem>>, %arg4: memref<2048x128xf32, #tpu.memory_space<vmem>>) attributes {dimension_semantics = [#tpu.dimension_semantics<arbitrary>], iteration_bounds = array<i64: 5>, scalar_prefetch = 0 : i64, scratch_operands = 0 : i64, tpu.core_type = #tpu.core_type<tc>, window_params = [{transform_indices = @transform_0, window_bounds = array<i64: 2048, 128>}, {pipeline_mode = #tpu.pipeline_mode<synchronous>, transform_indices = @transform_1, window_bounds = array<i64: 128, 128>}, {pipeline_mode = #tpu.pipeline_mode<synchronous>, transform_indices = @transform_2, window_bounds = array<i64: 1, 128>}, {transform_indices = @transform_3, window_bounds = array<i64: 2048, 128>}]} {
    %get3A = arith.constant 0 : index
    %get3A_0 = arith.constant 0 : index
    %get3A_1 = vector.load %arg1[%get3A, %get3A_0] : memref<2048x128xf32, #tpu.memory_space<vmem>>, vector<2048x128xf32>
    %get3A_2 = arith.constant 0 : index
    %get3A_3 = arith.constant 0 : index
    %get3A_4 = vector.load %arg2[%get3A_2, %get3A_3] : memref<128x128xf32, #tpu.memory_space<vmem>>, vector<128x128xf32>
    %dot_general3A = arith.constant dense<0.000000e+00> : vector<2048x128xf32>
    %dot_general3A_5 = tpu.matmul %get3A_1, %get3A_4, %dot_general3A {dimension_numbers = #tpu.dot_dimension_numbers<[1], [1], [0], [0], [0, 0, 1, 0], [], []>, precision = #tpu.contract_precision<fp32>, transpose_lhs_hint = false} : vector<2048x128xf32>, vector<128x128xf32>, vector<2048x128xf32> -> vector<2048x128xf32>
    %get3A_6 = arith.constant 0 : index
    %get3A_7 = arith.constant 0 : index
    %get3A_8 = vector.load %arg3[%get3A_6, %get3A_7] : memref<1x128xf32, #tpu.memory_space<vmem>>, vector<1x128xf32>
    %add3A = vector.broadcast %get3A_8 : vector<1x128xf32> to vector<2048x128xf32>
    %add3A_9 = arith.addf %dot_general3A_5, %add3A : vector<2048x128xf32>
    %swap3A = arith.constant 0 : index
    %swap3A_10 = arith.constant 0 : index
    %swap3A_11 = vector.load %arg4[%swap3A, %swap3A_10] : memref<2048x128xf32, #tpu.memory_space<vmem>>, vector<2048x128xf32>
    tpu.vector_store %arg4[%swap3A, %swap3A_10], %add3A_9 {strides = array<i32>} : memref<2048x128xf32, #tpu.memory_space<vmem>>, vector<2048x128xf32>,
    return
  }
  func.func @transform_0(%arg0: i32) -> (i32, i32) {
    %c0_i32 = arith.constant 0 : i32
    %c0_i32_0 = arith.constant 0 : i32
    return %arg0, %c0_i32 : i32, i32
  }
  func.func @transform_1(%arg0: i32) -> (i32, i32) {
    %c0_i32 = arith.constant 0 : i32
    %c0_i32_0 = arith.constant 0 : i32
    %c0_i32_1 = arith.constant 0 : i32
    return %c0_i32, %c0_i32_0 : i32, i32
  }
  func.func @transform_2(%arg0: i32) -> (i32, i32) {
    %c0_i32 = arith.constant 0 : i32
    %c0_i32_0 = arith.constant 0 : i32
    %c0_i32_1 = arith.constant 0 : i32
    return %c0_i32, %c0_i32_0 : i32, i32
  }
  func.func @transform_3(%arg0: i32) -> (i32, i32) {
    %c0_i32 = arith.constant 0 : i32
    %c0_i32_0 = arith.constant 0 : i32
    return %arg0, %c0_i32 : i32, i32
  }
}

module attributes {stable_mosaic.version = 14 : i64} {
  func.func @_combine1_body(%arg0: i32, %arg1: memref<2x2048x128xf32, #tpu.memory_space<vmem>>, %arg2: memref<2048x128xf32, #tpu.memory_space<vmem>>, %arg3: memref<128x128xf32, #tpu.memory_space<vmem>>, %arg4: memref<2048x128xf32, #tpu.memory_space<vmem>>, %arg5: memref<2048x128xf32, #tpu.memory_space<vmem>>) attributes {dimension_semantics = [#tpu.dimension_semantics<arbitrary>], iteration_bounds = array<i64: 5>, scalar_prefetch = 0 : i64, scratch_operands = 0 : i64, tpu.core_type = #tpu.core_type<tc>, window_params = [{transform_indices = @transform_0, window_bounds = array<i64: 2, 2048, 128>}, {transform_indices = @transform_1, window_bounds = array<i64: 2048, 128>}, {pipeline_mode = #tpu.pipeline_mode<synchronous>, transform_indices = @transform_2, window_bounds = array<i64: 128, 128>}, {transform_indices = @transform_3, window_bounds = array<i64: 2048, 128>}, {transform_indices = @transform_4, window_bounds = array<i64: 2048, 128>}]} {
    %get3A = arith.constant 0 : index
    %get3A_0 = arith.constant 0 : index
    %get3A_1 = arith.constant 0 : index
    %get3A_2 = vector.load %arg1[%get3A, %get3A_0, %get3A_1] : memref<2x2048x128xf32, #tpu.memory_space<vmem>>, vector<1x2048x128xf32>
    %get3A_3 = vector.shape_cast %get3A_2 : vector<1x2048x128xf32> to vector<2048x128xf32>
    %get3A_4 = arith.constant 1 : index
    %get3A_5 = arith.constant 0 : index
    %get3A_6 = arith.constant 0 : index
    %get3A_7 = vector.load %arg1[%get3A_4, %get3A_5, %get3A_6] : memref<2x2048x128xf32, #tpu.memory_space<vmem>>, vector<1x2048x128xf32>
    %get3A_8 = vector.shape_cast %get3A_7 : vector<1x2048x128xf32> to vector<2048x128xf32>
    %add3A = arith.addf %get3A_3, %get3A_8 : vector<2048x128xf32>
    %get3A_9 = arith.constant 0 : index
    %get3A_10 = arith.constant 0 : index
    %get3A_11 = vector.load %arg3[%get3A_9, %get3A_10] : memref<128x128xf32, #tpu.memory_space<vmem>>, vector<128x128xf32>
    %dot_general3A = arith.constant dense<0.000000e+00> : vector<2048x128xf32>
    %dot_general3A_12 = tpu.matmul %add3A, %get3A_11, %dot_general3A {dimension_numbers = #tpu.dot_dimension_numbers<[1], [1], [0], [0], [0, 0, 1, 0], [], []>, precision = #tpu.contract_precision<fp32>, transpose_lhs_hint = false} : vector<2048x128xf32>, vector<128x128xf32>, vector<2048x128xf32> -> vector<2048x128xf32>
    %get3A_13 = arith.constant 0 : index
    %get3A_14 = arith.constant 0 : index
    %get3A_15 = vector.load %arg2[%get3A_13, %get3A_14] : memref<2048x128xf32, #tpu.memory_space<vmem>>, vector<2048x128xf32>
    %mul3A = arith.mulf %dot_general3A_12, %get3A_15 : vector<2048x128xf32>
    %get3A_16 = arith.constant 0 : index
    %get3A_17 = arith.constant 0 : index
    %get3A_18 = vector.load %arg4[%get3A_16, %get3A_17] : memref<2048x128xf32, #tpu.memory_space<vmem>>, vector<2048x128xf32>
    %add3A_19 = arith.addf %mul3A, %get3A_18 : vector<2048x128xf32>
    %swap3A = arith.constant 0 : index
    %swap3A_20 = arith.constant 0 : index
    %swap3A_21 = vector.load %arg5[%swap3A, %swap3A_20] : memref<2048x128xf32, #tpu.memory_space<vmem>>, vector<2048x128xf32>
    tpu.vector_store %arg5[%swap3A, %swap3A_20], %add3A_19 {strides = array<i32>} : memref<2048x128xf32, #tpu.memory_space<vmem>>, vector<2048x128xf32>,
    return
  }
  func.func @transform_0(%arg0: i32) -> (i32, i32, i32) {
    %c0_i32 = arith.constant 0 : i32
    %c0_i32_0 = arith.constant 0 : i32
    %c0_i32_1 = arith.constant 0 : i32
    return %c0_i32, %arg0, %c0_i32_0 : i32, i32, i32
  }
  func.func @transform_1(%arg0: i32) -> (i32, i32) {
    %c0_i32 = arith.constant 0 : i32
    %c0_i32_0 = arith.constant 0 : i32
    return %arg0, %c0_i32 : i32, i32
  }
  func.func @transform_2(%arg0: i32) -> (i32, i32) {
    %c0_i32 = arith.constant 0 : i32
    %c0_i32_0 = arith.constant 0 : i32
    %c0_i32_1 = arith.constant 0 : i32
    return %c0_i32, %c0_i32_0 : i32, i32
  }
  func.func @transform_3(%arg0: i32) -> (i32, i32) {
    %c0_i32 = arith.constant 0 : i32
    %c0_i32_0 = arith.constant 0 : i32
    return %arg0, %c0_i32 : i32, i32
  }
  func.func @transform_4(%arg0: i32) -> (i32, i32) {
    %c0_i32 = arith.constant 0 : i32
    %c0_i32_0 = arith.constant 0 : i32
    return %arg0, %c0_i32 : i32, i32
  }
}

</mosaic_0001>

<sc_bundles>
// kernel: kernel.11.cloned.1.call-start
scs
__scs_entry_jumppad:
0x0: {  	(pc) =	sbr.rel $0x88, $3  }
0x1: {  	(tag) =	ssettag $0x0;
	lr =	simm.s32 $0x1  }
0x2: {  	[smem:$0x3F99] =	sst lr;
	_ =	strace $0xD0000000  }
0x3: {  	_ = 	snop  }
0x4: {  	_ = 	snop  }
0x5: {  	_ = 	snop  }
0x6: {  	_ = 	snop  }
0x7: {  	_ = 	snop  }
__scs_overlays_trampoline_lowered:
0x8: {  	[smem:$0x3FA8] =	sst s0  }
0x9: {  	[smem:$0x3FA9] =	sst s1  }
0xa: {  	[smem:$0x3FAA] =	sst s2  }
0xb: {  	[smem:$0x3FAB] =	sst s3  }
0xc: {  	[smem:$0x3FAC] =	sst s4  }
0xd: {  	[smem:$0x3FAD] =	sst s5  }
0xe: {  	[smem:$0x3FAE] =	sst s6  }
0xf: {  	[smem:$0x3FAF] =	sst s7  }
0x10: {  	[smem:$0x3FB0] =	sst s8  }
0x11: {  	[smem:$0x3FB1] =	sst s9;
	s0 =	simm.s32 @!p0 $0x0  }
0x12: {  	s1 =	sld [smem:$0x3F97];
	s0 =	simm.s32 @p0 $0x1  }
0x13: {  	[smem:$0x3FB2] =	sst s0;
	s0 =	simm.s32 @!p1 $0x0  }
0x14: {  	s2 =	sld [smem:$0x3F96];
	s0 =	simm.s32 @p1 $0x1  }
0x15: {  	[smem:$0x3FB3] =	sst s0;
	s0 =	simm.s32 @!p2 $0x0  }
0x16: {  	s3 =	sld [smem:$0x3FDB];
	s0 =	simm.s32 @p2 $0x1  }
0x17: {  	s4 =	simm.s32 $0x1BF5;
	[smem:$0x3FB5] =	sst s0  }
0x18: {  	s0 =	sld [smem:$0x3F98];
	_ =	swait.ge [sflag:s4], $0x0  }
0x19: {  	s7 =	sld [smem:$0x3F99]  }
0x1a: {  	s8 =	sadd.s32 $0xFFFFE003, lr  }
0x1b: {  	s9 =	sadd.s32 $0xFFFFFEF7, lr;
	s5 =	simm.s32 $0xFFFFFFFF;
	p2 =	slt.u32 s8, $0xFFFFF086  }
0x1c: {  	p1 =	slt.u32 s9, $0xF7A;
	s5 =	simm.s32 @!p2 $0x0  }
0x1d: {  	s5 =	simm.s32 @p1 $0x1;
	p0 =	seq.s32 s7, s2  }
0x1e: {  	s7 =	smul.u32 @!p0 $0xF7A, s2;
	p2 =	seq.s32 @!p0 s5, $0x0  }
0x1f: {  	s9 =	smul.u32 $0xF7A, s1;
	s8 =	simm.s32 @!p0 $0x1BF5;
	p2 =	por !p2, p0  }
0x20: {  	[sflag:s8] =	ssyncset.s32 @!p0 $0xFFFFF086;
	s6 =	sadd.s32 @!p0 s3, s7;
	s7 =	simm.s32 @!p0 $0x108  }
0x21: {  	s3 =	sadd.s32 s3, s9;
	s6 =	sadd.s32 @!p0 $0x88, s6;
	s7 =	simm.s32 @p2 $0x1082  }
0x22: {  	[simem:s7], [sflag:s8] =	dma.local @!p0 [hbm:s6], $0xF7A  }
0x23: {  	s9 =	sor.u32 $0xD0000000, s2;
	s6 =	simm.s32 $0x108;
	_ =	swait.ge @!p0 [sflag:s8], $0x0  }
0x24: {  	s3 =	sadd.s32 $0x88, s3;
	s6 =	simm.s32 @!p1 $0x1082;
	[sflag:s4] =	ssyncset.s32 $0xFFFFF086  }
0x25: {  	[simem:s6], [sflag:s4] =	dma.local [hbm:s3], $0xF7A  }
0x26: {  	[smem:$0x3F99] =	sst s1;
	(tag) =	ssettag s2;
	_ =	strace s9  }
0x27: {  	s1 =	sld [smem:$0x3FA9]  }
0x28: {  	s2 =	sld [smem:$0x3FAA]  }
0x29: {  	s4 =	sld [smem:$0x3FAC]  }
0x2a: {  	p0 =	seq.s32 s5, $0x0;
	s5 =	sld [smem:$0x3FAD]  }
0x2b: {  	s6 =	sld [smem:$0x3FAE]  }
0x2c: {  	s7 =	sld [smem:$0x3FAF]  }
0x2d: {  	s3 =	simm.s32 $0x108;
	s8 =	sld [smem:$0x3FB0]  }
0x2e: {  	s3 =	simm.s32 @!p0 $0x1082;
	s9 =	sld [smem:$0x3FB1]  }
0x2f: {  	lr =	sadd.s32 s0, s3;
	s0 =	sld [smem:$0x3FA8]  }
0x30: {  	s3 =	sld [smem:$0x3FAB]  }
0x31: {  	[smem:$0x3FB4] =	sst s10  }
0x32: {  	s10 =	sld [smem:$0x3FB2];
	_ =	sdelay $0x3  }
0x33: {  	p0 =	seq.s32 s10, $0x1;
	s10 =	sld [smem:$0x3FB4];
	_ =	sdelay $0x3  }
0x34: {  	[smem:$0x3FB4] =	sst s10  }
0x35: {  	s10 =	sld [smem:$0x3FB3];
	_ =	sdelay $0x3  }
0x36: {  	p1 =	seq.s32 s10, $0x1;
	s10 =	sld [smem:$0x3FB4];
	_ =	sdelay $0x3  }
0x37: {  	[smem:$0x3FB4] =	sst s10  }
0x38: {  	s10 =	sld [smem:$0x3FB5]  }
0x39: {  	_ = 	snop;
	(pc) =	sbr.ind lr, $3  }
0x3a: {  	_ = 	snop  }
0x3b: {  	_ = 	snop  }
0x3c: {  	p2 =	seq.s32 s10, $0x1;
	s10 =	sld [smem:$0x3FB4]  }
0x3d: {  	_ =	shalt  }
0x3e: {  	_ =	shalt  }
0x3f: {  	_ =	shalt  }
0x40: {  	_ =	shalt  }
0x41: {  	_ =	shalt  }
0x42: {  	_ =	shalt  }
0x43: {  	_ =	shalt  }
0x44: {  	_ =	shalt  }
0x45: {  	_ =	shalt  }
0x46: {  	_ =	shalt  }
0x47: {  	_ =	shalt  }
0x48: {  	_ =	shalt  }
0x49: {  	_ =	shalt  }
0x4a: {  	_ =	shalt  }
0x4b: {  	_ =	shalt  }
0x4c: {  	_ =	shalt  }
0x4d: {  	_ =	shalt  }
0x4e: {  	_ =	shalt  }
0x4f: {  	_ =	shalt  }
0x50: {  	_ =	shalt  }
0x51: {  	_ =	shalt  }
0x52: {  	_ =	shalt  }
0x53: {  	_ =	shalt  }
0x54: {  	_ =	shalt  }
0x55: {  	_ =	shalt  }
0x56: {  	_ =	shalt  }
0x57: {  	_ =	shalt  }
0x58: {  	_ =	shalt  }
0x59: {  	_ =	shalt  }
0x5a: {  	_ =	shalt  }
0x5b: {  	_ =	shalt  }
0x5c: {  	_ =	shalt  }
0x5d: {  	_ =	shalt  }
0x5e: {  	_ =	shalt  }
0x5f: {  	_ =	shalt  }
0x60: {  	_ =	shalt  }
0x61: {  	_ =	shalt  }
0x62: {  	_ =	shalt  }
0x63: {  	_ =	shalt  }
0x64: {  	_ =	shalt  }
0x65: {  	_ =	shalt  }
0x66: {  	_ =	shalt  }
0x67: {  	_ =	shalt  }
0x68: {  	_ =	shalt  }
0x69: {  	_ =	shalt  }
0x6a: {  	_ =	shalt  }
0x6b: {  	_ =	shalt  }
0x6c: {  	_ =	shalt  }
0x6d: {  	_ =	shalt  }
0x6e: {  	_ =	shalt  }
0x6f: {  	_ =	shalt  }
0x70: {  	_ =	shalt  }
0x71: {  	_ =	shalt  }
0x72: {  	_ =	shalt  }
0x73: {  	_ =	shalt  }
0x74: {  	_ =	shalt  }
0x75: {  	_ =	shalt  }
0x76: {  	_ =	shalt  }
0x77: {  	_ =	shalt  }
0x78: {  	_ =	shalt  }
0x79: {  	_ =	shalt  }
0x7a: {  	_ =	shalt  }
0x7b: {  	_ =	shalt  }
0x7c: {  	_ =	shalt  }
0x7d: {  	_ =	shalt  }
0x7e: {  	_ =	shalt  }
0x7f: {  	_ =	shalt  }
0x80: {  	_ =	shalt  }
0x81: {  	_ =	shalt  }
0x82: {  	_ =	shalt  }
0x83: {  	_ =	shalt  }
0x84: {  	_ =	shalt  }
0x85: {  	_ =	shalt  }
0x86: {  	_ =	shalt  }
0x87: {  	_ =	shalt  }
.Lfunc_end0:
.L_simem_size_0:
called_computation.1_lowered:
.L_overlay_start_0:
0x88: {  	s2 =	sld [smem:$0x3FD9]  }
0x89: {  	s3 =	sld [smem:$0x3FFE];
	_ =	sdelay $0x1  }
0x8a: {  	s1 =	srdreg.scid  }
0x8b: {  	s0 =	sand.u32 $0x1, s1  }
0x8c: {  	s17 =	sshll.u32 s0, $0xA;
	s2 =	sadd.s32 s3, s2  }
0x8d: {  	s2 =	sadd.s32 s2, s17  }
0x8e: {  	[smem:$0x3FC0] =	sst s2  }
0x8f: {  	_ = 	snop  }
0x90: {  	s2 =	sld [smem:$0x3FC8]  }
0x91: {  	s18 =	sld [smem:$0x3FD0];
	(tm) =	ssettm $0x1  }
0x92: {  	s4 =	sld [smem:$0x3FFB];
	_ =	sdelay $0x3  }
0x93: {  	_ =	strace s4  }
0x94: {  	s4 =	sld [smem:$0x3FFC];
	_ =	sdelay $0x3  }
0x95: {  	_ =	strace s4  }
0x96: {  	s4 =	sld [smem:$0x3FFD];
	_ =	sdelay $0x3  }
0x97: {  	_ =	strace s4  }
0x98: {  	_ =	strace $0x8FFFFFFF  }
0x99: {  	s19 =	sld [smem:$0x3FDB];
	_ =	sdelay $0x1  }
0x9a: {  	s5 =	simm.s32 $_scs_section_size  }
0x9b: {  	s6 =	simm.s32 $_size__tile_overlayer_lowered;
	s7 =	simm.s32 $_tile_overlayer_lowered  }
0x9c: {  	s22 =	simm.s32 $0x1BFF;
	s21 =	sshll.u32 s7, $0x1;
	s4 =	sadd.s32 s5, s19  }
0x9d: {  	s8 =	simm.s32 $0x0;
	s20 =	sshll.u32 s6, $0x1;
	s6 =	sadd.s32 s21, s4  }
0x9e: {  	[timem:s8], [sflag:s22] =	dma.local [hbm:s6], s20  }
0x9f: {  	_ =	swait.ge [sflag:s22], s20  }
0xa0: {  	s5 =	ssub.s32 $0x0, s20;
	[sflag:s22] =	ssyncset.done $0x0  }
0xa1: {  	[sflag:s22] =	ssyncadd.s32 s5;
	_ =	sdelay $0x1  }
0xa2: {  	s23 =	simm.s32 $0x1B8B  }
0xa3: {  	_ =	swait.ge [sflag:s23], $0x1  }
0xa4: {  	[sflag:s23] =	ssyncset.done $0x0  }
0xa5: {  	s25 =	simm.s32 $0x1B8E;
	s24 =	sld [smem:$0x3FFE];
	[sflag:s23] =	ssyncadd.s32 $0xFFFFFFFF  }
0xa6: {  	s26 =	simm.s32 $execute0_lowered;
	[smem:$0x3FD2] =	sst s25  }
0xa7: {  	s6 =	sshll.u32 s26, $0x1;
	_ =	strace $0x80000049;
	[dreg:$0x1] =	wrdreg $0xFFFFFFFF  }
0xa8: {  	s28 =	simm.s32 $_size_execute0_lowered;
	s4 =	sadd.s32 s4, s6;
	[dreg:$0x0] =	wrdreg $0x0  }
0xa9: {  	s6 =	sshll.u32 s28, $0x1;
	[dreg:$0x2] =	wrdreg s4  }
0xaa: {  	[dreg:$0x3] =	wrdreg s6  }
0xab: {  	[dreg:$0x4] =	wrdreg $0xC0  }
0xac: {  	_ =	task [dreg:s8], $0x5FFFF  }
0xad: {  	[dreg:$0x1] =	wrdreg $0xFFFFFFFF  }
0xae: {  	[dreg:$0x0] =	wrdreg $0x60  }
0xaf: {  	[dreg:$0x2] =	wrdreg s18  }
0xb0: {  	[dreg:$0x3] =	wrdreg s2  }
0xb1: {  	[dreg:$0x4] =	wrdreg s24  }
0xb2: {  	[dreg:$0x5] =	wrdreg $0x0  }
0xb3: {  	[dreg:$0x6] =	wrdreg $0x9  }
0xb4: {  	_ =	task.clear_ibuf [dreg:s8], $0x7FFFF;
	_ =	strace $0x90000049  }
0xb5: {  	s29 =	simm.s32 $0x9;
	_ =	strace $0x8000004B  }
0xb6: {  	_ =	swait.ge [sflag:s29], $0x1  }
0xb7: {  	[sflag:s29] =	ssyncadd.s32 $0xFFFFFFFF  }
0xb8: {  	_ =	strace $0x9000004B  }
0xb9: {  	_ =	sfence  }
0xba: {  	s30 =	sld [smem:$0x0];
	_ =	sdelay $0x2  }
0xbb: {  	s31 =	sshll.u32 s1, $0xD;
	s1 =	sshrl.u32 s1, $0x2  }
0xbc: {  	s3 =	sand.u32 $0x4000, s31;
	s1 =	sadd.s32 s1, s30  }
0xbd: {  	s0 =	sor.u32 s3, s0;
	s1 =	sshll.u32 s1, $0x11  }
0xbe: {  	s0 =	sor.u32 s1, s0  }
0xbf: {  	s0 =	sadd.s32 $0x8F2B, s0  }
0xc0: {  	[sflag:s0] =	ssyncadd.remote.s32 $0x1  }
0xc1: {  	_ =	sfence.sel $0xFFFF  }
0xc2: {  	[dreg:$0x0] =	wrdreg $0xFFFFFFFF;
	(pc) =	sbr.abs _section_cstart, $3  }
0xc3: {  	[dreg:$0x1] =	wrdreg $0xFFFFFFFF  }
0xc4: {  	_ =	task.clear_ibuf [dreg:s8], $0x2FFFF;
	_ =	strace $0x9FFFFFFF  }
0xc5: {  	(tm) =	ssettm $0x7FFFFFFF  }
tec
execute0_lowered:
.L_overlay_start_1:
0x0: {  	(tag) =	ssettag $0x1  }
0x1: {  	s1 =	rddreg [dreg:$0x0]  }
0x2: {  	s15 =	rddreg [dreg:$0x1]  }
0x3: {  	s5 =	rddreg [dreg:$0x2]  }
0x4: {  	s2 =	rddreg [dreg:$0x3];
	s3 =	simm.s32 $0x0;
	s0 =	stileid.u32  }
0x5: {  	s4 =	srdreg.scid;
	s21 =	simm.s32 $0x80;
	s10 =	smul.u32 $0x50000, s0  }
0x6: {  	s23 =	simm.s32 $0x18800;
	s26 =	simm.s32 $0x2;
	s18 =	smul.u32 $0x14000, s0  }
0x7: {  	[smem:$0x7FF] =	sst s3;
	s13 =	sand.u32 $0x1, s4;
	s19 =	smul.u32 $0x1400, s0  }
0x8: {  	s8 =	sshll.u32 s0, $0x1;
	_ =	strace $0x8000004A;
	s6 =	smul.u32 $0x28000, s13  }
0x9: {  	s7 =	ssub.s32 $0x2, s13;
	s8 =	sor.u32 s13, s8;
	s20 =	smul.u32 $0xA00, s13  }
0xa: {  	s9 =	sshrl.u32 s7, $0x1;
	p0 =	seq.s32 s8, $0x1F;
	s29 =	sshrl.u32 s10, $0x2  }
0xb: {  	s30 =	smul.u32 $0xA00, s8;
	s25 =	sshrl.u32 s18, $0x3;
	s16 =	sadd.s32 s6, s5  }
0xc: {  	s17 =	ssub.s32 s7, s9;
	s5 =	simm.s32 $0x5;
	s11 =	sadd.s32 s29, s2  }
0xd: {  	s6 =	sadd.s32 s18, s2;
	s18 =	simm.s32 $0x4;
	s5 =	simm.s32 @!p0 $0x14  }
0xe: {  	s7 =	sadd.s32 $0x4000, s11;
	s8 =	sadd.s32 $0x8000, s11;
	s9 =	sadd.s32 $0xC000, s11  }
.Ltmp0:
0xf: {  	s10 =	sadd.s32 s15, s30;
	s11 =	sadd.s32 $0x10000, s11;
	(pc) =	sbr.rel .LBB2_1-.Ltmp0, $4  }
0x10: {  	s15 =	sadd.s32 s19, s15;
	s24 =	sadd.s32 $0x2200, s16;
	s19 =	simm.s32 $0x14000  }
0x11: {  	s12 =	sadd.s32 $0x80, s10;
	s13 =	sadd.s32 $0xFFFFFFFF, s5;
	s14 =	sadd.s32 $0xFFFFFFFE, s5  }
0x12: {  	s31 =	sadd.s32 s20, s15;
	s15 =	smax.u32 s17, $0x1;
	s17 =	simm.s32 $0x14800  }
0x13: {  	v0 =	vimm.f32 $0.0e+00;
	s24 =	sadd.s32 s25, s24;
	s25 =	simm.s32 $0x1;
	s16 =	sadd.s32 $0x100, s31  }
.LBB2_7:
0x14: {  	s0 =	stileid.u32;
	s3 =	sadd.s32 $0x1, s3  }
0x15: {  	[bflag:$0x0] =	sbarrier.arrive $0xFFFF;
	s0 =	sshll.u32 s0, $0x6;
	p0 =	sne.s32 s3, s15  }
.Ltmp1:
0x16: {  	s4 =	sshrl.u32 s6, $0x3;
	s0 =	sor.u32 $0x1C04, s0;
	(pc) =	sbr.rel @!p0 .LBB2_8-.Ltmp1, $4  }
0x17: {  	[hbm:s24], [sflag:s0] =	dma.local [spmem:s4], $0x2800  }
0x18: {  	_ =	swait.ge [sflag:s18], $0x2800  }
0x19: {  	[sflag:s18] =	ssyncset.done $0x0  }
0x1a: {  	[sflag:s18] =	ssyncadd.s32 $0xFFFFD800  }
.LBB2_1:
0x1b: {  	s28 =	simm.s32 $0x0;
	s29 =	simm.s32 $0x200  }
.LBB2_2:
0x1c: {  	p0 =	sne.s32 s29, $0xFE00;
	[tilespmem:s28+$0x14870] =	vst v0  }
0x1d: {  	[tilespmem:s28+$0x14800] =	vst v0  }
0x1e: {  	[tilespmem:s28+$0x14810] =	vst v0  }
.Ltmp2:
0x1f: {  	[tilespmem:s28+$0x14820] =	vst v0;
	(pc) =	sbr.rel @p0 .LBB2_2-.Ltmp2, $4  }
0x20: {  	[tilespmem:s28+$0x14830] =	vst v0  }
0x21: {  	[tilespmem:s28+$0x14840] =	vst v0  }
0x22: {  	[tilespmem:s28+$0x14850] =	vst v0  }
0x23: {  	[tilespmem:s28+$0x14860] =	vst v0;
	s28 =	sshra.s32 s29, $0x2;
	s29 =	sadd.s32 $0x200, s29  }
0x24: {  	[tilespmem:s28+$0x14870] =	vst v0  }
0x25: {  	[tilespmem:s28+$0x14800] =	vst v0  }
0x26: {  	[tilespmem:s28+$0x14810] =	vst v0  }
0x27: {  	[tilespmem:s28+$0x14820] =	vst v0  }
0x28: {  	[tilespmem:s28+$0x14830] =	vst v0  }
0x29: {  	[tilespmem:s28+$0x14840] =	vst v0  }
0x2a: {  	[tilespmem:s28+$0x14850] =	vst v0  }
0x2b: {  	[tilespmem:s28+$0x14860] =	vst v0  }
0x2c: {  	[spmem:s6] =	stream.linear.scatter [tilespmem:s17], [sflag:$0x4], $0x4000, $0x38;
	[tilespmem:$0x1C800] =	vst v63  }
0x2d: {  	_ =	swait.ge [sflag:s18], $0x4000  }
0x2e: {  	[sflag:s18] =	ssyncset.done $0x0  }
0x2f: {  	[sflag:s18] =	ssyncadd.s32 $0xFFFFC000  }
0x30: {  	[spmem:s7] =	stream.linear.scatter [tilespmem:s17], [sflag:$0x4], $0x4000, $0x38;
	[tilespmem:$0x1C800] =	vst v63  }
0x31: {  	_ =	swait.ge [sflag:s18], $0x4000  }
0x32: {  	[sflag:s18] =	ssyncset.done $0x0  }
0x33: {  	[sflag:s18] =	ssyncadd.s32 $0xFFFFC000  }
0x34: {  	[spmem:s8] =	stream.linear.scatter [tilespmem:s17], [sflag:$0x4], $0x4000, $0x38;
	[tilespmem:$0x1C800] =	vst v63  }
0x35: {  	_ =	swait.ge [sflag:s18], $0x4000  }
0x36: {  	[sflag:s18] =	ssyncset.done $0x0  }
0x37: {  	[sflag:s18] =	ssyncadd.s32 $0xFFFFC000  }
0x38: {  	[spmem:s9] =	stream.linear.scatter [tilespmem:s17], [sflag:$0x4], $0x4000, $0x38;
	[tilespmem:$0x1C800] =	vst v63  }
0x39: {  	_ =	swait.ge [sflag:s18], $0x4000  }
0x3a: {  	[sflag:s18] =	ssyncset.done $0x0  }
0x3b: {  	[sflag:s18] =	ssyncadd.s32 $0xFFFFC000  }
0x3c: {  	[spmem:s11] =	stream.linear.scatter [tilespmem:s17], [sflag:$0x4], $0x4000, $0x38;
	[tilespmem:$0x1C800] =	vst v63  }
0x3d: {  	_ =	swait.ge [sflag:s18], $0x4000  }
0x3e: {  	[sflag:s18] =	ssyncset.done $0x0  }
0x3f: {  	s28 =	simm.s32 $0x0;
	[sflag:s18] =	ssyncadd.s32 $0xFFFFC000  }
0x40: {  	[tilespmem:s19], [sflag:$0x4] =	stream.linear.gather [hbm4b:s10+s28], $0x400, $0x38;
	[tilespmem:$0x1C800] =	vst v63  }
0x41: {  	_ =	swait.ge [sflag:s18], $0x400  }
0x42: {  	[sflag:s18] =	ssyncset.done $0x0  }
0x43: {  	s0 =	simm.s32 $0x14400;
	[sflag:s18] =	ssyncadd.s32 $0xFFFFFC00  }
0x44: {  	[tilespmem:s0], [sflag:$0x3] =	stream.linear.gather [hbm4b:s12+s28], $0x400, $0x38;
	[tilespmem:$0x1C800] =	vst v63  }
.Ltmp3:
0x45: {  	_ = 	snop;
	(pc) =	sbr.rel .LBB2_4-.Ltmp3, $4  }
0x46: {  	[bflag:$0x0] =	sbarrier.arrive $0xFFFF  }
0x47: {  	[tilespmem:s17], [sflag:$0x1] =	stream.indirect.gather [hbm4b:s1+s21], $0x80, s19, s21, $0xb8;
	[tilespmem:$0x1C800] =	vst v63  }
0x48: {  	s31 =	simm.s32 $0x14100;
	s29 =	smov.u32 s16;
	s30 =	simm.s32 $0x0  }
0x49: {  	[tilespmem:s23], [sflag:$0x2] =	stream.indirect.gather [hbm4b:s1+s21], $0x80, s31, s21, $0xb8;
	[tilespmem:$0x1C800] =	vst v63  }
.LBB2_6:
0x4a: {  	s30 =	sadd.s32 $0x1, s30  }
0x4b: {  	p0 =	sne.s32 s30, $0x14  }
.Ltmp4:
0x4c: {  	_ = 	snop;
	(pc) =	sbr.rel @!p0 .LBB2_7-.Ltmp4, $2  }
0x4d: {  	_ =	sdelay $0x2  }
0x4e: {  	s28 =	sadd.s32 $0x1000, s28;
	s29 =	sadd.s32 $0x80, s29  }
.LBB2_4:
0x4f: {  	p0 =	sge.u32 s30, s5  }
.Ltmp5:
0x50: {  	_ = 	snop;
	(pc) =	sbr.rel @p0 .LBB2_6-.Ltmp5, $1  }
0x51: {  	_ =	sdelay $0x3  }
0x52: {  	p0 =	sge.u32 s30, s13  }
0x53: {  	s31 =	simm.s32 @!p0 $0x3  }
0x54: {  	_ =	swait.ge @!p0 [sflag:s31], $0x400  }
0x55: {  	[sflag:s31] =	ssyncset.done @!p0 $0x0  }
0x56: {  	[sflag:s31] =	ssyncadd.s32 @!p0 $0xFFFFFC00  }
0x57: {  	s31 =	sand.u32 $0x1000, s28;
	_ =	swait.ge [sflag:s25], $0x4000  }
0x58: {  	s0 =	sshrl.u32 s31, $0x2;
	[sflag:s25] =	ssyncset.done $0x0  }
0x59: {  	s4 =	sor.u32 $0x14080, s0;
	[sflag:s25] =	ssyncadd.s32 $0xFFFFC000  }
0x5a: {  	[spmem:s2] =	stream.indirect.scatter.add.f32 [tilespmem:s17], [sflag:$0x4], $0x80, s4, s21, $0xb8;
	[tilespmem:$0x1C800] =	vst v63  }
0x5b: {  	_ =	swait.ge [sflag:s18], $0x4000  }
0x5c: {  	[sflag:s18] =	ssyncset.done $0x0  }
0x5d: {  	s20 =	sor.u32 $0x14200, s0;
	[sflag:s18] =	ssyncadd.s32 $0xFFFFC000  }
0x5e: {  	[tilespmem:s17], [sflag:$0x1] =	stream.indirect.gather [hbm4b:s1+s21], $0x80, s20, s21, $0xb8;
	[tilespmem:$0x1C800] =	vst v63  }
0x5f: {  	_ =	swait.ge [sflag:s26], $0x4000  }
0x60: {  	[sflag:s26] =	ssyncset.done $0x0  }
0x61: {  	s22 =	sor.u32 $0x14180, s0;
	[sflag:s26] =	ssyncadd.s32 $0xFFFFC000  }
0x62: {  	[spmem:s2] =	stream.indirect.scatter.add.f32 [tilespmem:s23], [sflag:$0x4], $0x80, s22, s21, $0xb8;
	[tilespmem:$0x1C800] =	vst v63  }
0x63: {  	_ =	swait.ge [sflag:s18], $0x4000  }
0x64: {  	[sflag:s18] =	ssyncset.done $0x0  }
0x65: {  	s20 =	sor.u32 $0x14300, s0;
	[sflag:s18] =	ssyncadd.s32 $0xFFFFC000  }
0x66: {  	[tilespmem:s23], [sflag:$0x2] =	stream.indirect.gather [hbm4b:s1+s21], $0x80, s20, s21, $0xb8;
	[tilespmem:$0x1C800] =	vst v63  }
0x67: {  	_ =	swait.ge [sflag:s25], $0x4000  }
0x68: {  	[sflag:s25] =	ssyncset.done $0x0  }
0x69: {  	s22 =	sor.u32 $0x14280, s0;
	[sflag:s25] =	ssyncadd.s32 $0xFFFFC000  }
0x6a: {  	[spmem:s2] =	stream.indirect.scatter.add.f32 [tilespmem:s17], [sflag:$0x4], $0x80, s22, s21, $0xb8;
	[tilespmem:$0x1C800] =	vst v63  }
0x6b: {  	_ =	swait.ge [sflag:s18], $0x4000  }
0x6c: {  	[sflag:s18] =	ssyncset.done $0x0  }
0x6d: {  	s4 =	simm.s32 @p0 $0x2;
	[sflag:s18] =	ssyncadd.s32 $0xFFFFC000  }
0x6e: {  	_ =	swait.ge @p0 [sflag:s4], $0x4000  }
0x6f: {  	s20 =	simm.s32 @p0 $0x80;
	[sflag:s4] =	ssyncset.done @p0 $0x0  }
0x70: {  	s22 =	simm.s32 @p0 $0x18800;
	[sflag:s4] =	ssyncadd.s32 @p0 $0xFFFFC000;
	s4 =	sadd.s32 @p0 $0x14380, s0  }
0x71: {  	[spmem:s2] =	stream.indirect.scatter.add.f32 @p0 [tilespmem:s22], [sflag:$0x4], $0x80, s4, s20, $0xb8;
	[tilespmem:$0x1C800] =	vst v63  }
0x72: {  	s4 =	simm.s32 @p0 $0x4  }
0x73: {  	_ =	swait.ge @p0 [sflag:s4], $0x4000  }
0x74: {  	s20 =	sxor.u32 @!p0 $0x1000, s31;
	[sflag:s4] =	ssyncset.done @p0 $0x0  }
0x75: {  	[sflag:s4] =	ssyncadd.s32 @p0 $0xFFFFC000;
	s4 =	sshrl.u32 @!p0 s20, $0x2  }
0x76: {  	s22 =	simm.s32 @!p0 $0x80;
	s31 =	simm.s32 @!p0 $0x14800;
	s20 =	sor.u32 @!p0 $0x14000, s4  }
0x77: {  	[tilespmem:s31], [sflag:$0x1] =	stream.indirect.gather @!p0 [hbm4b:s1+s22], $0x80, s20, s22, $0xb8;
	[tilespmem:$0x1C800] =	vst v63  }
0x78: {  	s20 =	simm.s32 @!p0 $0x2  }
0x79: {  	_ =	swait.ge @!p0 [sflag:s20], $0x4000  }
0x7a: {  	[sflag:s20] =	ssyncset.done @!p0 $0x0  }
0x7b: {  	s31 =	simm.s32 @!p0 $0x18800;
	[sflag:s20] =	ssyncadd.s32 @!p0 $0xFFFFC000;
	s20 =	sadd.s32 @!p0 $0x14380, s0  }
0x7c: {  	[spmem:s2] =	stream.indirect.scatter.add.f32 @!p0 [tilespmem:s31], [sflag:$0x4], $0x80, s20, s22, $0xb8;
	[tilespmem:$0x1C800] =	vst v63  }
0x7d: {  	s20 =	simm.s32 @!p0 $0x4  }
0x7e: {  	_ =	swait.ge @!p0 [sflag:s20], $0x4000  }
0x7f: {  	[sflag:s20] =	ssyncset.done @!p0 $0x0  }
.Ltmp6:
0x80: {  	s4 =	sadd.s32 @!p0 $0x14100, s4;
	[sflag:s20] =	ssyncadd.s32 @!p0 $0xFFFFC000;
	(pc) =	sbr.rel .LBB2_6-.Ltmp6, $4  }
0x81: {  	[tilespmem:s31], [sflag:$0x2] =	stream.indirect.gather @!p0 [hbm4b:s1+s22], $0x80, s4, s22, $0xb8;
	[tilespmem:$0x1C800] =	vst v63  }
0x82: {  	p0 =	sge.u32 s30, s14  }
0x83: {  	s0 =	sor.u32 $0x14000, s0;
	s4 =	simm.s32 @!p0 $0x0  }
0x84: {  	[tilespmem:s0], [sflag:$0x3] =	stream.linear.gather @!p0 [hbm4b:s29+s4], $0x400, $0x38;
	[tilespmem:$0x1C800] =	vst v63  }
.LBB2_8:
0x85: {  	_ =	sfence.sel $0x180000  }
0x86: {  	[bflag:$0x0] =	sbarrier.arrive $0xFFFF  }
0x87: {  	_ =	strace $0x9000004A  }
0x88: {  	s0 =	stileid.u32;
	[bflag:$0x2] =	sbarrier.arrive $0xFFFF  }
0x89: {  	p0 =	sne.s32 s0, $0x0;
	s0 =	rddreg [dreg:$0x4]  }
0x8a: {  	s0 =	sadd.s32 @!p0 $0x100000, s0  }
0x8b: {  	[sflag:s0] =	ssyncadd.tile.s32 @!p0 $0x1;
	_ =	shalt  }
.Lfunc_end2:
_tile_overlayer_lowered:
.L_overlay_start_2:
0x8c: {  	(tag) =	ssettag $0x2  }
0x8d: {  	s0 =	rddreg [dreg:$0x0];
	s2 =	stileid.u32  }
0x8e: {  	s1 =	rddreg [dreg:$0x1];
	p0 =	sne.s32 s2, $0x0  }
0x8f: {  	s3 =	rddreg [dreg:$0x2];
	[bflag:$0x3] =	sbarrier.arrive $0xFFFF;
	s2 =	simm.s32 @!p0 $0x1C04  }
0x90: {  	[timem:s3], [sflag:s2] =	dma.local @!p0 [hbm:s0], s1  }
0x91: {  	s0 =	simm.s32 @!p0 $0x4  }
0x92: {  	_ =	swait.ge @!p0 [sflag:s0], s1  }
0x93: {  	s1 =	ssub.s32 @!p0 $0x0, s1;
	[sflag:s0] =	ssyncset.done @!p0 $0x0  }
0x94: {  	[sflag:s0] =	ssyncadd.s32 @!p0 s1  }
0x95: {  	[bflag:$0x3] =	sbarrier.arrive $0xFFFF  }
0x96: {  	_ =	shalt  }

// kernel: kernel.8.cloned.1.call-start
scs
__scs_entry_jumppad:
0x0: {  	(pc) =	sbr.rel $0x88, $3  }
0x1: {  	(tag) =	ssettag $0x0;
	lr =	simm.s32 $0x1  }
0x2: {  	[smem:$0x3F99] =	sst lr;
	_ =	strace $0xD0000000  }
0x3: {  	_ = 	snop  }
0x4: {  	_ = 	snop  }
0x5: {  	_ = 	snop  }
0x6: {  	_ = 	snop  }
0x7: {  	_ = 	snop  }
__scs_overlays_trampoline_lowered:
0x8: {  	[smem:$0x3FA8] =	sst s0  }
0x9: {  	[smem:$0x3FA9] =	sst s1  }
0xa: {  	[smem:$0x3FAA] =	sst s2  }
0xb: {  	[smem:$0x3FAB] =	sst s3  }
0xc: {  	[smem:$0x3FAC] =	sst s4  }
0xd: {  	[smem:$0x3FAD] =	sst s5  }
0xe: {  	[smem:$0x3FAE] =	sst s6  }
0xf: {  	[smem:$0x3FAF] =	sst s7  }
0x10: {  	[smem:$0x3FB0] =	sst s8  }
0x11: {  	[smem:$0x3FB1] =	sst s9;
	s0 =	simm.s32 @!p0 $0x0  }
0x12: {  	s1 =	sld [smem:$0x3F97];
	s0 =	simm.s32 @p0 $0x1  }
0x13: {  	[smem:$0x3FB2] =	sst s0;
	s0 =	simm.s32 @!p1 $0x0  }
0x14: {  	s2 =	sld [smem:$0x3F96];
	s0 =	simm.s32 @p1 $0x1  }
0x15: {  	[smem:$0x3FB3] =	sst s0;
	s0 =	simm.s32 @!p2 $0x0  }
0x16: {  	s3 =	sld [smem:$0x3FDB];
	s0 =	simm.s32 @p2 $0x1  }
0x17: {  	s4 =	simm.s32 $0x1BF5;
	[smem:$0x3FB5] =	sst s0  }
0x18: {  	s0 =	sld [smem:$0x3F98];
	_ =	swait.ge [sflag:s4], $0x0  }
0x19: {  	s7 =	sld [smem:$0x3F99]  }
0x1a: {  	s8 =	sadd.s32 $0xFFFFE003, lr  }
0x1b: {  	s9 =	sadd.s32 $0xFFFFFEF7, lr;
	s5 =	simm.s32 $0xFFFFFFFF;
	p2 =	slt.u32 s8, $0xFFFFF086  }
0x1c: {  	p1 =	slt.u32 s9, $0xF7A;
	s5 =	simm.s32 @!p2 $0x0  }
0x1d: {  	s5 =	simm.s32 @p1 $0x1;
	p0 =	seq.s32 s7, s2  }
0x1e: {  	s7 =	smul.u32 @!p0 $0xF7A, s2;
	p2 =	seq.s32 @!p0 s5, $0x0  }
0x1f: {  	s9 =	smul.u32 $0xF7A, s1;
	s8 =	simm.s32 @!p0 $0x1BF5;
	p2 =	por !p2, p0  }
0x20: {  	[sflag:s8] =	ssyncset.s32 @!p0 $0xFFFFF086;
	s6 =	sadd.s32 @!p0 s3, s7;
	s7 =	simm.s32 @!p0 $0x108  }
0x21: {  	s3 =	sadd.s32 s3, s9;
	s6 =	sadd.s32 @!p0 $0x88, s6;
	s7 =	simm.s32 @p2 $0x1082  }
0x22: {  	[simem:s7], [sflag:s8] =	dma.local @!p0 [hbm:s6], $0xF7A  }
0x23: {  	s9 =	sor.u32 $0xD0000000, s2;
	s6 =	simm.s32 $0x108;
	_ =	swait.ge @!p0 [sflag:s8], $0x0  }
0x24: {  	s3 =	sadd.s32 $0x88, s3;
	s6 =	simm.s32 @!p1 $0x1082;
	[sflag:s4] =	ssyncset.s32 $0xFFFFF086  }
0x25: {  	[simem:s6], [sflag:s4] =	dma.local [hbm:s3], $0xF7A  }
0x26: {  	[smem:$0x3F99] =	sst s1;
	(tag) =	ssettag s2;
	_ =	strace s9  }
0x27: {  	s1 =	sld [smem:$0x3FA9]  }
0x28: {  	s2 =	sld [smem:$0x3FAA]  }
0x29: {  	s4 =	sld [smem:$0x3FAC]  }
0x2a: {  	p0 =	seq.s32 s5, $0x0;
	s5 =	sld [smem:$0x3FAD]  }
0x2b: {  	s6 =	sld [smem:$0x3FAE]  }
0x2c: {  	s7 =	sld [smem:$0x3FAF]  }
0x2d: {  	s3 =	simm.s32 $0x108;
	s8 =	sld [smem:$0x3FB0]  }
0x2e: {  	s3 =	simm.s32 @!p0 $0x1082;
	s9 =	sld [smem:$0x3FB1]  }
0x2f: {  	lr =	sadd.s32 s0, s3;
	s0 =	sld [smem:$0x3FA8]  }
0x30: {  	s3 =	sld [smem:$0x3FAB]  }
0x31: {  	[smem:$0x3FB4] =	sst s10  }
0x32: {  	s10 =	sld [smem:$0x3FB2];
	_ =	sdelay $0x3  }
0x33: {  	p0 =	seq.s32 s10, $0x1;
	s10 =	sld [smem:$0x3FB4];
	_ =	sdelay $0x3  }
0x34: {  	[smem:$0x3FB4] =	sst s10  }
0x35: {  	s10 =	sld [smem:$0x3FB3];
	_ =	sdelay $0x3  }
0x36: {  	p1 =	seq.s32 s10, $0x1;
	s10 =	sld [smem:$0x3FB4];
	_ =	sdelay $0x3  }
0x37: {  	[smem:$0x3FB4] =	sst s10  }
0x38: {  	s10 =	sld [smem:$0x3FB5]  }
0x39: {  	_ = 	snop;
	(pc) =	sbr.ind lr, $3  }
0x3a: {  	_ = 	snop  }
0x3b: {  	_ = 	snop  }
0x3c: {  	p2 =	seq.s32 s10, $0x1;
	s10 =	sld [smem:$0x3FB4]  }
0x3d: {  	_ =	shalt  }
0x3e: {  	_ =	shalt  }
0x3f: {  	_ =	shalt  }
0x40: {  	_ =	shalt  }
0x41: {  	_ =	shalt  }
0x42: {  	_ =	shalt  }
0x43: {  	_ =	shalt  }
0x44: {  	_ =	shalt  }
0x45: {  	_ =	shalt  }
0x46: {  	_ =	shalt  }
0x47: {  	_ =	shalt  }
0x48: {  	_ =	shalt  }
0x49: {  	_ =	shalt  }
0x4a: {  	_ =	shalt  }
0x4b: {  	_ =	shalt  }
0x4c: {  	_ =	shalt  }
0x4d: {  	_ =	shalt  }
0x4e: {  	_ =	shalt  }
0x4f: {  	_ =	shalt  }
0x50: {  	_ =	shalt  }
0x51: {  	_ =	shalt  }
0x52: {  	_ =	shalt  }
0x53: {  	_ =	shalt  }
0x54: {  	_ =	shalt  }
0x55: {  	_ =	shalt  }
0x56: {  	_ =	shalt  }
0x57: {  	_ =	shalt  }
0x58: {  	_ =	shalt  }
0x59: {  	_ =	shalt  }
0x5a: {  	_ =	shalt  }
0x5b: {  	_ =	shalt  }
0x5c: {  	_ =	shalt  }
0x5d: {  	_ =	shalt  }
0x5e: {  	_ =	shalt  }
0x5f: {  	_ =	shalt  }
0x60: {  	_ =	shalt  }
0x61: {  	_ =	shalt  }
0x62: {  	_ =	shalt  }
0x63: {  	_ =	shalt  }
0x64: {  	_ =	shalt  }
0x65: {  	_ =	shalt  }
0x66: {  	_ =	shalt  }
0x67: {  	_ =	shalt  }
0x68: {  	_ =	shalt  }
0x69: {  	_ =	shalt  }
0x6a: {  	_ =	shalt  }
0x6b: {  	_ =	shalt  }
0x6c: {  	_ =	shalt  }
0x6d: {  	_ =	shalt  }
0x6e: {  	_ =	shalt  }
0x6f: {  	_ =	shalt  }
0x70: {  	_ =	shalt  }
0x71: {  	_ =	shalt  }
0x72: {  	_ =	shalt  }
0x73: {  	_ =	shalt  }
0x74: {  	_ =	shalt  }
0x75: {  	_ =	shalt  }
0x76: {  	_ =	shalt  }
0x77: {  	_ =	shalt  }
0x78: {  	_ =	shalt  }
0x79: {  	_ =	shalt  }
0x7a: {  	_ =	shalt  }
0x7b: {  	_ =	shalt  }
0x7c: {  	_ =	shalt  }
0x7d: {  	_ =	shalt  }
0x7e: {  	_ =	shalt  }
0x7f: {  	_ =	shalt  }
0x80: {  	_ =	shalt  }
0x81: {  	_ =	shalt  }
0x82: {  	_ =	shalt  }
0x83: {  	_ =	shalt  }
0x84: {  	_ =	shalt  }
0x85: {  	_ =	shalt  }
0x86: {  	_ =	shalt  }
0x87: {  	_ =	shalt  }
.Lfunc_end0:
.L_simem_size_0:
called_computation_lowered:
.L_overlay_start_0:
0x88: {  	s2 =	sld [smem:$0x3FD9]  }
0x89: {  	s3 =	sld [smem:$0x3FFE];
	_ =	sdelay $0x1  }
0x8a: {  	s1 =	srdreg.scid  }
0x8b: {  	s0 =	sand.u32 $0x1, s1  }
0x8c: {  	s17 =	sshll.u32 s0, $0xA;
	s2 =	sadd.s32 s3, s2  }
0x8d: {  	s2 =	sadd.s32 s2, s17  }
0x8e: {  	[smem:$0x3FC0] =	sst s2  }
0x8f: {  	_ = 	snop  }
0x90: {  	s2 =	sld [smem:$0x3FC9]  }
0x91: {  	s18 =	sld [smem:$0x3FC8]  }
0x92: {  	s4 =	sld [smem:$0x3FD0];
	(tm) =	ssettm $0x1  }
0x93: {  	s5 =	sld [smem:$0x3FFB];
	_ =	sdelay $0x3  }
0x94: {  	_ =	strace s5  }
0x95: {  	s5 =	sld [smem:$0x3FFC];
	_ =	sdelay $0x3  }
0x96: {  	_ =	strace s5  }
0x97: {  	s5 =	sld [smem:$0x3FFD];
	_ =	sdelay $0x3  }
0x98: {  	_ =	strace s5  }
0x99: {  	_ =	strace $0x8FFFFFFF  }
0x9a: {  	s19 =	sld [smem:$0x3FDB];
	_ =	sdelay $0x1  }
0x9b: {  	s6 =	simm.s32 $_scs_section_size  }
0x9c: {  	s7 =	simm.s32 $_size__tile_overlayer_lowered;
	s8 =	simm.s32 $_tile_overlayer_lowered  }
0x9d: {  	s22 =	simm.s32 $0x1BFF;
	s21 =	sshll.u32 s8, $0x1;
	s5 =	sadd.s32 s6, s19  }
0x9e: {  	s9 =	simm.s32 $0x0;
	s20 =	sshll.u32 s7, $0x1;
	s7 =	sadd.s32 s21, s5  }
0x9f: {  	[timem:s9], [sflag:s22] =	dma.local [hbm:s7], s20  }
0xa0: {  	_ =	swait.ge [sflag:s22], s20  }
0xa1: {  	s6 =	ssub.s32 $0x0, s20;
	[sflag:s22] =	ssyncset.done $0x0  }
0xa2: {  	[sflag:s22] =	ssyncadd.s32 s6;
	_ =	sdelay $0x1  }
0xa3: {  	s23 =	simm.s32 $0x1B8B  }
0xa4: {  	_ =	swait.ge [sflag:s23], $0x1  }
0xa5: {  	[sflag:s23] =	ssyncset.done $0x0  }
0xa6: {  	s25 =	simm.s32 $0x1B8E;
	s24 =	sld [smem:$0x3FFE];
	[sflag:s23] =	ssyncadd.s32 $0xFFFFFFFF  }
0xa7: {  	s26 =	simm.s32 $execute0_lowered;
	[smem:$0x3FD2] =	sst s25  }
0xa8: {  	s7 =	sshll.u32 s26, $0x1;
	_ =	strace $0x80000046;
	[dreg:$0x1] =	wrdreg $0xFFFFFFFF  }
0xa9: {  	s28 =	simm.s32 $_size_execute0_lowered;
	s5 =	sadd.s32 s5, s7;
	[dreg:$0x0] =	wrdreg $0x0  }
0xaa: {  	s7 =	sshll.u32 s28, $0x1;
	[dreg:$0x2] =	wrdreg s5  }
0xab: {  	[dreg:$0x3] =	wrdreg s7  }
0xac: {  	[dreg:$0x4] =	wrdreg $0xC0  }
0xad: {  	_ =	task [dreg:s9], $0x5FFFF  }
0xae: {  	[dreg:$0x1] =	wrdreg $0xFFFFFFFF  }
0xaf: {  	[dreg:$0x0] =	wrdreg $0x60  }
0xb0: {  	[dreg:$0x2] =	wrdreg s2  }
0xb1: {  	[dreg:$0x3] =	wrdreg s18  }
0xb2: {  	[dreg:$0x4] =	wrdreg s24  }
0xb3: {  	[dreg:$0x5] =	wrdreg s4  }
0xb4: {  	[dreg:$0x6] =	wrdreg $0x0  }
0xb5: {  	[dreg:$0x7] =	wrdreg $0x1C8000  }
0xb6: {  	[dreg:$0x8] =	wrdreg $0x9  }
0xb7: {  	_ =	task.clear_ibuf [dreg:s9], $0x9FFFF;
	_ =	strace $0x90000046  }
0xb8: {  	s29 =	simm.s32 $0x9;
	_ =	strace $0x80000048  }
0xb9: {  	_ =	swait.ge [sflag:s29], $0x1  }
0xba: {  	[sflag:s29] =	ssyncadd.s32 $0xFFFFFFFF  }
0xbb: {  	_ =	strace $0x90000048  }
0xbc: {  	_ =	sfence  }
0xbd: {  	s30 =	sld [smem:$0x0];
	_ =	sdelay $0x2  }
0xbe: {  	s31 =	sshll.u32 s1, $0xD;
	s1 =	sshrl.u32 s1, $0x2  }
0xbf: {  	s3 =	sand.u32 $0x4000, s31;
	s1 =	sadd.s32 s1, s30  }
0xc0: {  	s0 =	sor.u32 s3, s0;
	s1 =	sshll.u32 s1, $0x11  }
0xc1: {  	s0 =	sor.u32 s1, s0  }
0xc2: {  	s0 =	sadd.s32 $0x8F2B, s0  }
0xc3: {  	[sflag:s0] =	ssyncadd.remote.s32 $0x1  }
0xc4: {  	_ =	sfence.sel $0xFFFF  }
0xc5: {  	[dreg:$0x0] =	wrdreg $0xFFFFFFFF;
	(pc) =	sbr.abs _section_cstart, $3  }
0xc6: {  	[dreg:$0x1] =	wrdreg $0xFFFFFFFF  }
0xc7: {  	_ =	task.clear_ibuf [dreg:s9], $0x2FFFF;
	_ =	strace $0x9FFFFFFF  }
0xc8: {  	(tm) =	ssettm $0x7FFFFFFF  }
0xc9: {  	_ =	shalt  }
tec
execute0_lowered:
.L_overlay_start_1:
0x0: {  	(tag) =	ssettag $0x1  }
0x1: {  	s0 =	rddreg [dreg:$0x0]  }
0x2: {  	s1 =	rddreg [dreg:$0x1]  }
0x3: {  	s5 =	rddreg [dreg:$0x2]  }
0x4: {  	s9 =	rddreg [dreg:$0x3]  }
0x5: {  	s2 =	rddreg [dreg:$0x4]  }
0x6: {  	s3 =	rddreg [dreg:$0x5]  }
0x7: {  	s6 =	srdreg.scid;
	s4 =	simm.s32 $0x0;
	s20 =	stileid.u32  }
0x8: {  	s28 =	simm.s32 $0x1F000;
	s29 =	simm.s32 $0x14000;
	s11 =	smul.u32 $0x280, s20  }
0x9: {  	s31 =	simm.s32 $0x80;
	s30 =	simm.s32 $0x1;
	s19 =	smul.u32 $0x14000, s20  }
0xa: {  	s10 =	sand.u32 $0x1, s6;
	[smem:$0x7FF] =	sst s4;
	s23 =	smul.u32 $0x2800, s20  }
0xb: {  	s8 =	sshll.u32 s20, $0x1;
	s20 =	smul.u32 $0x1400, s20;
	s14 =	ssub.s32 $0x2, s10  }
0xc: {  	s6 =	smul.u32 $0x28000, s10;
	_ =	strace $0x80000047;
	s7 =	sshrl.u32 s14, $0x1  }
0xd: {  	s12 =	sadd.s32 $0x80, s11;
	s15 =	sadd.s32 $0x100, s11;
	s25 =	sshrl.u32 s19, $0x3  }
0xe: {  	s26 =	sshrl.u32 s23, $0x3;
	s5 =	sadd.s32 s6, s5;
	s22 =	ssub.s32 s14, s7  }
0xf: {  	s14 =	sor.u32 s10, s8;
	s6 =	simm.s32 $0x5;
	s7 =	sadd.s32 s19, s2  }
0x10: {  	s8 =	sadd.s32 s23, s3;
	s13 =	sshll.u32 s12, $0x7;
	s12 =	sshll.u32 s12, $0x4  }
0x11: {  	s16 =	sshll.u32 s15, $0x7;
	p0 =	seq.s32 s14, $0x1F;
	s13 =	sadd.s32 s13, s2  }
0x12: {  	s12 =	sadd.s32 s12, s3;
	s5 =	sadd.s32 $0x2200, s5;
	[dreg:$0x7] =	wrdreg s13  }
0x13: {  	s22 =	smax.u32 s22, $0x1;
	s6 =	simm.s32 @!p0 $0x14;
	[dreg:$0x8] =	wrdreg s12  }
0x14: {  	s12 =	sshll.u32 s15, $0x4;
	s13 =	sadd.s32 s16, s2;
	s16 =	smul.u32 $0x5000, s10  }
0x15: {  	s15 =	sadd.s32 $0x180, s11;
	s11 =	sadd.s32 $0x200, s11;
	s10 =	smul.u32 $0xA00, s10  }
0x16: {  	[dreg:$0x9] =	wrdreg s13;
	s12 =	sadd.s32 s12, s3;
	s17 =	sshll.u32 s15, $0x7  }
0x17: {  	s15 =	sshll.u32 s15, $0x4;
	s19 =	sadd.s32 $0xFFFFFFFF, s6;
	[dreg:$0xa] =	wrdreg s12  }
0x18: {  	s18 =	sadd.s32 s17, s2;
	s17 =	sshll.u32 s11, $0x7;
	s11 =	sshll.u32 s11, $0x4  }
0x19: {  	s9 =	sadd.s32 s9, s16;
	s21 =	sadd.s32 s15, s3;
	[dreg:$0xb] =	wrdreg s18  }
0x1a: {  	s18 =	smul.u32 $0xA00, s14;
	[dreg:$0xc] =	wrdreg s21;
	s24 =	sadd.s32 s17, s2  }
.Ltmp0:
0x1b: {  	s16 =	sadd.s32 s11, s3;
	s21 =	sadd.s32 $0xFFFFFFFE, s6;
	(pc) =	sbr.rel .LBB2_1-.Ltmp0, $4  }
0x1c: {  	[dreg:$0xd] =	wrdreg s24;
	s24 =	sadd.s32 s26, s9;
	s26 =	simm.s32 $0x4  }
0x1d: {  	s17 =	sadd.s32 s1, s18;
	s1 =	sadd.s32 s20, s1;
	s20 =	sadd.s32 s25, s5  }
0x1e: {  	s25 =	simm.s32 $0x14800;
	s5 =	simm.s32 $0x18800;
	s1 =	sadd.s32 s10, s1  }
0x1f: {  	v0 =	vimm.f32 $0.0e+00;
	v1 =	vimm.f32 $1.000000000e+00;
	s18 =	sadd.s32 $0x80, s17;
	s10 =	sadd.s32 $0x100, s1;
	s1 =	simm.s32 $0x2  }
.LBB2_9:
0x20: {  	s9 =	stileid.u32  }
0x21: {  	s9 =	sshll.u32 s9, $0x6  }
0x22: {  	[bflag:$0x0] =	sbarrier.arrive $0xFFFF;
	s11 =	sshrl.u32 s7, $0x3;
	s9 =	sor.u32 $0x1C04, s9  }
0x23: {  	[hbm:s20], [sflag:s9] =	dma.local [spmem:s11], $0x2800  }
0x24: {  	s4 =	sadd.s32 $0x1, s4;
	_ =	swait.ge [sflag:s26], $0x2800  }
0x25: {  	p0 =	sne.s32 s4, s22;
	[sflag:s26] =	ssyncset.done $0x0  }
.Ltmp1:
0x26: {  	s23 =	sshrl.u32 s8, $0x3;
	[sflag:s26] =	ssyncadd.s32 $0xFFFFD800;
	(pc) =	sbr.rel @!p0 .LBB2_10-.Ltmp1, $4  }
0x27: {  	[hbm:s24], [sflag:s9] =	dma.local [spmem:s23], $0x500  }
0x28: {  	_ =	swait.ge [sflag:s26], $0x500  }
0x29: {  	[sflag:s26] =	ssyncset.done $0x0  }
0x2a: {  	[sflag:s26] =	ssyncadd.s32 $0xFFFFFB00  }
.LBB2_1:
0x2b: {  	s9 =	simm.s32 $0x14840  }
0x2c: {  	[tilespmem:s9+$0xFFFFFFD0] =	vst v0  }
0x2d: {  	[tilespmem:s9+$0xFFFFFFE0] =	vst v0  }
0x2e: {  	[tilespmem:s9+$0xFFFFFFF0] =	vst v0  }
0x2f: {  	[tilespmem:s9+$0x0] =	vst v0  }
0x30: {  	[tilespmem:s9+$0x10] =	vst v0  }
0x31: {  	[tilespmem:s9+$0x20] =	vst v0  }
0x32: {  	[tilespmem:s9+$0x30] =	vst v0  }
0x33: {  	s11 =	simm.s32 $0x0;
	s23 =	simm.s32 $0x40;
	[tilespmem:s9+$0xFFFFFFC0] =	vst v0  }
.LBB2_2:
0x34: {  	p0 =	sne.s32 s23, $0x1FC0;
	[tilespmem:s11+$0x1F000] =	vst v0;
	s9 =	sadd.s32 $0x80, s9  }
0x35: {  	[tilespmem:s9+$0xFFFFFFD0] =	vst v0  }
0x36: {  	[tilespmem:s9+$0xFFFFFFE0] =	vst v0  }
0x37: {  	[tilespmem:s9+$0xFFFFFFF0] =	vst v0  }
.Ltmp2:
0x38: {  	[tilespmem:s9+$0x0] =	vst v0;
	(pc) =	sbr.rel @p0 .LBB2_2-.Ltmp2, $4  }
0x39: {  	[tilespmem:s9+$0x10] =	vst v0  }
0x3a: {  	[tilespmem:s9+$0x20] =	vst v0  }
0x3b: {  	[tilespmem:s9+$0x30] =	vst v0  }
0x3c: {  	s11 =	sshra.s32 s23, $0x2;
	s23 =	sadd.s32 $0x40, s23;
	[tilespmem:s9+$0xFFFFFFC0] =	vst v0  }
0x3d: {  	[tilespmem:s11+$0x1F000] =	vst v0  }
0x3e: {  	[spmem:s7] =	stream.linear.scatter [tilespmem:s25], [sflag:$0x4], $0x4000, $0x38;
	[tilespmem:$0x1F800] =	vst v63  }
0x3f: {  	_ =	swait.ge [sflag:s26], $0x4000  }
0x40: {  	[sflag:s26] =	ssyncset.done $0x0  }
0x41: {  	[sflag:s26] =	ssyncadd.s32 $0xFFFFC000  }
0x42: {  	[spmem:s8] =	stream.linear.scatter [tilespmem:s28], [sflag:$0x4], $0x800, $0x38;
	[tilespmem:$0x1F800] =	vst v63  }
0x43: {  	_ =	swait.ge [sflag:s26], $0x800  }
0x44: {  	[sflag:s26] =	ssyncset.done $0x0  }
0x45: {  	s9 =	rddreg [dreg:$0x7];
	[sflag:s26] =	ssyncadd.s32 $0xFFFFF800  }
0x46: {  	[spmem:s9] =	stream.linear.scatter [tilespmem:s25], [sflag:$0x4], $0x4000, $0x38;
	[tilespmem:$0x1F800] =	vst v63  }
0x47: {  	_ =	swait.ge [sflag:s26], $0x4000  }
0x48: {  	[sflag:s26] =	ssyncset.done $0x0  }
0x49: {  	s11 =	rddreg [dreg:$0x8];
	[sflag:s26] =	ssyncadd.s32 $0xFFFFC000  }
0x4a: {  	[spmem:s11] =	stream.linear.scatter [tilespmem:s28], [sflag:$0x4], $0x800, $0x38;
	[tilespmem:$0x1F800] =	vst v63  }
0x4b: {  	_ =	swait.ge [sflag:s26], $0x800  }
0x4c: {  	[sflag:s26] =	ssyncset.done $0x0  }
0x4d: {  	s12 =	rddreg [dreg:$0x9];
	[sflag:s26] =	ssyncadd.s32 $0xFFFFF800  }
0x4e: {  	[spmem:s12] =	stream.linear.scatter [tilespmem:s25], [sflag:$0x4], $0x4000, $0x38;
	[tilespmem:$0x1F800] =	vst v63  }
0x4f: {  	_ =	swait.ge [sflag:s26], $0x4000  }
0x50: {  	[sflag:s26] =	ssyncset.done $0x0  }
0x51: {  	s13 =	rddreg [dreg:$0xa];
	[sflag:s26] =	ssyncadd.s32 $0xFFFFC000  }
0x52: {  	[spmem:s13] =	stream.linear.scatter [tilespmem:s28], [sflag:$0x4], $0x800, $0x38;
	[tilespmem:$0x1F800] =	vst v63  }
0x53: {  	_ =	swait.ge [sflag:s26], $0x800  }
0x54: {  	[sflag:s26] =	ssyncset.done $0x0  }
0x55: {  	s14 =	rddreg [dreg:$0xb];
	[sflag:s26] =	ssyncadd.s32 $0xFFFFF800  }
0x56: {  	[spmem:s14] =	stream.linear.scatter [tilespmem:s25], [sflag:$0x4], $0x4000, $0x38;
	[tilespmem:$0x1F800] =	vst v63  }
0x57: {  	_ =	swait.ge [sflag:s26], $0x4000  }
0x58: {  	[sflag:s26] =	ssyncset.done $0x0  }
0x59: {  	s15 =	rddreg [dreg:$0xc];
	[sflag:s26] =	ssyncadd.s32 $0xFFFFC000  }
0x5a: {  	[spmem:s15] =	stream.linear.scatter [tilespmem:s28], [sflag:$0x4], $0x800, $0x38;
	[tilespmem:$0x1F800] =	vst v63  }
0x5b: {  	_ =	swait.ge [sflag:s26], $0x800  }
0x5c: {  	[sflag:s26] =	ssyncset.done $0x0  }
0x5d: {  	s23 =	rddreg [dreg:$0xd];
	[sflag:s26] =	ssyncadd.s32 $0xFFFFF800  }
0x5e: {  	[spmem:s23] =	stream.linear.scatter [tilespmem:s25], [sflag:$0x4], $0x4000, $0x38;
	[tilespmem:$0x1F800] =	vst v63  }
0x5f: {  	_ =	swait.ge [sflag:s26], $0x4000  }
0x60: {  	[sflag:s26] =	ssyncset.done $0x0  }
0x61: {  	[sflag:s26] =	ssyncadd.s32 $0xFFFFC000  }
0x62: {  	[spmem:s16] =	stream.linear.scatter [tilespmem:s28], [sflag:$0x4], $0x800, $0x38;
	[tilespmem:$0x1F800] =	vst v63  }
0x63: {  	_ =	swait.ge [sflag:s26], $0x800  }
0x64: {  	[sflag:s26] =	ssyncset.done $0x0  }
0x65: {  	s9 =	simm.s32 $0x40;
	s11 =	simm.s32 $0x0;
	[sflag:s26] =	ssyncadd.s32 $0xFFFFF800  }
.LBB2_4:
0x66: {  	p0 =	sne.s32 s9, $0x1FC0;
	[tilespmem:s11+$0x1F000] =	vst v1;
	s11 =	smov.u32 s9;
	s9 =	sadd.s32 $0x40, s9  }
.Ltmp3:
0x67: {  	(pc) =	sbr.rel @p0 .LBB2_4-.Ltmp3, $2  }
0x68: {  	_ =	sdelay $0x2  }
0x69: {  	s11 =	sshra.s32 s11, $0x2  }
0x6a: {  	[tilespmem:s11+$0x1F000] =	vst v1;
	s9 =	simm.s32 $0x0  }
0x6b: {  	[tilespmem:s29], [sflag:$0x4] =	stream.linear.gather [hbm4b:s17+s9], $0x400, $0x38;
	[tilespmem:$0x1F800] =	vst v63  }
0x6c: {  	_ =	swait.ge [sflag:s26], $0x400  }
0x6d: {  	[sflag:s26] =	ssyncset.done $0x0  }
0x6e: {  	s15 =	simm.s32 $0x14400;
	[sflag:s26] =	ssyncadd.s32 $0xFFFFFC00  }
0x6f: {  	[tilespmem:s15], [sflag:$0x3] =	stream.linear.gather [hbm4b:s18+s9], $0x400, $0x38;
	[tilespmem:$0x1F800] =	vst v63  }
.Ltmp4:
0x70: {  	[bflag:$0x0] =	sbarrier.arrive $0xFFFF;
	(pc) =	sbr.rel .LBB2_6-.Ltmp4, $4  }
0x71: {  	[tilespmem:s25], [sflag:$0x1] =	stream.indirect.gather [hbm4b:s0+s31], $0x80, s29, s31, $0xb8;
	[tilespmem:$0x1F800] =	vst v63  }
0x72: {  	s23 =	simm.s32 $0x14100  }
0x73: {  	[tilespmem:s5], [sflag:$0x2] =	stream.indirect.gather [hbm4b:s0+s31], $0x80, s23, s31, $0xb8;
	[tilespmem:$0x1F800] =	vst v63  }
0x74: {  	s23 =	smov.u32 s10  }
.LBB2_8:
0x75: {  	s9 =	sadd.s32 $0x1, s9  }
0x76: {  	p0 =	sne.s32 s9, $0x14  }
.Ltmp5:
0x77: {  	_ = 	snop;
	(pc) =	sbr.rel @!p0 .LBB2_9-.Ltmp5, $2  }
0x78: {  	_ =	sdelay $0x2  }
0x79: {  	s23 =	sadd.s32 $0x80, s23  }
.LBB2_6:
0x7a: {  	p0 =	sge.u32 s9, s6  }
.Ltmp6:
0x7b: {  	_ = 	snop;
	(pc) =	sbr.rel @p0 .LBB2_8-.Ltmp6, $1  }
0x7c: {  	_ =	sdelay $0x3  }
0x7d: {  	p0 =	sge.u32 s9, s19  }
0x7e: {  	s11 =	simm.s32 @!p0 $0x3  }
0x7f: {  	_ =	swait.ge @!p0 [sflag:s11], $0x400  }
0x80: {  	[sflag:s11] =	ssyncset.done @!p0 $0x0  }
0x81: {  	[sflag:s11] =	ssyncadd.s32 @!p0 $0xFFFFFC00  }
0x82: {  	s11 =	sand.u32 $0x1, s9;
	_ =	swait.ge [sflag:s30], $0x4000  }
0x83: {  	s12 =	sshll.u32 s11, $0xA;
	[sflag:s30] =	ssyncset.done $0x0  }
0x84: {  	s13 =	sor.u32 $0x14080, s12;
	[sflag:s30] =	ssyncadd.s32 $0xFFFFC000  }
0x85: {  	[spmem:s2] =	stream.indirect.scatter.add.f32 [tilespmem:s25], [sflag:$0x4], $0x80, s13, s31, $0xb8;
	[tilespmem:$0x1F800] =	vst v63  }
0x86: {  	_ =	swait.ge [sflag:s26], $0x4000  }
0x87: {  	[sflag:s26] =	ssyncset.done $0x0  }
0x88: {  	[sflag:s26] =	ssyncadd.s32 $0xFFFFC000  }
0x89: {  	[spmem:s3] =	stream.indirect.scatter.add.f32 [tilespmem:s28], [sflag:$0x4], $0x10, s13, s31, $0xb8;
	[tilespmem:$0x1F800] =	vst v63  }
0x8a: {  	_ =	swait.ge [sflag:s26], $0x800  }
0x8b: {  	[sflag:s26] =	ssyncset.done $0x0  }
0x8c: {  	s15 =	sor.u32 $0x14200, s12;
	[sflag:s26] =	ssyncadd.s32 $0xFFFFF800  }
0x8d: {  	[tilespmem:s25], [sflag:$0x1] =	stream.indirect.gather [hbm4b:s0+s31], $0x80, s15, s31, $0xb8;
	[tilespmem:$0x1F800] =	vst v63  }
0x8e: {  	_ =	swait.ge [sflag:s1], $0x4000  }
0x8f: {  	[sflag:s1] =	ssyncset.done $0x0  }
0x90: {  	s14 =	sor.u32 $0x14180, s12;
	[sflag:s1] =	ssyncadd.s32 $0xFFFFC000  }
0x91: {  	[spmem:s2] =	stream.indirect.scatter.add.f32 [tilespmem:s5], [sflag:$0x4], $0x80, s14, s31, $0xb8;
	[tilespmem:$0x1F800] =	vst v63  }
0x92: {  	_ =	swait.ge [sflag:s26], $0x4000  }
0x93: {  	[sflag:s26] =	ssyncset.done $0x0  }
0x94: {  	[sflag:s26] =	ssyncadd.s32 $0xFFFFC000  }
0x95: {  	[spmem:s3] =	stream.indirect.scatter.add.f32 [tilespmem:s28], [sflag:$0x4], $0x10, s14, s31, $0xb8;
	[tilespmem:$0x1F800] =	vst v63  }
0x96: {  	_ =	swait.ge [sflag:s26], $0x800  }
0x97: {  	[sflag:s26] =	ssyncset.done $0x0  }
0x98: {  	s15 =	sor.u32 $0x14300, s12;
	[sflag:s26] =	ssyncadd.s32 $0xFFFFF800  }
0x99: {  	[tilespmem:s5], [sflag:$0x2] =	stream.indirect.gather [hbm4b:s0+s31], $0x80, s15, s31, $0xb8;
	[tilespmem:$0x1F800] =	vst v63  }
0x9a: {  	_ =	swait.ge [sflag:s30], $0x4000  }
0x9b: {  	[sflag:s30] =	ssyncset.done $0x0  }
0x9c: {  	s14 =	sor.u32 $0x14280, s12;
	[sflag:s30] =	ssyncadd.s32 $0xFFFFC000  }
0x9d: {  	[spmem:s2] =	stream.indirect.scatter.add.f32 [tilespmem:s25], [sflag:$0x4], $0x80, s14, s31, $0xb8;
	[tilespmem:$0x1F800] =	vst v63  }
0x9e: {  	_ =	swait.ge [sflag:s26], $0x4000  }
0x9f: {  	[sflag:s26] =	ssyncset.done $0x0  }
0xa0: {  	s11 =	sxor.u32 $0x1, s11;
	[sflag:s26] =	ssyncadd.s32 $0xFFFFC000  }
0xa1: {  	[spmem:s3] =	stream.indirect.scatter.add.f32 [tilespmem:s28], [sflag:$0x4], $0x10, s14, s31, $0xb8;
	[tilespmem:$0x1F800] =	vst v63  }
0xa2: {  	s11 =	sshll.u32 @!p0 s11, $0xA;
	_ =	swait.ge [sflag:s26], $0x800  }
0xa3: {  	s13 =	sor.u32 @!p0 $0x14000, s11;
	[sflag:s26] =	ssyncset.done $0x0  }
0xa4: {  	s15 =	simm.s32 @!p0 $0x14800;
	s14 =	simm.s32 @!p0 $0x80;
	[sflag:s26] =	ssyncadd.s32 $0xFFFFF800  }
0xa5: {  	[tilespmem:s15], [sflag:$0x1] =	stream.indirect.gather @!p0 [hbm4b:s0+s14], $0x80, s13, s14, $0xb8;
	[tilespmem:$0x1F800] =	vst v63  }
0xa6: {  	_ =	swait.ge [sflag:s1], $0x4000  }
0xa7: {  	[sflag:s1] =	ssyncset.done $0x0  }
0xa8: {  	s15 =	sadd.s32 $0x14380, s12;
	[sflag:s1] =	ssyncadd.s32 $0xFFFFC000  }
0xa9: {  	[spmem:s2] =	stream.indirect.scatter.add.f32 [tilespmem:s5], [sflag:$0x4], $0x80, s15, s31, $0xb8;
	[tilespmem:$0x1F800] =	vst v63  }
0xaa: {  	_ =	swait.ge [sflag:s26], $0x4000  }
0xab: {  	[sflag:s26] =	ssyncset.done $0x0  }
0xac: {  	[sflag:s26] =	ssyncadd.s32 $0xFFFFC000  }
0xad: {  	[spmem:s3] =	stream.indirect.scatter.add.f32 [tilespmem:s28], [sflag:$0x4], $0x10, s15, s31, $0xb8;
	[tilespmem:$0x1F800] =	vst v63  }
0xae: {  	_ =	swait.ge [sflag:s26], $0x800  }
0xaf: {  	s11 =	sor.u32 @!p0 $0x14100, s11;
	[sflag:s26] =	ssyncset.done $0x0  }
.Ltmp7:
0xb0: {  	s13 =	simm.s32 @!p0 $0x18800;
	[sflag:s26] =	ssyncadd.s32 $0xFFFFF800;
	(pc) =	sbr.rel .LBB2_8-.Ltmp7, $4  }
0xb1: {  	[tilespmem:s13], [sflag:$0x2] =	stream.indirect.gather @!p0 [hbm4b:s0+s14], $0x80, s11, s14, $0xb8;
	[tilespmem:$0x1F800] =	vst v63  }
0xb2: {  	p0 =	sge.u32 s9, s21  }
0xb3: {  	s11 =	sor.u32 $0x14000, s12;
	s12 =	simm.s32 @!p0 $0x0  }
0xb4: {  	[tilespmem:s11], [sflag:$0x3] =	stream.linear.gather @!p0 [hbm4b:s23+s12], $0x400, $0x38;
	[tilespmem:$0x1F800] =	vst v63  }
.LBB2_10:
0xb5: {  	_ =	sfence.sel $0x180000  }
0xb6: {  	[bflag:$0x0] =	sbarrier.arrive $0xFFFF  }
0xb7: {  	_ =	strace $0x90000047  }
0xb8: {  	s0 =	stileid.u32;
	[bflag:$0x2] =	sbarrier.arrive $0xFFFF  }
0xb9: {  	p0 =	sne.s32 s0, $0x0;
	s0 =	rddreg [dreg:$0x6]  }
0xba: {  	s0 =	sadd.s32 @!p0 $0x100000, s0  }
0xbb: {  	[sflag:s0] =	ssyncadd.tile.s32 @!p0 $0x1;
	_ =	shalt  }
.Lfunc_end2:
_tile_overlayer_lowered:
.L_overlay_start_2:
0xbc: {  	(tag) =	ssettag $0x2  }
0xbd: {  	s0 =	rddreg [dreg:$0x0];
	s2 =	stileid.u32  }
0xbe: {  	s1 =	rddreg [dreg:$0x1];
	p0 =	sne.s32 s2, $0x0  }
0xbf: {  	s3 =	rddreg [dreg:$0x2];
	[bflag:$0x3] =	sbarrier.arrive $0xFFFF;
	s2 =	simm.s32 @!p0 $0x1C04  }
0xc0: {  	[timem:s3], [sflag:s2] =	dma.local @!p0 [hbm:s0], s1  }
0xc1: {  	s0 =	simm.s32 @!p0 $0x4  }
0xc2: {  	_ =	swait.ge @!p0 [sflag:s0], s1  }
0xc3: {  	s1 =	ssub.s32 @!p0 $0x0, s1;
	[sflag:s0] =	ssyncset.done @!p0 $0x0  }
0xc4: {  	[sflag:s0] =	ssyncadd.s32 @!p0 s1  }
0xc5: {  	[bflag:$0x3] =	sbarrier.arrive $0xFFFF  }
0xc6: {  	_ =	shalt  }

</sc_bundles>
